<compile_context>
chip_gen: v7x
topology: tpu7x:2x2x1
jax: 0.10.2.dev20260603
libtpu: 0.0.44.dev20260713+nightly
codegen_flags: <defaults>
</compile_context>

<pallas_src>
import jax
import jax.numpy as jnp
from jax import lax
from jax.experimental import pallas as pl
from jax.experimental.pallas import tpu as pltpu
from jax.experimental.pallas import tpu_sc as plsc

V = 100000
D = 100
DP = 128
GW = 200
NC, NS = 2, 16
NW = NC * NS
XR = 4096
NG = XR // NW
REPACK_COLS = (0, 16, 32, 48, 64, 80, 84)
PC = 1024


def _pad_body(wt_ref, o_ref):
    o_ref[:, :D] = wt_ref[...].T
    o_ref[:, D:] = jnp.zeros((PC, DP - D), jnp.float32)


def _pad_table(wt):
    return pl.pallas_call(
        _pad_body,
        grid=((V + PC - 1) // PC,),
        in_specs=[pl.BlockSpec((D, PC), lambda i: (0, i))],
        out_specs=pl.BlockSpec((PC, DP), lambda i: (i, 0)),
        out_shape=jax.ShapeDtypeStruct((V, DP), jnp.float32),
    )(wt)


def _emb_body(idx_hbm, tab_hbm, out_hbm, idx_v, rows_v, packed_v,
              isem, gsem, ssem):
    wid = lax.axis_index("s") * NC + lax.axis_index("c")
    row0 = wid * NG

    def idx_row(g):
        return jnp.minimum(row0 + g, XR - 1)

    def fire_idx(g, b):
        pltpu.async_copy(
            idx_hbm.at[pl.ds(idx_row(g), 1)], idx_v.at[pl.ds(b, 1)], isem)

    def wait_idx(g, b):
        pltpu.make_async_copy(
            idx_hbm.at[pl.ds(idx_row(g), 1)], idx_v.at[pl.ds(b, 1)],
            isem).wait()

    def fire_gather(b):
        pltpu.async_copy(tab_hbm.at[idx_v.at[b, pl.ds(0, 128)]],
                         rows_v.at[b, pl.ds(0, 128)], gsem)
        pltpu.async_copy(tab_hbm.at[idx_v.at[b, pl.ds(128, GW - 128)]],
                         rows_v.at[b, pl.ds(128, GW - 128)], gsem)

    def wait_gather(b):
        pltpu.make_async_copy(
            tab_hbm.at[idx_v.at[b, pl.ds(0, 128)]],
            rows_v.at[b, pl.ds(0, 128)], gsem).wait()
        pltpu.make_async_copy(
            tab_hbm.at[idx_v.at[b, pl.ds(128, GW - 128)]],
            rows_v.at[b, pl.ds(128, GW - 128)], gsem).wait()

    def fire_store(g, b):
        pltpu.async_copy(
            packed_v.at[b], out_hbm.at[pl.ds((row0 + g) * GW, GW)], ssem)

    def wait_store(g, b):
        pltpu.make_async_copy(
            packed_v.at[b], out_hbm.at[pl.ds((row0 + g) * GW, GW)],
            ssem).wait()

    def repack(b):
        def body(r, carry):
            for u in range(4):
                for c in REPACK_COLS:
                    packed_v[b, 4 * r + u, pl.ds(c, 16)] = \
                        rows_v[b, 4 * r + u, pl.ds(c, 16)]
            return carry
        lax.fori_loop(0, GW // 4, body, 0)

    def step(g, b, drain_store):
        wait_gather(b)
        if drain_store:
            wait_store(g, b)
        repack(b)
        fire_store(g, b)
        wait_idx(g + 1, 1 - b)
        fire_gather(1 - b)
        fire_idx(g + 2, b)

    fire_idx(0, 0)
    wait_idx(0, 0)
    fire_gather(0)
    fire_idx(1, 1)
    step(0, 0, False)
    step(1, 1, False)

    def body(h, carry):
        step(2 * h, 0, True)
        step(2 * h + 1, 1, True)
        return carry

    lax.fori_loop(1, NG // 2, body, 0)

    wait_gather(0)
    wait_idx(NG + 1, 0)
    wait_store(NG - 2, 0)
    wait_store(NG - 1, 1)


@jax.jit
def kernel(x, weight):
    idx = x.astype(jnp.int32)
    wpad = _pad_table(weight.T)
    mesh = plsc.VectorSubcoreMesh(core_axis_name="c", subcore_axis_name="s")
    out = pl.kernel(
        _emb_body,
        mesh=mesh,
        out_type=jax.ShapeDtypeStruct((XR * GW, D), jnp.float32),
        scratch_types=[
            pltpu.VMEM((2, GW), jnp.int32),
            pltpu.VMEM((2, GW, DP), jnp.float32),
            pltpu.VMEM((2, GW, D), jnp.float32),
            pltpu.SemaphoreType.DMA,
            pltpu.SemaphoreType.DMA,
            pltpu.SemaphoreType.DMA,
        ],
    )(idx, wpad)
    return out.reshape(XR, GW, D)

# --- scband reference (transcript-rebuilt; emitter-appended) ---
"""Pipeline reference for scband-glove-gensim-embedding-23201413333361 (READ-ONLY COPY).

The authoritative reference and input builder live on the scoring server;
editing this copy changes nothing except your own understanding.
"""

import jax, jax.numpy as jnp
import numpy as np

VOCAB = 100000
DIM = 100

def setup_inputs(seed: int = 0) -> dict:
    key = jax.random.key(seed)
    k_idx, k_w = jax.random.split(key)
    x = jax.random.randint(k_idx, (4096, 200), 0, VOCAB, dtype=jnp.int64)
    # Emulate make_embeddings_matrix with init_type='random': row-wise L2-normalized
    # random gaussian matrix (pretrained rows would overwrite some entries; math identical).
    w = jax.random.normal(k_w, (VOCAB, DIM), dtype=jnp.float32)
    w = w / jnp.linalg.norm(w, ord=2, axis=1, keepdims=True)
    return {"x": x, "weight": w}

def reference(x, weight):
    # nn.Embedding forward: gather rows of the table
    embeds = jnp.take(weight, x, axis=0)
    return embeds

if __name__ == "__main__":
    import jax
    _d = setup_inputs()
    print(jax.jit(kernel)(*tuple(_d.values())))

</pallas_src>

<mosaic_0001>
#map = affine_map<(d0, d1) -> (0, 0)>
module attributes {stable_mosaic.version = 14 : i64} {
  func.func @_emb_body(%arg0: i32, %arg1: i32, %arg2: memref<4096x200xi32, #tpu.memory_space<hbm>>, %arg3: memref<100000x128xf32, #tpu.memory_space<hbm>>, %arg4: memref<819200x100xf32, #tpu.memory_space<hbm>>, %arg5: memref<2x200xi32, #tpu.memory_space<vmem>>, %arg6: memref<2x200x128xf32, #tpu.memory_space<vmem>>, %arg7: memref<2x200x100xf32, #tpu.memory_space<vmem>>, %arg8: memref<!tpu.dma_semaphore, #tpu.memory_space<semaphore_mem>>, %arg9: memref<!tpu.dma_semaphore, #tpu.memory_space<semaphore_mem>>, %arg10: memref<!tpu.dma_semaphore, #tpu.memory_space<semaphore_mem>>) attributes {dimension_semantics = [#tpu.dimension_semantics<core_parallel>, #tpu.dimension_semantics<subcore_parallel>], iteration_bounds = array<i64: 2, 16>, scalar_prefetch = 0 : i64, scratch_operands = 6 : i64, tpu.core_type = #tpu.core_type<sc_vector_subcore>, window_params = [{transform_indices = #map}, {transform_indices = #map}, {transform_indices = #map}]} {
    %mul3A = arith.constant 2 : i32
    %mul3A_0 = arith.muli %arg1, %mul3A : i32
    %add3A = arith.addi %mul3A_0, %arg0 : i32
    %mul3A_1 = arith.constant 128 : i32
    %mul3A_2 = arith.muli %add3A, %mul3A_1 : i32
    %add3A_3 = arith.constant 0 : i32
    %add3A_4 = arith.addi %mul3A_2, %add3A_3 : i32
    %min3A = arith.constant 4095 : i32
    %min3A_5 = arith.minsi %add3A_4, %min3A : i32
    %dma_start3A = arith.constant 0 : i32
    %dma_start3A_6 = arith.constant 0 : i32
    %dma_start3A_7 = tpu.memref_slice %arg5[%dma_start3A, %dma_start3A_6] : memref<2x200xi32, #tpu.memory_space<vmem>> -> memref<1x200xi32, #tpu.memory_space<vmem>>
    %dma_start3A_8 = arith.constant 0 : i32
    %dma_start3A_9 = tpu.memref_slice %arg2[%min3A_5, %dma_start3A_8] : memref<4096x200xi32, #tpu.memory_space<hbm>> -> memref<1x200xi32, #tpu.memory_space<hbm>>
    %dma_start3A_10 = arith.constant 0 : i32
    %dma_start3A_11 = arith.constant 0 : i32
    %dma_start3A_12 = tpu.memref_slice %arg5[%dma_start3A_10, %dma_start3A_11] : memref<2x200xi32, #tpu.memory_space<vmem>> -> memref<1x200xi32, #tpu.memory_space<vmem>>
    %dma_start3A_13 = arith.constant 0 : i32
    %dma_start3A_14 = tpu.memref_slice %arg2[%min3A_5, %dma_start3A_13] : memref<4096x200xi32, #tpu.memory_space<hbm>> -> memref<1x200xi32, #tpu.memory_space<hbm>>
    tpu.enqueue_dma source(%dma_start3A_14 : memref<1x200xi32, #tpu.memory_space<hbm>>) target(%dma_start3A_12 : memref<1x200xi32, #tpu.memory_space<vmem>>) target_semaphore(%arg8 : memref<!tpu.dma_semaphore, #tpu.memory_space<semaphore_mem>>)
    %add3A_15 = arith.constant 0 : i32
    %add3A_16 = arith.addi %mul3A_2, %add3A_15 : i32
    %min3A_17 = arith.constant 4095 : i32
    %min3A_18 = arith.minsi %add3A_16, %min3A_17 : i32
    %dma_wait3A = arith.constant 0 : i32
    %dma_wait3A_19 = arith.constant 0 : i32
    %dma_wait3A_20 = tpu.memref_slice %arg5[%dma_wait3A, %dma_wait3A_19] : memref<2x200xi32, #tpu.memory_space<vmem>> -> memref<1x200xi32, #tpu.memory_space<vmem>>
    %dma_wait3A_21 = arith.constant 0 : i32
    %dma_wait3A_22 = tpu.memref_slice %arg2[%min3A_18, %dma_wait3A_21] : memref<4096x200xi32, #tpu.memory_space<hbm>> -> memref<1x200xi32, #tpu.memory_space<hbm>>
    %dma_wait3A_23 = arith.constant 0 : i32
    %dma_wait3A_24 = arith.constant 0 : i32
    %dma_wait3A_25 = tpu.memref_slice %arg5[%dma_wait3A_23, %dma_wait3A_24] : memref<2x200xi32, #tpu.memory_space<vmem>> -> memref<1x200xi32, #tpu.memory_space<vmem>>
    %dma_wait3A_26 = arith.constant 0 : i32
    %dma_wait3A_27 = tpu.memref_slice %arg2[%min3A_18, %dma_wait3A_26] : memref<4096x200xi32, #tpu.memory_space<hbm>> -> memref<1x200xi32, #tpu.memory_space<hbm>>
    tpu.wait_dma2 semaphore(%arg8 : memref<!tpu.dma_semaphore, #tpu.memory_space<semaphore_mem>>) src(%dma_wait3A_27 : memref<1x200xi32, #tpu.memory_space<hbm>>) dst(%dma_wait3A_25 : memref<1x200xi32, #tpu.memory_space<vmem>>)
    %dma_start3A_28 = arith.constant 0 : i32
    %dma_start3A_29 = arith.constant 0 : i32
    %dma_start3A_30 = arith.constant 0 : i32
    %dma_start3A_31 = arith.constant 0 : i32
    %dma_start3A_32 = tpu.memref_slice %arg6[%dma_start3A_29, %dma_start3A_30, %dma_start3A_31] : memref<2x200x128xf32, #tpu.memory_space<vmem>> -> memref<1x128x128xf32, #tpu.memory_space<vmem>>
    %dma_start3A_33 = tpu.memref_squeeze %dma_start3A_32 : memref<1x128x128xf32, #tpu.memory_space<vmem>> -> memref<128x128xf32, #tpu.memory_space<vmem>>
    %dma_start3A_34 = arith.constant 0 : i32
    %dma_start3A_35 = tpu.memref_slice %arg5[%dma_start3A_28, %dma_start3A_34] : memref<2x200xi32, #tpu.memory_space<vmem>> -> memref<1x128xi32, #tpu.memory_space<vmem>>
    %dma_start3A_36 = tpu.memref_squeeze %dma_start3A_35 : memref<1x128xi32, #tpu.memory_space<vmem>> -> memref<128xi32, #tpu.memory_space<vmem>>
    %dma_start3A_37 = arith.constant 0 : i32
    %dma_start3A_38 = arith.constant 0 : i32
    %dma_start3A_39 = tpu.memref_slice %arg3[%dma_start3A_37, %dma_start3A_38] : memref<100000x128xf32, #tpu.memory_space<hbm>> -> memref<100000x128xf32, #tpu.memory_space<hbm>>
    tpu.enqueue_indirect_dma source(%dma_start3A_39 : memref<100000x128xf32, #tpu.memory_space<hbm>>) target(%dma_start3A_33 : memref<128x128xf32, #tpu.memory_space<vmem>>) offsets(%dma_start3A_36 : memref<128xi32, #tpu.memory_space<vmem>>) semaphore(%arg9 : memref<!tpu.dma_semaphore, #tpu.memory_space<semaphore_mem>>)
    %dma_start3A_40 = arith.constant 0 : i32
    %dma_start3A_41 = arith.constant 0 : i32
    %dma_start3A_42 = arith.constant 128 : i32
    %dma_start3A_43 = arith.constant 0 : i32
    %dma_start3A_44 = tpu.memref_slice %arg6[%dma_start3A_41, %dma_start3A_42, %dma_start3A_43] : memref<2x200x128xf32, #tpu.memory_space<vmem>> -> memref<1x72x128xf32, #tpu.memory_space<vmem>>
    %dma_start3A_45 = tpu.memref_squeeze %dma_start3A_44 : memref<1x72x128xf32, #tpu.memory_space<vmem>> -> memref<72x128xf32, #tpu.memory_space<vmem>>
    %dma_start3A_46 = arith.constant 128 : i32
    %dma_start3A_47 = tpu.memref_slice %arg5[%dma_start3A_40, %dma_start3A_46] : memref<2x200xi32, #tpu.memory_space<vmem>> -> memref<1x72xi32, #tpu.memory_space<vmem>>
    %dma_start3A_48 = tpu.memref_squeeze %dma_start3A_47 : memref<1x72xi32, #tpu.memory_space<vmem>> -> memref<72xi32, #tpu.memory_space<vmem>>
    %dma_start3A_49 = arith.constant 0 : i32
    %dma_start3A_50 = arith.constant 0 : i32
    %dma_start3A_51 = tpu.memref_slice %arg3[%dma_start3A_49, %dma_start3A_50] : memref<100000x128xf32, #tpu.memory_space<hbm>> -> memref<100000x128xf32, #tpu.memory_space<hbm>>
    tpu.enqueue_indirect_dma source(%dma_start3A_51 : memref<100000x128xf32, #tpu.memory_space<hbm>>) target(%dma_start3A_45 : memref<72x128xf32, #tpu.memory_space<vmem>>) offsets(%dma_start3A_48 : memref<72xi32, #tpu.memory_space<vmem>>) semaphore(%arg9 : memref<!tpu.dma_semaphore, #tpu.memory_space<semaphore_mem>>)
    %add3A_52 = arith.constant 1 : i32
    %add3A_53 = arith.addi %mul3A_2, %add3A_52 : i32
    %min3A_54 = arith.constant 4095 : i32
    %min3A_55 = arith.minsi %add3A_53, %min3A_54 : i32
    %dma_start3A_56 = arith.constant 1 : i32
    %dma_start3A_57 = arith.constant 0 : i32
    %dma_start3A_58 = tpu.memref_slice %arg5[%dma_start3A_56, %dma_start3A_57] : memref<2x200xi32, #tpu.memory_space<vmem>> -> memref<1x200xi32, #tpu.memory_space<vmem>>
    %dma_start3A_59 = arith.constant 0 : i32
    %dma_start3A_60 = tpu.memref_slice %arg2[%min3A_55, %dma_start3A_59] : memref<4096x200xi32, #tpu.memory_space<hbm>> -> memref<1x200xi32, #tpu.memory_space<hbm>>
    %dma_start3A_61 = arith.constant 1 : i32
    %dma_start3A_62 = arith.constant 0 : i32
    %dma_start3A_63 = tpu.memref_slice %arg5[%dma_start3A_61, %dma_start3A_62] : memref<2x200xi32, #tpu.memory_space<vmem>> -> memref<1x200xi32, #tpu.memory_space<vmem>>
    %dma_start3A_64 = arith.constant 0 : i32
    %dma_start3A_65 = tpu.memref_slice %arg2[%min3A_55, %dma_start3A_64] : memref<4096x200xi32, #tpu.memory_space<hbm>> -> memref<1x200xi32, #tpu.memory_space<hbm>>
    tpu.enqueue_dma source(%dma_start3A_65 : memref<1x200xi32, #tpu.memory_space<hbm>>) target(%dma_start3A_63 : memref<1x200xi32, #tpu.memory_space<vmem>>) target_semaphore(%arg8 : memref<!tpu.dma_semaphore, #tpu.memory_space<semaphore_mem>>)
    %dma_wait3A_66 = arith.constant 0 : i32
    %dma_wait3A_67 = arith.constant 0 : i32
    %dma_wait3A_68 = arith.constant 0 : i32
    %dma_wait3A_69 = arith.constant 0 : i32
    %dma_wait3A_70 = tpu.memref_slice %arg6[%dma_wait3A_67, %dma_wait3A_68, %dma_wait3A_69] : memref<2x200x128xf32, #tpu.memory_space<vmem>> -> memref<1x128x128xf32, #tpu.memory_space<vmem>>
    %dma_wait3A_71 = tpu.memref_squeeze %dma_wait3A_70 : memref<1x128x128xf32, #tpu.memory_space<vmem>> -> memref<128x128xf32, #tpu.memory_space<vmem>>
    %dma_wait3A_72 = arith.constant 0 : i32
    %dma_wait3A_73 = tpu.memref_slice %arg5[%dma_wait3A_66, %dma_wait3A_72] : memref<2x200xi32, #tpu.memory_space<vmem>> -> memref<1x128xi32, #tpu.memory_space<vmem>>
    %dma_wait3A_74 = tpu.memref_squeeze %dma_wait3A_73 : memref<1x128xi32, #tpu.memory_space<vmem>> -> memref<128xi32, #tpu.memory_space<vmem>>
    %dma_wait3A_75 = arith.constant 0 : i32
    %dma_wait3A_76 = arith.constant 0 : i32
    %dma_wait3A_77 = tpu.memref_slice %arg3[%dma_wait3A_75, %dma_wait3A_76] : memref<100000x128xf32, #tpu.memory_space<hbm>> -> memref<100000x128xf32, #tpu.memory_space<hbm>>
    tpu.wait_indirect_dma semaphore(%arg9 : memref<!tpu.dma_semaphore, #tpu.memory_space<semaphore_mem>>) src(%dma_wait3A_77 : memref<100000x128xf32, #tpu.memory_space<hbm>>) dst(%dma_wait3A_71 : memref<128x128xf32, #tpu.memory_space<vmem>>)
    %dma_wait3A_78 = arith.constant 0 : i32
    %dma_wait3A_79 = arith.constant 0 : i32
    %dma_wait3A_80 = arith.constant 128 : i32
    %dma_wait3A_81 = arith.constant 0 : i32
    %dma_wait3A_82 = tpu.memref_slice %arg6[%dma_wait3A_79, %dma_wait3A_80, %dma_wait3A_81] : memref<2x200x128xf32, #tpu.memory_space<vmem>> -> memref<1x72x128xf32, #tpu.memory_space<vmem>>
    %dma_wait3A_83 = tpu.memref_squeeze %dma_wait3A_82 : memref<1x72x128xf32, #tpu.memory_space<vmem>> -> memref<72x128xf32, #tpu.memory_space<vmem>>
    %dma_wait3A_84 = arith.constant 128 : i32
    %dma_wait3A_85 = tpu.memref_slice %arg5[%dma_wait3A_78, %dma_wait3A_84] : memref<2x200xi32, #tpu.memory_space<vmem>> -> memref<1x72xi32, #tpu.memory_space<vmem>>
    %dma_wait3A_86 = tpu.memref_squeeze %dma_wait3A_85 : memref<1x72xi32, #tpu.memory_space<vmem>> -> memref<72xi32, #tpu.memory_space<vmem>>
    %dma_wait3A_87 = arith.constant 0 : i32
    %dma_wait3A_88 = arith.constant 0 : i32
    %dma_wait3A_89 = tpu.memref_slice %arg3[%dma_wait3A_87, %dma_wait3A_88] : memref<100000x128xf32, #tpu.memory_space<hbm>> -> memref<100000x128xf32, #tpu.memory_space<hbm>>
    tpu.wait_indirect_dma semaphore(%arg9 : memref<!tpu.dma_semaphore, #tpu.memory_space<semaphore_mem>>) src(%dma_wait3A_89 : memref<100000x128xf32, #tpu.memory_space<hbm>>) dst(%dma_wait3A_83 : memref<72x128xf32, #tpu.memory_space<vmem>>)
    %scan3A = arith.constant 0 : i32
    %scan3A_90 = arith.constant 0 : i32
    %scan3A_91 = arith.constant 50 : i32
    %scan3A_92 = arith.addi %scan3A_90, %scan3A_91 : i32
    %scan3A_93 = arith.constant 1 : i32
    scf.for %scan3A_341 = %scan3A_90 to %scan3A_92 step %scan3A_93  : i32 {
      %mul3A_342 = arith.constant 4 : i32
      %mul3A_343 = arith.muli %mul3A_342, %scan3A_341 : i32
      %add3A_344 = arith.constant 0 : i32
      %add3A_345 = arith.addi %mul3A_343, %add3A_344 : i32
      %get3A = arith.constant 0 : i32
      %get3A_346 = arith.index_cast %get3A : i32 to index
      %get3A_347 = arith.index_cast %add3A_345 : i32 to index
      %get3A_348 = arith.constant 0 : index
      %get3A_349 = tpu.vector_load %arg6[%get3A_346, %get3A_347, %get3A_348] {strides = array<i32>} : memref<2x200x128xf32, #tpu.memory_space<vmem>>, vector<1x1x16xf32>,
      %get3A_350 = vector.shape_cast %get3A_349 : vector<1x1x16xf32> to vector<16xf32>
      %mul3A_351 = arith.constant 4 : i32
      %mul3A_352 = arith.muli %mul3A_351, %scan3A_341 : i32
      %add3A_353 = arith.constant 0 : i32
      %add3A_354 = arith.addi %mul3A_352, %add3A_353 : i32
      %swap3A = arith.constant 0 : i32
      %swap3A_355 = arith.index_cast %swap3A : i32 to index
      %swap3A_356 = arith.index_cast %add3A_354 : i32 to index
      %swap3A_357 = arith.constant 0 : index
      %swap3A_358 = tpu.vector_load %arg7[%swap3A_355, %swap3A_356, %swap3A_357] {strides = array<i32>} : memref<2x200x100xf32, #tpu.memory_space<vmem>>, vector<1x1x16xf32>,
      %swap3A_359 = vector.shape_cast %swap3A_358 : vector<1x1x16xf32> to vector<16xf32>
      %swap3A_360 = vector.shape_cast %get3A_350 : vector<16xf32> to vector<1x1x16xf32>
      tpu.vector_store %arg7[%swap3A_355, %swap3A_356, %swap3A_357], %swap3A_360 {strides = array<i32>} : memref<2x200x100xf32, #tpu.memory_space<vmem>>, vector<1x1x16xf32>,
      %mul3A_361 = arith.constant 4 : i32
      %mul3A_362 = arith.muli %mul3A_361, %scan3A_341 : i32
      %add3A_363 = arith.constant 0 : i32
      %add3A_364 = arith.addi %mul3A_362, %add3A_363 : i32
      %get3A_365 = arith.constant 0 : i32
      %get3A_366 = arith.index_cast %get3A_365 : i32 to index
      %get3A_367 = arith.index_cast %add3A_364 : i32 to index
      %get3A_368 = arith.constant 16 : index
      %get3A_369 = tpu.vector_load %arg6[%get3A_366, %get3A_367, %get3A_368] {strides = array<i32>} : memref<2x200x128xf32, #tpu.memory_space<vmem>>, vector<1x1x16xf32>,
      %get3A_370 = vector.shape_cast %get3A_369 : vector<1x1x16xf32> to vector<16xf32>
      %mul3A_371 = arith.constant 4 : i32
      %mul3A_372 = arith.muli %mul3A_371, %scan3A_341 : i32
      %add3A_373 = arith.constant 0 : i32
      %add3A_374 = arith.addi %mul3A_372, %add3A_373 : i32
      %swap3A_375 = arith.constant 0 : i32
      %swap3A_376 = arith.index_cast %swap3A_375 : i32 to index
      %swap3A_377 = arith.index_cast %add3A_374 : i32 to index
      %swap3A_378 = arith.constant 16 : index
      %swap3A_379 = tpu.vector_load %arg7[%swap3A_376, %swap3A_377, %swap3A_378] {strides = array<i32>} : memref<2x200x100xf32, #tpu.memory_space<vmem>>, vector<1x1x16xf32>,
      %swap3A_380 = vector.shape_cast %swap3A_379 : vector<1x1x16xf32> to vector<16xf32>
      %swap3A_381 = vector.shape_cast %get3A_370 : vector<16xf32> to vector<1x1x16xf32>
      tpu.vector_store %arg7[%swap3A_376, %swap3A_377, %swap3A_378], %swap3A_381 {strides = array<i32>} : memref<2x200x100xf32, #tpu.memory_space<vmem>>, vector<1x1x16xf32>,
      %mul3A_382 = arith.constant 4 : i32
      %mul3A_383 = arith.muli %mul3A_382, %scan3A_341 : i32
      %add3A_384 = arith.constant 0 : i32
      %add3A_385 = arith.addi %mul3A_383, %add3A_384 : i32
      %get3A_386 = arith.constant 0 : i32
      %get3A_387 = arith.index_cast %get3A_386 : i32 to index
      %get3A_388 = arith.index_cast %add3A_385 : i32 to index
      %get3A_389 = arith.constant 32 : index
      %get3A_390 = tpu.vector_load %arg6[%get3A_387, %get3A_388, %get3A_389] {strides = array<i32>} : memref<2x200x128xf32, #tpu.memory_space<vmem>>, vector<1x1x16xf32>,
      %get3A_391 = vector.shape_cast %get3A_390 : vector<1x1x16xf32> to vector<16xf32>
      %mul3A_392 = arith.constant 4 : i32
      %mul3A_393 = arith.muli %mul3A_392, %scan3A_341 : i32
      %add3A_394 = arith.constant 0 : i32
      %add3A_395 = arith.addi %mul3A_393, %add3A_394 : i32
      %swap3A_396 = arith.constant 0 : i32
      %swap3A_397 = arith.index_cast %swap3A_396 : i32 to index
      %swap3A_398 = arith.index_cast %add3A_395 : i32 to index
      %swap3A_399 = arith.constant 32 : index
      %swap3A_400 = tpu.vector_load %arg7[%swap3A_397, %swap3A_398, %swap3A_399] {strides = array<i32>} : memref<2x200x100xf32, #tpu.memory_space<vmem>>, vector<1x1x16xf32>,
      %swap3A_401 = vector.shape_cast %swap3A_400 : vector<1x1x16xf32> to vector<16xf32>
      %swap3A_402 = vector.shape_cast %get3A_391 : vector<16xf32> to vector<1x1x16xf32>
      tpu.vector_store %arg7[%swap3A_397, %swap3A_398, %swap3A_399], %swap3A_402 {strides = array<i32>} : memref<2x200x100xf32, #tpu.memory_space<vmem>>, vector<1x1x16xf32>,
      %mul3A_403 = arith.constant 4 : i32
      %mul3A_404 = arith.muli %mul3A_403, %scan3A_341 : i32
      %add3A_405 = arith.constant 0 : i32
      %add3A_406 = arith.addi %mul3A_404, %add3A_405 : i32
      %get3A_407 = arith.constant 0 : i32
      %get3A_408 = arith.index_cast %get3A_407 : i32 to index
      %get3A_409 = arith.index_cast %add3A_406 : i32 to index
      %get3A_410 = arith.constant 48 : index
      %get3A_411 = tpu.vector_load %arg6[%get3A_408, %get3A_409, %get3A_410] {strides = array<i32>} : memref<2x200x128xf32, #tpu.memory_space<vmem>>, vector<1x1x16xf32>,
      %get3A_412 = vector.shape_cast %get3A_411 : vector<1x1x16xf32> to vector<16xf32>
      %mul3A_413 = arith.constant 4 : i32
      %mul3A_414 = arith.muli %mul3A_413, %scan3A_341 : i32
      %add3A_415 = arith.constant 0 : i32
      %add3A_416 = arith.addi %mul3A_414, %add3A_415 : i32
      %swap3A_417 = arith.constant 0 : i32
      %swap3A_418 = arith.index_cast %swap3A_417 : i32 to index
      %swap3A_419 = arith.index_cast %add3A_416 : i32 to index
      %swap3A_420 = arith.constant 48 : index
      %swap3A_421 = tpu.vector_load %arg7[%swap3A_418, %swap3A_419, %swap3A_420] {strides = array<i32>} : memref<2x200x100xf32, #tpu.memory_space<vmem>>, vector<1x1x16xf32>,
      %swap3A_422 = vector.shape_cast %swap3A_421 : vector<1x1x16xf32> to vector<16xf32>
      %swap3A_423 = vector.shape_cast %get3A_412 : vector<16xf32> to vector<1x1x16xf32>
      tpu.vector_store %arg7[%swap3A_418, %swap3A_419, %swap3A_420], %swap3A_423 {strides = array<i32>} : memref<2x200x100xf32, #tpu.memory_space<vmem>>, vector<1x1x16xf32>,
      %mul3A_424 = arith.constant 4 : i32
      %mul3A_425 = arith.muli %mul3A_424, %scan3A_341 : i32
      %add3A_426 = arith.constant 0 : i32
      %add3A_427 = arith.addi %mul3A_425, %add3A_426 : i32
      %get3A_428 = arith.constant 0 : i32
      %get3A_429 = arith.index_cast %get3A_428 : i32 to index
      %get3A_430 = arith.index_cast %add3A_427 : i32 to index
      %get3A_431 = arith.constant 64 : index
      %get3A_432 = tpu.vector_load %arg6[%get3A_429, %get3A_430, %get3A_431] {strides = array<i32>} : memref<2x200x128xf32, #tpu.memory_space<vmem>>, vector<1x1x16xf32>,
      %get3A_433 = vector.shape_cast %get3A_432 : vector<1x1x16xf32> to vector<16xf32>
      %mul3A_434 = arith.constant 4 : i32
      %mul3A_435 = arith.muli %mul3A_434, %scan3A_341 : i32
      %add3A_436 = arith.constant 0 : i32
      %add3A_437 = arith.addi %mul3A_435, %add3A_436 : i32
      %swap3A_438 = arith.constant 0 : i32
      %swap3A_439 = arith.index_cast %swap3A_438 : i32 to index
      %swap3A_440 = arith.index_cast %add3A_437 : i32 to index
      %swap3A_441 = arith.constant 64 : index
      %swap3A_442 = tpu.vector_load %arg7[%swap3A_439, %swap3A_440, %swap3A_441] {strides = array<i32>} : memref<2x200x100xf32, #tpu.memory_space<vmem>>, vector<1x1x16xf32>,
      %swap3A_443 = vector.shape_cast %swap3A_442 : vector<1x1x16xf32> to vector<16xf32>
      %swap3A_444 = vector.shape_cast %get3A_433 : vector<16xf32> to vector<1x1x16xf32>
      tpu.vector_store %arg7[%swap3A_439, %swap3A_440, %swap3A_441], %swap3A_444 {strides = array<i32>} : memref<2x200x100xf32, #tpu.memory_space<vmem>>, vector<1x1x16xf32>,
      %mul3A_445 = arith.constant 4 : i32
      %mul3A_446 = arith.muli %mul3A_445, %scan3A_341 : i32
      %add3A_447 = arith.constant 0 : i32
      %add3A_448 = arith.addi %mul3A_446, %add3A_447 : i32
      %get3A_449 = arith.constant 0 : i32
      %get3A_450 = arith.index_cast %get3A_449 : i32 to index
      %get3A_451 = arith.index_cast %add3A_448 : i32 to index
      %get3A_452 = arith.constant 80 : index
      %get3A_453 = tpu.vector_load %arg6[%get3A_450, %get3A_451, %get3A_452] {strides = array<i32>} : memref<2x200x128xf32, #tpu.memory_space<vmem>>, vector<1x1x16xf32>,
      %get3A_454 = vector.shape_cast %get3A_453 : vector<1x1x16xf32> to vector<16xf32>
      %mul3A_455 = arith.constant 4 : i32
      %mul3A_456 = arith.muli %mul3A_455, %scan3A_341 : i32
      %add3A_457 = arith.constant 0 : i32
      %add3A_458 = arith.addi %mul3A_456, %add3A_457 : i32
      %swap3A_459 = arith.constant 0 : i32
      %swap3A_460 = arith.index_cast %swap3A_459 : i32 to index
      %swap3A_461 = arith.index_cast %add3A_458 : i32 to index
      %swap3A_462 = arith.constant 80 : index
      %swap3A_463 = tpu.vector_load %arg7[%swap3A_460, %swap3A_461, %swap3A_462] {strides = array<i32>} : memref<2x200x100xf32, #tpu.memory_space<vmem>>, vector<1x1x16xf32>,
      %swap3A_464 = vector.shape_cast %swap3A_463 : vector<1x1x16xf32> to vector<16xf32>
      %swap3A_465 = vector.shape_cast %get3A_454 : vector<16xf32> to vector<1x1x16xf32>
      tpu.vector_store %arg7[%swap3A_460, %swap3A_461, %swap3A_462], %swap3A_465 {strides = array<i32>} : memref<2x200x100xf32, #tpu.memory_space<vmem>>, vector<1x1x16xf32>,
      %mul3A_466 = arith.constant 4 : i32
      %mul3A_467 = arith.muli %mul3A_466, %scan3A_341 : i32
      %add3A_468 = arith.constant 0 : i32
      %add3A_469 = arith.addi %mul3A_467, %add3A_468 : i32
      %get3A_470 = arith.constant 0 : i32
      %get3A_471 = arith.index_cast %get3A_470 : i32 to index
      %get3A_472 = arith.index_cast %add3A_469 : i32 to index
      %get3A_473 = arith.constant 84 : index
      %get3A_474 = tpu.vector_load %arg6[%get3A_471, %get3A_472, %get3A_473] {strides = array<i32>} : memref<2x200x128xf32, #tpu.memory_space<vmem>>, vector<1x1x16xf32>,
      %get3A_475 = vector.shape_cast %get3A_474 : vector<1x1x16xf32> to vector<16xf32>
      %mul3A_476 = arith.constant 4 : i32
      %mul3A_477 = arith.muli %mul3A_476, %scan3A_341 : i32
      %add3A_478 = arith.constant 0 : i32
      %add3A_479 = arith.addi %mul3A_477, %add3A_478 : i32
      %swap3A_480 = arith.constant 0 : i32
      %swap3A_481 = arith.index_cast %swap3A_480 : i32 to index
      %swap3A_482 = arith.index_cast %add3A_479 : i32 to index
      %swap3A_483 = arith.constant 84 : index
      %swap3A_484 = tpu.vector_load %arg7[%swap3A_481, %swap3A_482, %swap3A_483] {strides = array<i32>} : memref<2x200x100xf32, #tpu.memory_space<vmem>>, vector<1x1x16xf32>,
      %swap3A_485 = vector.shape_cast %swap3A_484 : vector<1x1x16xf32> to vector<16xf32>
      %swap3A_486 = vector.shape_cast %get3A_475 : vector<16xf32> to vector<1x1x16xf32>
      tpu.vector_store %arg7[%swap3A_481, %swap3A_482, %swap3A_483], %swap3A_486 {strides = array<i32>} : memref<2x200x100xf32, #tpu.memory_space<vmem>>, vector<1x1x16xf32>,
      %mul3A_487 = arith.constant 4 : i32
      %mul3A_488 = arith.muli %mul3A_487, %scan3A_341 : i32
      %add3A_489 = arith.constant 1 : i32
      %add3A_490 = arith.addi %mul3A_488, %add3A_489 : i32
      %get3A_491 = arith.constant 0 : i32
      %get3A_492 = arith.index_cast %get3A_491 : i32 to index
      %get3A_493 = arith.index_cast %add3A_490 : i32 to index
      %get3A_494 = arith.constant 0 : index
      %get3A_495 = tpu.vector_load %arg6[%get3A_492, %get3A_493, %get3A_494] {strides = array<i32>} : memref<2x200x128xf32, #tpu.memory_space<vmem>>, vector<1x1x16xf32>,
      %get3A_496 = vector.shape_cast %get3A_495 : vector<1x1x16xf32> to vector<16xf32>
      %mul3A_497 = arith.constant 4 : i32
      %mul3A_498 = arith.muli %mul3A_497, %scan3A_341 : i32
      %add3A_499 = arith.constant 1 : i32
      %add3A_500 = arith.addi %mul3A_498, %add3A_499 : i32
      %swap3A_501 = arith.constant 0 : i32
      %swap3A_502 = arith.index_cast %swap3A_501 : i32 to index
      %swap3A_503 = arith.index_cast %add3A_500 : i32 to index
      %swap3A_504 = arith.constant 0 : index
      %swap3A_505 = tpu.vector_load %arg7[%swap3A_502, %swap3A_503, %swap3A_504] {strides = array<i32>} : memref<2x200x100xf32, #tpu.memory_space<vmem>>, vector<1x1x16xf32>,
      %swap3A_506 = vector.shape_cast %swap3A_505 : vector<1x1x16xf32> to vector<16xf32>
      %swap3A_507 = vector.shape_cast %get3A_496 : vector<16xf32> to vector<1x1x16xf32>
      tpu.vector_store %arg7[%swap3A_502, %swap3A_503, %swap3A_504], %swap3A_507 {strides = array<i32>} : memref<2x200x100xf32, #tpu.memory_space<vmem>>, vector<1x1x16xf32>,
      %mul3A_508 = arith.constant 4 : i32
      %mul3A_509 = arith.muli %mul3A_508, %scan3A_341 : i32
      %add3A_510 = arith.constant 1 : i32
      %add3A_511 = arith.addi %mul3A_509, %add3A_510 : i32
      %get3A_512 = arith.constant 0 : i32
      %get3A_513 = arith.index_cast %get3A_512 : i32 to index
      %get3A_514 = arith.index_cast %add3A_511 : i32 to index
      %get3A_515 = arith.constant 16 : index
      %get3A_516 = tpu.vector_load %arg6[%get3A_513, %get3A_514, %get3A_515] {strides = array<i32>} : memref<2x200x128xf32, #tpu.memory_space<vmem>>, vector<1x1x16xf32>,
      %get3A_517 = vector.shape_cast %get3A_516 : vector<1x1x16xf32> to vector<16xf32>
      %mul3A_518 = arith.constant 4 : i32
      %mul3A_519 = arith.muli %mul3A_518, %scan3A_341 : i32
      %add3A_520 = arith.constant 1 : i32
      %add3A_521 = arith.addi %mul3A_519, %add3A_520 : i32
      %swap3A_522 = arith.constant 0 : i32
      %swap3A_523 = arith.index_cast %swap3A_522 : i32 to index
      %swap3A_524 = arith.index_cast %add3A_521 : i32 to index
      %swap3A_525 = arith.constant 16 : index
      %swap3A_526 = tpu.vector_load %arg7[%swap3A_523, %swap3A_524, %swap3A_525] {strides = array<i32>} : memref<2x200x100xf32, #tpu.memory_space<vmem>>, vector<1x1x16xf32>,
      %swap3A_527 = vector.shape_cast %swap3A_526 : vector<1x1x16xf32> to vector<16xf32>
      %swap3A_528 = vector.shape_cast %get3A_517 : vector<16xf32> to vector<1x1x16xf32>
      tpu.vector_store %arg7[%swap3A_523, %swap3A_524, %swap3A_525], %swap3A_528 {strides = array<i32>} : memref<2x200x100xf32, #tpu.memory_space<vmem>>, vector<1x1x16xf32>,
      %mul3A_529 = arith.constant 4 : i32
      %mul3A_530 = arith.muli %mul3A_529, %scan3A_341 : i32
      %add3A_531 = arith.constant 1 : i32
      %add3A_532 = arith.addi %mul3A_530, %add3A_531 : i32
      %get3A_533 = arith.constant 0 : i32
      %get3A_534 = arith.index_cast %get3A_533 : i32 to index
      %get3A_535 = arith.index_cast %add3A_532 : i32 to index
      %get3A_536 = arith.constant 32 : index
      %get3A_537 = tpu.vector_load %arg6[%get3A_534, %get3A_535, %get3A_536] {strides = array<i32>} : memref<2x200x128xf32, #tpu.memory_space<vmem>>, vector<1x1x16xf32>,
      %get3A_538 = vector.shape_cast %get3A_537 : vector<1x1x16xf32> to vector<16xf32>
      %mul3A_539 = arith.constant 4 : i32
      %mul3A_540 = arith.muli %mul3A_539, %scan3A_341 : i32
      %add3A_541 = arith.constant 1 : i32
      %add3A_542 = arith.addi %mul3A_540, %add3A_541 : i32
      %swap3A_543 = arith.constant 0 : i32
      %swap3A_544 = arith.index_cast %swap3A_543 : i32 to index
      %swap3A_545 = arith.index_cast %add3A_542 : i32 to index
      %swap3A_546 = arith.constant 32 : index
      %swap3A_547 = tpu.vector_load %arg7[%swap3A_544, %swap3A_545, %swap3A_546] {strides = array<i32>} : memref<2x200x100xf32, #tpu.memory_space<vmem>>, vector<1x1x16xf32>,
      %swap3A_548 = vector.shape_cast %swap3A_547 : vector<1x1x16xf32> to vector<16xf32>
      %swap3A_549 = vector.shape_cast %get3A_538 : vector<16xf32> to vector<1x1x16xf32>
      tpu.vector_store %arg7[%swap3A_544, %swap3A_545, %swap3A_546], %swap3A_549 {strides = array<i32>} : memref<2x200x100xf32, #tpu.memory_space<vmem>>, vector<1x1x16xf32>,
      %mul3A_550 = arith.constant 4 : i32
      %mul3A_551 = arith.muli %mul3A_550, %scan3A_341 : i32
      %add3A_552 = arith.constant 1 : i32
      %add3A_553 = arith.addi %mul3A_551, %add3A_552 : i32
      %get3A_554 = arith.constant 0 : i32
      %get3A_555 = arith.index_cast %get3A_554 : i32 to index
      %get3A_556 = arith.index_cast %add3A_553 : i32 to index
      %get3A_557 = arith.constant 48 : index
      %get3A_558 = tpu.vector_load %arg6[%get3A_555, %get3A_556, %get3A_557] {strides = array<i32>} : memref<2x200x128xf32, #tpu.memory_space<vmem>>, vector<1x1x16xf32>,
      %get3A_559 = vector.shape_cast %get3A_558 : vector<1x1x16xf32> to vector<16xf32>
      %mul3A_560 = arith.constant 4 : i32
      %mul3A_561 = arith.muli %mul3A_560, %scan3A_341 : i32
      %add3A_562 = arith.constant 1 : i32
      %add3A_563 = arith.addi %mul3A_561, %add3A_562 : i32
      %swap3A_564 = arith.constant 0 : i32
      %swap3A_565 = arith.index_cast %swap3A_564 : i32 to index
      %swap3A_566 = arith.index_cast %add3A_563 : i32 to index
      %swap3A_567 = arith.constant 48 : index
      %swap3A_568 = tpu.vector_load %arg7[%swap3A_565, %swap3A_566, %swap3A_567] {strides = array<i32>} : memref<2x200x100xf32, #tpu.memory_space<vmem>>, vector<1x1x16xf32>,
      %swap3A_569 = vector.shape_cast %swap3A_568 : vector<1x1x16xf32> to vector<16xf32>
      %swap3A_570 = vector.shape_cast %get3A_559 : vector<16xf32> to vector<1x1x16xf32>
      tpu.vector_store %arg7[%swap3A_565, %swap3A_566, %swap3A_567], %swap3A_570 {strides = array<i32>} : memref<2x200x100xf32, #tpu.memory_space<vmem>>, vector<1x1x16xf32>,
      %mul3A_571 = arith.constant 4 : i32
      %mul3A_572 = arith.muli %mul3A_571, %scan3A_341 : i32
      %add3A_573 = arith.constant 1 : i32
      %add3A_574 = arith.addi %mul3A_572, %add3A_573 : i32
      %get3A_575 = arith.constant 0 : i32
      %get3A_576 = arith.index_cast %get3A_575 : i32 to index
      %get3A_577 = arith.index_cast %add3A_574 : i32 to index
      %get3A_578 = arith.constant 64 : index
      %get3A_579 = tpu.vector_load %arg6[%get3A_576, %get3A_577, %get3A_578] {strides = array<i32>} : memref<2x200x128xf32, #tpu.memory_space<vmem>>, vector<1x1x16xf32>,
      %get3A_580 = vector.shape_cast %get3A_579 : vector<1x1x16xf32> to vector<16xf32>
      %mul3A_581 = arith.constant 4 : i32
      %mul3A_582 = arith.muli %mul3A_581, %scan3A_341 : i32
      %add3A_583 = arith.constant 1 : i32
      %add3A_584 = arith.addi %mul3A_582, %add3A_583 : i32
      %swap3A_585 = arith.constant 0 : i32
      %swap3A_586 = arith.index_cast %swap3A_585 : i32 to index
      %swap3A_587 = arith.index_cast %add3A_584 : i32 to index
      %swap3A_588 = arith.constant 64 : index
      %swap3A_589 = tpu.vector_load %arg7[%swap3A_586, %swap3A_587, %swap3A_588] {strides = array<i32>} : memref<2x200x100xf32, #tpu.memory_space<vmem>>, vector<1x1x16xf32>,
      %swap3A_590 = vector.shape_cast %swap3A_589 : vector<1x1x16xf32> to vector<16xf32>
      %swap3A_591 = vector.shape_cast %get3A_580 : vector<16xf32> to vector<1x1x16xf32>
      tpu.vector_store %arg7[%swap3A_586, %swap3A_587, %swap3A_588], %swap3A_591 {strides = array<i32>} : memref<2x200x100xf32, #tpu.memory_space<vmem>>, vector<1x1x16xf32>,
      %mul3A_592 = arith.constant 4 : i32
      %mul3A_593 = arith.muli %mul3A_592, %scan3A_341 : i32
      %add3A_594 = arith.constant 1 : i32
      %add3A_595 = arith.addi %mul3A_593, %add3A_594 : i32
      %get3A_596 = arith.constant 0 : i32
      %get3A_597 = arith.index_cast %get3A_596 : i32 to index
      %get3A_598 = arith.index_cast %add3A_595 : i32 to index
      %get3A_599 = arith.constant 80 : index
      %get3A_600 = tpu.vector_load %arg6[%get3A_597, %get3A_598, %get3A_599] {strides = array<i32>} : memref<2x200x128xf32, #tpu.memory_space<vmem>>, vector<1x1x16xf32>,
      %get3A_601 = vector.shape_cast %get3A_600 : vector<1x1x16xf32> to vector<16xf32>
      %mul3A_602 = arith.constant 4 : i32
      %mul3A_603 = arith.muli %mul3A_602, %scan3A_341 : i32
      %add3A_604 = arith.constant 1 : i32
      %add3A_605 = arith.addi %mul3A_603, %add3A_604 : i32
      %swap3A_606 = arith.constant 0 : i32
      %swap3A_607 = arith.index_cast %swap3A_606 : i32 to index
      %swap3A_608 = arith.index_cast %add3A_605 : i32 to index
      %swap3A_609 = arith.constant 80 : index
      %swap3A_610 = tpu.vector_load %arg7[%swap3A_607, %swap3A_608, %swap3A_609] {strides = array<i32>} : memref<2x200x100xf32, #tpu.memory_space<vmem>>, vector<1x1x16xf32>,
      %swap3A_611 = vector.shape_cast %swap3A_610 : vector<1x1x16xf32> to vector<16xf32>
      %swap3A_612 = vector.shape_cast %get3A_601 : vector<16xf32> to vector<1x1x16xf32>
      tpu.vector_store %arg7[%swap3A_607, %swap3A_608, %swap3A_609], %swap3A_612 {strides = array<i32>} : memref<2x200x100xf32, #tpu.memory_space<vmem>>, vector<1x1x16xf32>,
      %mul3A_613 = arith.constant 4 : i32
      %mul3A_614 = arith.muli %mul3A_613, %scan3A_341 : i32
      %add3A_615 = arith.constant 1 : i32
      %add3A_616 = arith.addi %mul3A_614, %add3A_615 : i32
      %get3A_617 = arith.constant 0 : i32
      %get3A_618 = arith.index_cast %get3A_617 : i32 to index
      %get3A_619 = arith.index_cast %add3A_616 : i32 to index
      %get3A_620 = arith.constant 84 : index
      %get3A_621 = tpu.vector_load %arg6[%get3A_618, %get3A_619, %get3A_620] {strides = array<i32>} : memref<2x200x128xf32, #tpu.memory_space<vmem>>, vector<1x1x16xf32>,
      %get3A_622 = vector.shape_cast %get3A_621 : vector<1x1x16xf32> to vector<16xf32>
      %mul3A_623 = arith.constant 4 : i32
      %mul3A_624 = arith.muli %mul3A_623, %scan3A_341 : i32
      %add3A_625 = arith.constant 1 : i32
      %add3A_626 = arith.addi %mul3A_624, %add3A_625 : i32
      %swap3A_627 = arith.constant 0 : i32
      %swap3A_628 = arith.index_cast %swap3A_627 : i32 to index
      %swap3A_629 = arith.index_cast %add3A_626 : i32 to index
      %swap3A_630 = arith.constant 84 : index
      %swap3A_631 = tpu.vector_load %arg7[%swap3A_628, %swap3A_629, %swap3A_630] {strides = array<i32>} : memref<2x200x100xf32, #tpu.memory_space<vmem>>, vector<1x1x16xf32>,
      %swap3A_632 = vector.shape_cast %swap3A_631 : vector<1x1x16xf32> to vector<16xf32>
      %swap3A_633 = vector.shape_cast %get3A_622 : vector<16xf32> to vector<1x1x16xf32>
      tpu.vector_store %arg7[%swap3A_628, %swap3A_629, %swap3A_630], %swap3A_633 {strides = array<i32>} : memref<2x200x100xf32, #tpu.memory_space<vmem>>, vector<1x1x16xf32>,
      %mul3A_634 = arith.constant 4 : i32
      %mul3A_635 = arith.muli %mul3A_634, %scan3A_341 : i32
      %add3A_636 = arith.constant 2 : i32
      %add3A_637 = arith.addi %mul3A_635, %add3A_636 : i32
      %get3A_638 = arith.constant 0 : i32
      %get3A_639 = arith.index_cast %get3A_638 : i32 to index
      %get3A_640 = arith.index_cast %add3A_637 : i32 to index
      %get3A_641 = arith.constant 0 : index
      %get3A_642 = tpu.vector_load %arg6[%get3A_639, %get3A_640, %get3A_641] {strides = array<i32>} : memref<2x200x128xf32, #tpu.memory_space<vmem>>, vector<1x1x16xf32>,
      %get3A_643 = vector.shape_cast %get3A_642 : vector<1x1x16xf32> to vector<16xf32>
      %mul3A_644 = arith.constant 4 : i32
      %mul3A_645 = arith.muli %mul3A_644, %scan3A_341 : i32
      %add3A_646 = arith.constant 2 : i32
      %add3A_647 = arith.addi %mul3A_645, %add3A_646 : i32
      %swap3A_648 = arith.constant 0 : i32
      %swap3A_649 = arith.index_cast %swap3A_648 : i32 to index
      %swap3A_650 = arith.index_cast %add3A_647 : i32 to index
      %swap3A_651 = arith.constant 0 : index
      %swap3A_652 = tpu.vector_load %arg7[%swap3A_649, %swap3A_650, %swap3A_651] {strides = array<i32>} : memref<2x200x100xf32, #tpu.memory_space<vmem>>, vector<1x1x16xf32>,
      %swap3A_653 = vector.shape_cast %swap3A_652 : vector<1x1x16xf32> to vector<16xf32>
      %swap3A_654 = vector.shape_cast %get3A_643 : vector<16xf32> to vector<1x1x16xf32>
      tpu.vector_store %arg7[%swap3A_649, %swap3A_650, %swap3A_651], %swap3A_654 {strides = array<i32>} : memref<2x200x100xf32, #tpu.memory_space<vmem>>, vector<1x1x16xf32>,
      %mul3A_655 = arith.constant 4 : i32
      %mul3A_656 = arith.muli %mul3A_655, %scan3A_341 : i32
      %add3A_657 = arith.constant 2 : i32
      %add3A_658 = arith.addi %mul3A_656, %add3A_657 : i32
      %get3A_659 = arith.constant 0 : i32
      %get3A_660 = arith.index_cast %get3A_659 : i32 to index
      %get3A_661 = arith.index_cast %add3A_658 : i32 to index
      %get3A_662 = arith.constant 16 : index
      %get3A_663 = tpu.vector_load %arg6[%get3A_660, %get3A_661, %get3A_662] {strides = array<i32>} : memref<2x200x128xf32, #tpu.memory_space<vmem>>, vector<1x1x16xf32>,
      %get3A_664 = vector.shape_cast %get3A_663 : vector<1x1x16xf32> to vector<16xf32>
      %mul3A_665 = arith.constant 4 : i32
      %mul3A_666 = arith.muli %mul3A_665, %scan3A_341 : i32
      %add3A_667 = arith.constant 2 : i32
      %add3A_668 = arith.addi %mul3A_666, %add3A_667 : i32
      %swap3A_669 = arith.constant 0 : i32
      %swap3A_670 = arith.index_cast %swap3A_669 : i32 to index
      %swap3A_671 = arith.index_cast %add3A_668 : i32 to index
      %swap3A_672 = arith.constant 16 : index
      %swap3A_673 = tpu.vector_load %arg7[%swap3A_670, %swap3A_671, %swap3A_672] {strides = array<i32>} : memref<2x200x100xf32, #tpu.memory_space<vmem>>, vector<1x1x16xf32>,
      %swap3A_674 = vector.shape_cast %swap3A_673 : vector<1x1x16xf32> to vector<16xf32>
      %swap3A_675 = vector.shape_cast %get3A_664 : vector<16xf32> to vector<1x1x16xf32>
      tpu.vector_store %arg7[%swap3A_670, %swap3A_671, %swap3A_672], %swap3A_675 {strides = array<i32>} : memref<2x200x100xf32, #tpu.memory_space<vmem>>, vector<1x1x16xf32>,
      %mul3A_676 = arith.constant 4 : i32
      %mul3A_677 = arith.muli %mul3A_676, %scan3A_341 : i32
      %add3A_678 = arith.constant 2 : i32
      %add3A_679 = arith.addi %mul3A_677, %add3A_678 : i32
      %get3A_680 = arith.constant 0 : i32
      %get3A_681 = arith.index_cast %get3A_680 : i32 to index
      %get3A_682 = arith.index_cast %add3A_679 : i32 to index
      %get3A_683 = arith.constant 32 : index
      %get3A_684 = tpu.vector_load %arg6[%get3A_681, %get3A_682, %get3A_683] {strides = array<i32>} : memref<2x200x128xf32, #tpu.memory_space<vmem>>, vector<1x1x16xf32>,
      %get3A_685 = vector.shape_cast %get3A_684 : vector<1x1x16xf32> to vector<16xf32>
      %mul3A_686 = arith.constant 4 : i32
      %mul3A_687 = arith.muli %mul3A_686, %scan3A_341 : i32
      %add3A_688 = arith.constant 2 : i32
      %add3A_689 = arith.addi %mul3A_687, %add3A_688 : i32
      %swap3A_690 = arith.constant 0 : i32
      %swap3A_691 = arith.index_cast %swap3A_690 : i32 to index
      %swap3A_692 = arith.index_cast %add3A_689 : i32 to index
      %swap3A_693 = arith.constant 32 : index
      %swap3A_694 = tpu.vector_load %arg7[%swap3A_691, %swap3A_692, %swap3A_693] {strides = array<i32>} : memref<2x200x100xf32, #tpu.memory_space<vmem>>, vector<1x1x16xf32>,
      %swap3A_695 = vector.shape_cast %swap3A_694 : vector<1x1x16xf32> to vector<16xf32>
      %swap3A_696 = vector.shape_cast %get3A_685 : vector<16xf32> to vector<1x1x16xf32>
      tpu.vector_store %arg7[%swap3A_691, %swap3A_692, %swap3A_693], %swap3A_696 {strides = array<i32>} : memref<2x200x100xf32, #tpu.memory_space<vmem>>, vector<1x1x16xf32>,
      %mul3A_697 = arith.constant 4 : i32
      %mul3A_698 = arith.muli %mul3A_697, %scan3A_341 : i32
      %add3A_699 = arith.constant 2 : i32
      %add3A_700 = arith.addi %mul3A_698, %add3A_699 : i32
      %get3A_701 = arith.constant 0 : i32
      %get3A_702 = arith.index_cast %get3A_701 : i32 to index
      %get3A_703 = arith.index_cast %add3A_700 : i32 to index
      %get3A_704 = arith.constant 48 : index
      %get3A_705 = tpu.vector_load %arg6[%get3A_702, %get3A_703, %get3A_704] {strides = array<i32>} : memref<2x200x128xf32, #tpu.memory_space<vmem>>, vector<1x1x16xf32>,
      %get3A_706 = vector.shape_cast %get3A_705 : vector<1x1x16xf32> to vector<16xf32>
      %mul3A_707 = arith.constant 4 : i32
      %mul3A_708 = arith.muli %mul3A_707, %scan3A_341 : i32
      %add3A_709 = arith.constant 2 : i32
      %add3A_710 = arith.addi %mul3A_708, %add3A_709 : i32
      %swap3A_711 = arith.constant 0 : i32
      %swap3A_712 = arith.index_cast %swap3A_711 : i32 to index
      %swap3A_713 = arith.index_cast %add3A_710 : i32 to index
      %swap3A_714 = arith.constant 48 : index
      %swap3A_715 = tpu.vector_load %arg7[%swap3A_712, %swap3A_713, %swap3A_714] {strides = array<i32>} : memref<2x200x100xf32, #tpu.memory_space<vmem>>, vector<1x1x16xf32>,
      %swap3A_716 = vector.shape_cast %swap3A_715 : vector<1x1x16xf32> to vector<16xf32>
      %swap3A_717 = vector.shape_cast %get3A_706 : vector<16xf32> to vector<1x1x16xf32>
      tpu.vector_store %arg7[%swap3A_712, %swap3A_713, %swap3A_714], %swap3A_717 {strides = array<i32>} : memref<2x200x100xf32, #tpu.memory_space<vmem>>, vector<1x1x16xf32>,
      %mul3A_718 = arith.constant 4 : i32
      %mul3A_719 = arith.muli %mul3A_718, %scan3A_341 : i32
      %add3A_720 = arith.constant 2 : i32
      %add3A_721 = arith.addi %mul3A_719, %add3A_720 : i32
      %get3A_722 = arith.constant 0 : i32
      %get3A_723 = arith.index_cast %get3A_722 : i32 to index
      %get3A_724 = arith.index_cast %add3A_721 : i32 to index
      %get3A_725 = arith.constant 64 : index
      %get3A_726 = tpu.vector_load %arg6[%get3A_723, %get3A_724, %get3A_725] {strides = array<i32>} : memref<2x200x128xf32, #tpu.memory_space<vmem>>, vector<1x1x16xf32>,
      %get3A_727 = vector.shape_cast %get3A_726 : vector<1x1x16xf32> to vector<16xf32>
      %mul3A_728 = arith.constant 4 : i32
      %mul3A_729 = arith.muli %mul3A_728, %scan3A_341 : i32
      %add3A_730 = arith.constant 2 : i32
      %add3A_731 = arith.addi %mul3A_729, %add3A_730 : i32
      %swap3A_732 = arith.constant 0 : i32
      %swap3A_733 = arith.index_cast %swap3A_732 : i32 to index
      %swap3A_734 = arith.index_cast %add3A_731 : i32 to index
      %swap3A_735 = arith.constant 64 : index
      %swap3A_736 = tpu.vector_load %arg7[%swap3A_733, %swap3A_734, %swap3A_735] {strides = array<i32>} : memref<2x200x100xf32, #tpu.memory_space<vmem>>, vector<1x1x16xf32>,
      %swap3A_737 = vector.shape_cast %swap3A_736 : vector<1x1x16xf32> to vector<16xf32>
      %swap3A_738 = vector.shape_cast %get3A_727 : vector<16xf32> to vector<1x1x16xf32>
      tpu.vector_store %arg7[%swap3A_733, %swap3A_734, %swap3A_735], %swap3A_738 {strides = array<i32>} : memref<2x200x100xf32, #tpu.memory_space<vmem>>, vector<1x1x16xf32>,
      %mul3A_739 = arith.constant 4 : i32
      %mul3A_740 = arith.muli %mul3A_739, %scan3A_341 : i32
      %add3A_741 = arith.constant 2 : i32
      %add3A_742 = arith.addi %mul3A_740, %add3A_741 : i32
      %get3A_743 = arith.constant 0 : i32
      %get3A_744 = arith.index_cast %get3A_743 : i32 to index
      %get3A_745 = arith.index_cast %add3A_742 : i32 to index
      %get3A_746 = arith.constant 80 : index
      %get3A_747 = tpu.vector_load %arg6[%get3A_744, %get3A_745, %get3A_746] {strides = array<i32>} : memref<2x200x128xf32, #tpu.memory_space<vmem>>, vector<1x1x16xf32>,
      %get3A_748 = vector.shape_cast %get3A_747 : vector<1x1x16xf32> to vector<16xf32>
      %mul3A_749 = arith.constant 4 : i32
      %mul3A_750 = arith.muli %mul3A_749, %scan3A_341 : i32
      %add3A_751 = arith.constant 2 : i32
      %add3A_752 = arith.addi %mul3A_750, %add3A_751 : i32
      %swap3A_753 = arith.constant 0 : i32
      %swap3A_754 = arith.index_cast %swap3A_753 : i32 to index
      %swap3A_755 = arith.index_cast %add3A_752 : i32 to index
      %swap3A_756 = arith.constant 80 : index
      %swap3A_757 = tpu.vector_load %arg7[%swap3A_754, %swap3A_755, %swap3A_756] {strides = array<i32>} : memref<2x200x100xf32, #tpu.memory_space<vmem>>, vector<1x1x16xf32>,
      %swap3A_758 = vector.shape_cast %swap3A_757 : vector<1x1x16xf32> to vector<16xf32>
      %swap3A_759 = vector.shape_cast %get3A_748 : vector<16xf32> to vector<1x1x16xf32>
      tpu.vector_store %arg7[%swap3A_754, %swap3A_755, %swap3A_756], %swap3A_759 {strides = array<i32>} : memref<2x200x100xf32, #tpu.memory_space<vmem>>, vector<1x1x16xf32>,
      %mul3A_760 = arith.constant 4 : i32
      %mul3A_761 = arith.muli %mul3A_760, %scan3A_341 : i32
      %add3A_762 = arith.constant 2 : i32
      %add3A_763 = arith.addi %mul3A_761, %add3A_762 : i32
      %get3A_764 = arith.constant 0 : i32
      %get3A_765 = arith.index_cast %get3A_764 : i32 to index
      %get3A_766 = arith.index_cast %add3A_763 : i32 to index
      %get3A_767 = arith.constant 84 : index
      %get3A_768 = tpu.vector_load %arg6[%get3A_765, %get3A_766, %get3A_767] {strides = array<i32>} : memref<2x200x128xf32, #tpu.memory_space<vmem>>, vector<1x1x16xf32>,
      %get3A_769 = vector.shape_cast %get3A_768 : vector<1x1x16xf32> to vector<16xf32>
      %mul3A_770 = arith.constant 4 : i32
      %mul3A_771 = arith.muli %mul3A_770, %scan3A_341 : i32
      %add3A_772 = arith.constant 2 : i32
      %add3A_773 = arith.addi %mul3A_771, %add3A_772 : i32
      %swap3A_774 = arith.constant 0 : i32
      %swap3A_775 = arith.index_cast %swap3A_774 : i32 to index
      %swap3A_776 = arith.index_cast %add3A_773 : i32 to index
      %swap3A_777 = arith.constant 84 : index
      %swap3A_778 = tpu.vector_load %arg7[%swap3A_775, %swap3A_776, %swap3A_777] {strides = array<i32>} : memref<2x200x100xf32, #tpu.memory_space<vmem>>, vector<1x1x16xf32>,
      %swap3A_779 = vector.shape_cast %swap3A_778 : vector<1x1x16xf32> to vector<16xf32>
      %swap3A_780 = vector.shape_cast %get3A_769 : vector<16xf32> to vector<1x1x16xf32>
      tpu.vector_store %arg7[%swap3A_775, %swap3A_776, %swap3A_777], %swap3A_780 {strides = array<i32>} : memref<2x200x100xf32, #tpu.memory_space<vmem>>, vector<1x1x16xf32>,
      %mul3A_781 = arith.constant 4 : i32
      %mul3A_782 = arith.muli %mul3A_781, %scan3A_341 : i32
      %add3A_783 = arith.constant 3 : i32
      %add3A_784 = arith.addi %mul3A_782, %add3A_783 : i32
      %get3A_785 = arith.constant 0 : i32
      %get3A_786 = arith.index_cast %get3A_785 : i32 to index
      %get3A_787 = arith.index_cast %add3A_784 : i32 to index
      %get3A_788 = arith.constant 0 : index
      %get3A_789 = tpu.vector_load %arg6[%get3A_786, %get3A_787, %get3A_788] {strides = array<i32>} : memref<2x200x128xf32, #tpu.memory_space<vmem>>, vector<1x1x16xf32>,
      %get3A_790 = vector.shape_cast %get3A_789 : vector<1x1x16xf32> to vector<16xf32>
      %mul3A_791 = arith.constant 4 : i32
      %mul3A_792 = arith.muli %mul3A_791, %scan3A_341 : i32
      %add3A_793 = arith.constant 3 : i32
      %add3A_794 = arith.addi %mul3A_792, %add3A_793 : i32
      %swap3A_795 = arith.constant 0 : i32
      %swap3A_796 = arith.index_cast %swap3A_795 : i32 to index
      %swap3A_797 = arith.index_cast %add3A_794 : i32 to index
      %swap3A_798 = arith.constant 0 : index
      %swap3A_799 = tpu.vector_load %arg7[%swap3A_796, %swap3A_797, %swap3A_798] {strides = array<i32>} : memref<2x200x100xf32, #tpu.memory_space<vmem>>, vector<1x1x16xf32>,
      %swap3A_800 = vector.shape_cast %swap3A_799 : vector<1x1x16xf32> to vector<16xf32>
      %swap3A_801 = vector.shape_cast %get3A_790 : vector<16xf32> to vector<1x1x16xf32>
      tpu.vector_store %arg7[%swap3A_796, %swap3A_797, %swap3A_798], %swap3A_801 {strides = array<i32>} : memref<2x200x100xf32, #tpu.memory_space<vmem>>, vector<1x1x16xf32>,
      %mul3A_802 = arith.constant 4 : i32
      %mul3A_803 = arith.muli %mul3A_802, %scan3A_341 : i32
      %add3A_804 = arith.constant 3 : i32
      %add3A_805 = arith.addi %mul3A_803, %add3A_804 : i32
      %get3A_806 = arith.constant 0 : i32
      %get3A_807 = arith.index_cast %get3A_806 : i32 to index
      %get3A_808 = arith.index_cast %add3A_805 : i32 to index
      %get3A_809 = arith.constant 16 : index
      %get3A_810 = tpu.vector_load %arg6[%get3A_807, %get3A_808, %get3A_809] {strides = array<i32>} : memref<2x200x128xf32, #tpu.memory_space<vmem>>, vector<1x1x16xf32>,
      %get3A_811 = vector.shape_cast %get3A_810 : vector<1x1x16xf32> to vector<16xf32>
      %mul3A_812 = arith.constant 4 : i32
      %mul3A_813 = arith.muli %mul3A_812, %scan3A_341 : i32
      %add3A_814 = arith.constant 3 : i32
      %add3A_815 = arith.addi %mul3A_813, %add3A_814 : i32
      %swap3A_816 = arith.constant 0 : i32
      %swap3A_817 = arith.index_cast %swap3A_816 : i32 to index
      %swap3A_818 = arith.index_cast %add3A_815 : i32 to index
      %swap3A_819 = arith.constant 16 : index
      %swap3A_820 = tpu.vector_load %arg7[%swap3A_817, %swap3A_818, %swap3A_819] {strides = array<i32>} : memref<2x200x100xf32, #tpu.memory_space<vmem>>, vector<1x1x16xf32>,
      %swap3A_821 = vector.shape_cast %swap3A_820 : vector<1x1x16xf32> to vector<16xf32>
      %swap3A_822 = vector.shape_cast %get3A_811 : vector<16xf32> to vector<1x1x16xf32>
      tpu.vector_store %arg7[%swap3A_817, %swap3A_818, %swap3A_819], %swap3A_822 {strides = array<i32>} : memref<2x200x100xf32, #tpu.memory_space<vmem>>, vector<1x1x16xf32>,
      %mul3A_823 = arith.constant 4 : i32
      %mul3A_824 = arith.muli %mul3A_823, %scan3A_341 : i32
      %add3A_825 = arith.constant 3 : i32
      %add3A_826 = arith.addi %mul3A_824, %add3A_825 : i32
      %get3A_827 = arith.constant 0 : i32
      %get3A_828 = arith.index_cast %get3A_827 : i32 to index
      %get3A_829 = arith.index_cast %add3A_826 : i32 to index
      %get3A_830 = arith.constant 32 : index
      %get3A_831 = tpu.vector_load %arg6[%get3A_828, %get3A_829, %get3A_830] {strides = array<i32>} : memref<2x200x128xf32, #tpu.memory_space<vmem>>, vector<1x1x16xf32>,
      %get3A_832 = vector.shape_cast %get3A_831 : vector<1x1x16xf32> to vector<16xf32>
      %mul3A_833 = arith.constant 4 : i32
      %mul3A_834 = arith.muli %mul3A_833, %scan3A_341 : i32
      %add3A_835 = arith.constant 3 : i32
      %add3A_836 = arith.addi %mul3A_834, %add3A_835 : i32
      %swap3A_837 = arith.constant 0 : i32
      %swap3A_838 = arith.index_cast %swap3A_837 : i32 to index
      %swap3A_839 = arith.index_cast %add3A_836 : i32 to index
      %swap3A_840 = arith.constant 32 : index
      %swap3A_841 = tpu.vector_load %arg7[%swap3A_838, %swap3A_839, %swap3A_840] {strides = array<i32>} : memref<2x200x100xf32, #tpu.memory_space<vmem>>, vector<1x1x16xf32>,
      %swap3A_842 = vector.shape_cast %swap3A_841 : vector<1x1x16xf32> to vector<16xf32>
      %swap3A_843 = vector.shape_cast %get3A_832 : vector<16xf32> to vector<1x1x16xf32>
      tpu.vector_store %arg7[%swap3A_838, %swap3A_839, %swap3A_840], %swap3A_843 {strides = array<i32>} : memref<2x200x100xf32, #tpu.memory_space<vmem>>, vector<1x1x16xf32>,
      %mul3A_844 = arith.constant 4 : i32
      %mul3A_845 = arith.muli %mul3A_844, %scan3A_341 : i32
      %add3A_846 = arith.constant 3 : i32
      %add3A_847 = arith.addi %mul3A_845, %add3A_846 : i32
      %get3A_848 = arith.constant 0 : i32
      %get3A_849 = arith.index_cast %get3A_848 : i32 to index
      %get3A_850 = arith.index_cast %add3A_847 : i32 to index
      %get3A_851 = arith.constant 48 : index
      %get3A_852 = tpu.vector_load %arg6[%get3A_849, %get3A_850, %get3A_851] {strides = array<i32>} : memref<2x200x128xf32, #tpu.memory_space<vmem>>, vector<1x1x16xf32>,
      %get3A_853 = vector.shape_cast %get3A_852 : vector<1x1x16xf32> to vector<16xf32>
      %mul3A_854 = arith.constant 4 : i32
      %mul3A_855 = arith.muli %mul3A_854, %scan3A_341 : i32
      %add3A_856 = arith.constant 3 : i32
      %add3A_857 = arith.addi %mul3A_855, %add3A_856 : i32
      %swap3A_858 = arith.constant 0 : i32
      %swap3A_859 = arith.index_cast %swap3A_858 : i32 to index
      %swap3A_860 = arith.index_cast %add3A_857 : i32 to index
      %swap3A_861 = arith.constant 48 : index
      %swap3A_862 = tpu.vector_load %arg7[%swap3A_859, %swap3A_860, %swap3A_861] {strides = array<i32>} : memref<2x200x100xf32, #tpu.memory_space<vmem>>, vector<1x1x16xf32>,
      %swap3A_863 = vector.shape_cast %swap3A_862 : vector<1x1x16xf32> to vector<16xf32>
      %swap3A_864 = vector.shape_cast %get3A_853 : vector<16xf32> to vector<1x1x16xf32>
      tpu.vector_store %arg7[%swap3A_859, %swap3A_860, %swap3A_861], %swap3A_864 {strides = array<i32>} : memref<2x200x100xf32, #tpu.memory_space<vmem>>, vector<1x1x16xf32>,
      %mul3A_865 = arith.constant 4 : i32
      %mul3A_866 = arith.muli %mul3A_865, %scan3A_341 : i32
      %add3A_867 = arith.constant 3 : i32
      %add3A_868 = arith.addi %mul3A_866, %add3A_867 : i32
      %get3A_869 = arith.constant 0 : i32
      %get3A_870 = arith.index_cast %get3A_869 : i32 to index
      %get3A_871 = arith.index_cast %add3A_868 : i32 to index
      %get3A_872 = arith.constant 64 : index
      %get3A_873 = tpu.vector_load %arg6[%get3A_870, %get3A_871, %get3A_872] {strides = array<i32>} : memref<2x200x128xf32, #tpu.memory_space<vmem>>, vector<1x1x16xf32>,
      %get3A_874 = vector.shape_cast %get3A_873 : vector<1x1x16xf32> to vector<16xf32>
      %mul3A_875 = arith.constant 4 : i32
      %mul3A_876 = arith.muli %mul3A_875, %scan3A_341 : i32
      %add3A_877 = arith.constant 3 : i32
      %add3A_878 = arith.addi %mul3A_876, %add3A_877 : i32
      %swap3A_879 = arith.constant 0 : i32
      %swap3A_880 = arith.index_cast %swap3A_879 : i32 to index
      %swap3A_881 = arith.index_cast %add3A_878 : i32 to index
      %swap3A_882 = arith.constant 64 : index
      %swap3A_883 = tpu.vector_load %arg7[%swap3A_880, %swap3A_881, %swap3A_882] {strides = array<i32>} : memref<2x200x100xf32, #tpu.memory_space<vmem>>, vector<1x1x16xf32>,
      %swap3A_884 = vector.shape_cast %swap3A_883 : vector<1x1x16xf32> to vector<16xf32>
      %swap3A_885 = vector.shape_cast %get3A_874 : vector<16xf32> to vector<1x1x16xf32>
      tpu.vector_store %arg7[%swap3A_880, %swap3A_881, %swap3A_882], %swap3A_885 {strides = array<i32>} : memref<2x200x100xf32, #tpu.memory_space<vmem>>, vector<1x1x16xf32>,
      %mul3A_886 = arith.constant 4 : i32
      %mul3A_887 = arith.muli %mul3A_886, %scan3A_341 : i32
      %add3A_888 = arith.constant 3 : i32
      %add3A_889 = arith.addi %mul3A_887, %add3A_888 : i32
      %get3A_890 = arith.constant 0 : i32
      %get3A_891 = arith.index_cast %get3A_890 : i32 to index
      %get3A_892 = arith.index_cast %add3A_889 : i32 to index
      %get3A_893 = arith.constant 80 : index
      %get3A_894 = tpu.vector_load %arg6[%get3A_891, %get3A_892, %get3A_893] {strides = array<i32>} : memref<2x200x128xf32, #tpu.memory_space<vmem>>, vector<1x1x16xf32>,
      %get3A_895 = vector.shape_cast %get3A_894 : vector<1x1x16xf32> to vector<16xf32>
      %mul3A_896 = arith.constant 4 : i32
      %mul3A_897 = arith.muli %mul3A_896, %scan3A_341 : i32
      %add3A_898 = arith.constant 3 : i32
      %add3A_899 = arith.addi %mul3A_897, %add3A_898 : i32
      %swap3A_900 = arith.constant 0 : i32
      %swap3A_901 = arith.index_cast %swap3A_900 : i32 to index
      %swap3A_902 = arith.index_cast %add3A_899 : i32 to index
      %swap3A_903 = arith.constant 80 : index
      %swap3A_904 = tpu.vector_load %arg7[%swap3A_901, %swap3A_902, %swap3A_903] {strides = array<i32>} : memref<2x200x100xf32, #tpu.memory_space<vmem>>, vector<1x1x16xf32>,
      %swap3A_905 = vector.shape_cast %swap3A_904 : vector<1x1x16xf32> to vector<16xf32>
      %swap3A_906 = vector.shape_cast %get3A_895 : vector<16xf32> to vector<1x1x16xf32>
      tpu.vector_store %arg7[%swap3A_901, %swap3A_902, %swap3A_903], %swap3A_906 {strides = array<i32>} : memref<2x200x100xf32, #tpu.memory_space<vmem>>, vector<1x1x16xf32>,
      %mul3A_907 = arith.constant 4 : i32
      %mul3A_908 = arith.muli %mul3A_907, %scan3A_341 : i32
      %add3A_909 = arith.constant 3 : i32
      %add3A_910 = arith.addi %mul3A_908, %add3A_909 : i32
      %get3A_911 = arith.constant 0 : i32
      %get3A_912 = arith.index_cast %get3A_911 : i32 to index
      %get3A_913 = arith.index_cast %add3A_910 : i32 to index
      %get3A_914 = arith.constant 84 : index
      %get3A_915 = tpu.vector_load %arg6[%get3A_912, %get3A_913, %get3A_914] {strides = array<i32>} : memref<2x200x128xf32, #tpu.memory_space<vmem>>, vector<1x1x16xf32>,
      %get3A_916 = vector.shape_cast %get3A_915 : vector<1x1x16xf32> to vector<16xf32>
      %mul3A_917 = arith.constant 4 : i32
      %mul3A_918 = arith.muli %mul3A_917, %scan3A_341 : i32
      %add3A_919 = arith.constant 3 : i32
      %add3A_920 = arith.addi %mul3A_918, %add3A_919 : i32
      %swap3A_921 = arith.constant 0 : i32
      %swap3A_922 = arith.index_cast %swap3A_921 : i32 to index
      %swap3A_923 = arith.index_cast %add3A_920 : i32 to index
      %swap3A_924 = arith.constant 84 : index
      %swap3A_925 = tpu.vector_load %arg7[%swap3A_922, %swap3A_923, %swap3A_924] {strides = array<i32>} : memref<2x200x100xf32, #tpu.memory_space<vmem>>, vector<1x1x16xf32>,
      %swap3A_926 = vector.shape_cast %swap3A_925 : vector<1x1x16xf32> to vector<16xf32>
      %swap3A_927 = vector.shape_cast %get3A_916 : vector<16xf32> to vector<1x1x16xf32>
      tpu.vector_store %arg7[%swap3A_922, %swap3A_923, %swap3A_924], %swap3A_927 {strides = array<i32>} : memref<2x200x100xf32, #tpu.memory_space<vmem>>, vector<1x1x16xf32>,
    }
    %scan3A_94 = arith.constant 50 : i32
    %add3A_95 = arith.constant 0 : i32
    %add3A_96 = arith.addi %mul3A_2, %add3A_95 : i32
    %mul3A_97 = arith.constant 200 : i32
    %mul3A_98 = arith.muli %add3A_96, %mul3A_97 : i32
    %dma_start3A_99 = arith.constant 0 : i32
    %dma_start3A_100 = arith.constant 0 : i32
    %dma_start3A_101 = arith.constant 0 : i32
    %dma_start3A_102 = tpu.memref_slice %arg7[%dma_start3A_99, %dma_start3A_100, %dma_start3A_101] : memref<2x200x100xf32, #tpu.memory_space<vmem>> -> memref<1x200x100xf32, #tpu.memory_space<vmem>>
    %dma_start3A_103 = tpu.memref_squeeze %dma_start3A_102 : memref<1x200x100xf32, #tpu.memory_space<vmem>> -> memref<200x100xf32, #tpu.memory_space<vmem>>
    %dma_start3A_104 = arith.constant 0 : i32
    %dma_start3A_105 = tpu.memref_slice %arg4[%mul3A_98, %dma_start3A_104] : memref<819200x100xf32, #tpu.memory_space<hbm>> -> memref<200x100xf32, #tpu.memory_space<hbm>>
    %dma_start3A_106 = arith.constant 0 : i32
    %dma_start3A_107 = tpu.memref_slice %arg4[%mul3A_98, %dma_start3A_106] : memref<819200x100xf32, #tpu.memory_space<hbm>> -> memref<200x100xf32, #tpu.memory_space<hbm>>
    %dma_start3A_108 = arith.constant 0 : i32
    %dma_start3A_109 = arith.constant 0 : i32
    %dma_start3A_110 = tpu.memref_slice %arg7[%dma_start3A_99, %dma_start3A_108, %dma_start3A_109] : memref<2x200x100xf32, #tpu.memory_space<vmem>> -> memref<1x200x100xf32, #tpu.memory_space<vmem>>
    %dma_start3A_111 = tpu.memref_squeeze %dma_start3A_110 : memref<1x200x100xf32, #tpu.memory_space<vmem>> -> memref<200x100xf32, #tpu.memory_space<vmem>>
    tpu.enqueue_dma source(%dma_start3A_111 : memref<200x100xf32, #tpu.memory_space<vmem>>) target(%dma_start3A_107 : memref<200x100xf32, #tpu.memory_space<hbm>>) target_semaphore(%arg10 : memref<!tpu.dma_semaphore, #tpu.memory_space<semaphore_mem>>)
    %add3A_112 = arith.constant 1 : i32
    %add3A_113 = arith.addi %mul3A_2, %add3A_112 : i32
    %min3A_114 = arith.constant 4095 : i32
    %min3A_115 = arith.minsi %add3A_113, %min3A_114 : i32
    %dma_wait3A_116 = arith.constant 1 : i32
    %dma_wait3A_117 = arith.constant 0 : i32
    %dma_wait3A_118 = tpu.memref_slice %arg5[%dma_wait3A_116, %dma_wait3A_117] : memref<2x200xi32, #tpu.memory_space<vmem>> -> memref<1x200xi32, #tpu.memory_space<vmem>>
    %dma_wait3A_119 = arith.constant 0 : i32
    %dma_wait3A_120 = tpu.memref_slice %arg2[%min3A_115, %dma_wait3A_119] : memref<4096x200xi32, #tpu.memory_space<hbm>> -> memref<1x200xi32, #tpu.memory_space<hbm>>
    %dma_wait3A_121 = arith.constant 1 : i32
    %dma_wait3A_122 = arith.constant 0 : i32
    %dma_wait3A_123 = tpu.memref_slice %arg5[%dma_wait3A_121, %dma_wait3A_122] : memref<2x200xi32, #tpu.memory_space<vmem>> -> memref<1x200xi32, #tpu.memory_space<vmem>>
    %dma_wait3A_124 = arith.constant 0 : i32
    %dma_wait3A_125 = tpu.memref_slice %arg2[%min3A_115, %dma_wait3A_124] : memref<4096x200xi32, #tpu.memory_space<hbm>> -> memref<1x200xi32, #tpu.memory_space<hbm>>
    tpu.wait_dma2 semaphore(%arg8 : memref<!tpu.dma_semaphore, #tpu.memory_space<semaphore_mem>>) src(%dma_wait3A_125 : memref<1x200xi32, #tpu.memory_space<hbm>>) dst(%dma_wait3A_123 : memref<1x200xi32, #tpu.memory_space<vmem>>)
    %dma_start3A_126 = arith.constant 1 : i32
    %dma_start3A_127 = arith.constant 1 : i32
    %dma_start3A_128 = arith.constant 0 : i32
    %dma_start3A_129 = arith.constant 0 : i32
    %dma_start3A_130 = tpu.memref_slice %arg6[%dma_start3A_127, %dma_start3A_128, %dma_start3A_129] : memref<2x200x128xf32, #tpu.memory_space<vmem>> -> memref<1x128x128xf32, #tpu.memory_space<vmem>>
    %dma_start3A_131 = tpu.memref_squeeze %dma_start3A_130 : memref<1x128x128xf32, #tpu.memory_space<vmem>> -> memref<128x128xf32, #tpu.memory_space<vmem>>
    %dma_start3A_132 = arith.constant 0 : i32
    %dma_start3A_133 = tpu.memref_slice %arg5[%dma_start3A_126, %dma_start3A_132] : memref<2x200xi32, #tpu.memory_space<vmem>> -> memref<1x128xi32, #tpu.memory_space<vmem>>
    %dma_start3A_134 = tpu.memref_squeeze %dma_start3A_133 : memref<1x128xi32, #tpu.memory_space<vmem>> -> memref<128xi32, #tpu.memory_space<vmem>>
    %dma_start3A_135 = arith.constant 0 : i32
    %dma_start3A_136 = arith.constant 0 : i32
    %dma_start3A_137 = tpu.memref_slice %arg3[%dma_start3A_135, %dma_start3A_136] : memref<100000x128xf32, #tpu.memory_space<hbm>> -> memref<100000x128xf32, #tpu.memory_space<hbm>>
    tpu.enqueue_indirect_dma source(%dma_start3A_137 : memref<100000x128xf32, #tpu.memory_space<hbm>>) target(%dma_start3A_131 : memref<128x128xf32, #tpu.memory_space<vmem>>) offsets(%dma_start3A_134 : memref<128xi32, #tpu.memory_space<vmem>>) semaphore(%arg9 : memref<!tpu.dma_semaphore, #tpu.memory_space<semaphore_mem>>)
    %dma_start3A_138 = arith.constant 1 : i32
    %dma_start3A_139 = arith.constant 1 : i32
    %dma_start3A_140 = arith.constant 128 : i32
    %dma_start3A_141 = arith.constant 0 : i32
    %dma_start3A_142 = tpu.memref_slice %arg6[%dma_start3A_139, %dma_start3A_140, %dma_start3A_141] : memref<2x200x128xf32, #tpu.memory_space<vmem>> -> memref<1x72x128xf32, #tpu.memory_space<vmem>>
    %dma_start3A_143 = tpu.memref_squeeze %dma_start3A_142 : memref<1x72x128xf32, #tpu.memory_space<vmem>> -> memref<72x128xf32, #tpu.memory_space<vmem>>
    %dma_start3A_144 = arith.constant 128 : i32
    %dma_start3A_145 = tpu.memref_slice %arg5[%dma_start3A_138, %dma_start3A_144] : memref<2x200xi32, #tpu.memory_space<vmem>> -> memref<1x72xi32, #tpu.memory_space<vmem>>
    %dma_start3A_146 = tpu.memref_squeeze %dma_start3A_145 : memref<1x72xi32, #tpu.memory_space<vmem>> -> memref<72xi32, #tpu.memory_space<vmem>>
    %dma_start3A_147 = arith.constant 0 : i32
    %dma_start3A_148 = arith.constant 0 : i32
    %dma_start3A_149 = tpu.memref_slice %arg3[%dma_start3A_147, %dma_start3A_148] : memref<100000x128xf32, #tpu.memory_space<hbm>> -> memref<100000x128xf32, #tpu.memory_space<hbm>>
    tpu.enqueue_indirect_dma source(%dma_start3A_149 : memref<100000x128xf32, #tpu.memory_space<hbm>>) target(%dma_start3A_143 : memref<72x128xf32, #tpu.memory_space<vmem>>) offsets(%dma_start3A_146 : memref<72xi32, #tpu.memory_space<vmem>>) semaphore(%arg9 : memref<!tpu.dma_semaphore, #tpu.memory_space<semaphore_mem>>)
    %add3A_150 = arith.constant 2 : i32
    %add3A_151 = arith.addi %mul3A_2, %add3A_150 : i32
    %min3A_152 = arith.constant 4095 : i32
    %min3A_153 = arith.minsi %add3A_151, %min3A_152 : i32
    %dma_start3A_154 = arith.constant 0 : i32
    %dma_start3A_155 = arith.constant 0 : i32
    %dma_start3A_156 = tpu.memref_slice %arg5[%dma_start3A_154, %dma_start3A_155] : memref<2x200xi32, #tpu.memory_space<vmem>> -> memref<1x200xi32, #tpu.memory_space<vmem>>
    %dma_start3A_157 = arith.constant 0 : i32
    %dma_start3A_158 = tpu.memref_slice %arg2[%min3A_153, %dma_start3A_157] : memref<4096x200xi32, #tpu.memory_space<hbm>> -> memref<1x200xi32, #tpu.memory_space<hbm>>
    %dma_start3A_159 = arith.constant 0 : i32
    %dma_start3A_160 = arith.constant 0 : i32
    %dma_start3A_161 = tpu.memref_slice %arg5[%dma_start3A_159, %dma_start3A_160] : memref<2x200xi32, #tpu.memory_space<vmem>> -> memref<1x200xi32, #tpu.memory_space<vmem>>
    %dma_start3A_162 = arith.constant 0 : i32
    %dma_start3A_163 = tpu.memref_slice %arg2[%min3A_153, %dma_start3A_162] : memref<4096x200xi32, #tpu.memory_space<hbm>> -> memref<1x200xi32, #tpu.memory_space<hbm>>
    tpu.enqueue_dma source(%dma_start3A_163 : memref<1x200xi32, #tpu.memory_space<hbm>>) target(%dma_start3A_161 : memref<1x200xi32, #tpu.memory_space<vmem>>) target_semaphore(%arg8 : memref<!tpu.dma_semaphore, #tpu.memory_space<semaphore_mem>>)
    %dma_wait3A_164 = arith.constant 1 : i32
    %dma_wait3A_165 = arith.constant 1 : i32
    %dma_wait3A_166 = arith.constant 0 : i32
    %dma_wait3A_167 = arith.constant 0 : i32
    %dma_wait3A_168 = tpu.memref_slice %arg6[%dma_wait3A_165, %dma_wait3A_166, %dma_wait3A_167] : memref<2x200x128xf32, #tpu.memory_space<vmem>> -> memref<1x128x128xf32, #tpu.memory_space<vmem>>
    %dma_wait3A_169 = tpu.memref_squeeze %dma_wait3A_168 : memref<1x128x128xf32, #tpu.memory_space<vmem>> -> memref<128x128xf32, #tpu.memory_space<vmem>>
    %dma_wait3A_170 = arith.constant 0 : i32
    %dma_wait3A_171 = tpu.memref_slice %arg5[%dma_wait3A_164, %dma_wait3A_170] : memref<2x200xi32, #tpu.memory_space<vmem>> -> memref<1x128xi32, #tpu.memory_space<vmem>>
    %dma_wait3A_172 = tpu.memref_squeeze %dma_wait3A_171 : memref<1x128xi32, #tpu.memory_space<vmem>> -> memref<128xi32, #tpu.memory_space<vmem>>
    %dma_wait3A_173 = arith.constant 0 : i32
    %dma_wait3A_174 = arith.constant 0 : i32
    %dma_wait3A_175 = tpu.memref_slice %arg3[%dma_wait3A_173, %dma_wait3A_174] : memref<100000x128xf32, #tpu.memory_space<hbm>> -> memref<100000x128xf32, #tpu.memory_space<hbm>>
    tpu.wait_indirect_dma semaphore(%arg9 : memref<!tpu.dma_semaphore, #tpu.memory_space<semaphore_mem>>) src(%dma_wait3A_175 : memref<100000x128xf32, #tpu.memory_space<hbm>>) dst(%dma_wait3A_169 : memref<128x128xf32, #tpu.memory_space<vmem>>)
    %dma_wait3A_176 = arith.constant 1 : i32
    %dma_wait3A_177 = arith.constant 1 : i32
    %dma_wait3A_178 = arith.constant 128 : i32
    %dma_wait3A_179 = arith.constant 0 : i32
    %dma_wait3A_180 = tpu.memref_slice %arg6[%dma_wait3A_177, %dma_wait3A_178, %dma_wait3A_179] : memref<2x200x128xf32, #tpu.memory_space<vmem>> -> memref<1x72x128xf32, #tpu.memory_space<vmem>>
    %dma_wait3A_181 = tpu.memref_squeeze %dma_wait3A_180 : memref<1x72x128xf32, #tpu.memory_space<vmem>> -> memref<72x128xf32, #tpu.memory_space<vmem>>
    %dma_wait3A_182 = arith.constant 128 : i32
    %dma_wait3A_183 = tpu.memref_slice %arg5[%dma_wait3A_176, %dma_wait3A_182] : memref<2x200xi32, #tpu.memory_space<vmem>> -> memref<1x72xi32, #tpu.memory_space<vmem>>
    %dma_wait3A_184 = tpu.memref_squeeze %dma_wait3A_183 : memref<1x72xi32, #tpu.memory_space<vmem>> -> memref<72xi32, #tpu.memory_space<vmem>>
    %dma_wait3A_185 = arith.constant 0 : i32
    %dma_wait3A_186 = arith.constant 0 : i32
    %dma_wait3A_187 = tpu.memref_slice %arg3[%dma_wait3A_185, %dma_wait3A_186] : memref<100000x128xf32, #tpu.memory_space<hbm>> -> memref<100000x128xf32, #tpu.memory_space<hbm>>
    tpu.wait_indirect_dma semaphore(%arg9 : memref<!tpu.dma_semaphore, #tpu.memory_space<semaphore_mem>>) src(%dma_wait3A_187 : memref<100000x128xf32, #tpu.memory_space<hbm>>) dst(%dma_wait3A_181 : memref<72x128xf32, #tpu.memory_space<vmem>>)
    %scan3A_188 = arith.constant 0 : i32
    %scan3A_189 = arith.constant 0 : i32
    %scan3A_190 = arith.constant 50 : i32
    %scan3A_191 = arith.addi %scan3A_189, %scan3A_190 : i32
    %scan3A_192 = arith.constant 1 : i32
    scf.for %scan3A_341 = %scan3A_189 to %scan3A_191 step %scan3A_192  : i32 {
      %mul3A_342 = arith.constant 4 : i32
      %mul3A_343 = arith.muli %mul3A_342, %scan3A_341 : i32
      %add3A_344 = arith.constant 0 : i32
      %add3A_345 = arith.addi %mul3A_343, %add3A_344 : i32
      %get3A = arith.constant 1 : i32
      %get3A_346 = arith.index_cast %get3A : i32 to index
      %get3A_347 = arith.index_cast %add3A_345 : i32 to index
      %get3A_348 = arith.constant 0 : index
      %get3A_349 = tpu.vector_load %arg6[%get3A_346, %get3A_347, %get3A_348] {strides = array<i32>} : memref<2x200x128xf32, #tpu.memory_space<vmem>>, vector<1x1x16xf32>,
      %get3A_350 = vector.shape_cast %get3A_349 : vector<1x1x16xf32> to vector<16xf32>
      %mul3A_351 = arith.constant 4 : i32
      %mul3A_352 = arith.muli %mul3A_351, %scan3A_341 : i32
      %add3A_353 = arith.constant 0 : i32
      %add3A_354 = arith.addi %mul3A_352, %add3A_353 : i32
      %swap3A = arith.constant 1 : i32
      %swap3A_355 = arith.index_cast %swap3A : i32 to index
      %swap3A_356 = arith.index_cast %add3A_354 : i32 to index
      %swap3A_357 = arith.constant 0 : index
      %swap3A_358 = tpu.vector_load %arg7[%swap3A_355, %swap3A_356, %swap3A_357] {strides = array<i32>} : memref<2x200x100xf32, #tpu.memory_space<vmem>>, vector<1x1x16xf32>,
      %swap3A_359 = vector.shape_cast %swap3A_358 : vector<1x1x16xf32> to vector<16xf32>
      %swap3A_360 = vector.shape_cast %get3A_350 : vector<16xf32> to vector<1x1x16xf32>
      tpu.vector_store %arg7[%swap3A_355, %swap3A_356, %swap3A_357], %swap3A_360 {strides = array<i32>} : memref<2x200x100xf32, #tpu.memory_space<vmem>>, vector<1x1x16xf32>,
      %mul3A_361 = arith.constant 4 : i32
      %mul3A_362 = arith.muli %mul3A_361, %scan3A_341 : i32
      %add3A_363 = arith.constant 0 : i32
      %add3A_364 = arith.addi %mul3A_362, %add3A_363 : i32
      %get3A_365 = arith.constant 1 : i32
      %get3A_366 = arith.index_cast %get3A_365 : i32 to index
      %get3A_367 = arith.index_cast %add3A_364 : i32 to index
      %get3A_368 = arith.constant 16 : index
      %get3A_369 = tpu.vector_load %arg6[%get3A_366, %get3A_367, %get3A_368] {strides = array<i32>} : memref<2x200x128xf32, #tpu.memory_space<vmem>>, vector<1x1x16xf32>,
      %get3A_370 = vector.shape_cast %get3A_369 : vector<1x1x16xf32> to vector<16xf32>
      %mul3A_371 = arith.constant 4 : i32
      %mul3A_372 = arith.muli %mul3A_371, %scan3A_341 : i32
      %add3A_373 = arith.constant 0 : i32
      %add3A_374 = arith.addi %mul3A_372, %add3A_373 : i32
      %swap3A_375 = arith.constant 1 : i32
      %swap3A_376 = arith.index_cast %swap3A_375 : i32 to index
      %swap3A_377 = arith.index_cast %add3A_374 : i32 to index
      %swap3A_378 = arith.constant 16 : index
      %swap3A_379 = tpu.vector_load %arg7[%swap3A_376, %swap3A_377, %swap3A_378] {strides = array<i32>} : memref<2x200x100xf32, #tpu.memory_space<vmem>>, vector<1x1x16xf32>,
      %swap3A_380 = vector.shape_cast %swap3A_379 : vector<1x1x16xf32> to vector<16xf32>
      %swap3A_381 = vector.shape_cast %get3A_370 : vector<16xf32> to vector<1x1x16xf32>
      tpu.vector_store %arg7[%swap3A_376, %swap3A_377, %swap3A_378], %swap3A_381 {strides = array<i32>} : memref<2x200x100xf32, #tpu.memory_space<vmem>>, vector<1x1x16xf32>,
      %mul3A_382 = arith.constant 4 : i32
      %mul3A_383 = arith.muli %mul3A_382, %scan3A_341 : i32
      %add3A_384 = arith.constant 0 : i32
      %add3A_385 = arith.addi %mul3A_383, %add3A_384 : i32
      %get3A_386 = arith.constant 1 : i32
      %get3A_387 = arith.index_cast %get3A_386 : i32 to index
      %get3A_388 = arith.index_cast %add3A_385 : i32 to index
      %get3A_389 = arith.constant 32 : index
      %get3A_390 = tpu.vector_load %arg6[%get3A_387, %get3A_388, %get3A_389] {strides = array<i32>} : memref<2x200x128xf32, #tpu.memory_space<vmem>>, vector<1x1x16xf32>,
      %get3A_391 = vector.shape_cast %get3A_390 : vector<1x1x16xf32> to vector<16xf32>
      %mul3A_392 = arith.constant 4 : i32
      %mul3A_393 = arith.muli %mul3A_392, %scan3A_341 : i32
      %add3A_394 = arith.constant 0 : i32
      %add3A_395 = arith.addi %mul3A_393, %add3A_394 : i32
      %swap3A_396 = arith.constant 1 : i32
      %swap3A_397 = arith.index_cast %swap3A_396 : i32 to index
      %swap3A_398 = arith.index_cast %add3A_395 : i32 to index
      %swap3A_399 = arith.constant 32 : index
      %swap3A_400 = tpu.vector_load %arg7[%swap3A_397, %swap3A_398, %swap3A_399] {strides = array<i32>} : memref<2x200x100xf32, #tpu.memory_space<vmem>>, vector<1x1x16xf32>,
      %swap3A_401 = vector.shape_cast %swap3A_400 : vector<1x1x16xf32> to vector<16xf32>
      %swap3A_402 = vector.shape_cast %get3A_391 : vector<16xf32> to vector<1x1x16xf32>
      tpu.vector_store %arg7[%swap3A_397, %swap3A_398, %swap3A_399], %swap3A_402 {strides = array<i32>} : memref<2x200x100xf32, #tpu.memory_space<vmem>>, vector<1x1x16xf32>,
      %mul3A_403 = arith.constant 4 : i32
      %mul3A_404 = arith.muli %mul3A_403, %scan3A_341 : i32
      %add3A_405 = arith.constant 0 : i32
      %add3A_406 = arith.addi %mul3A_404, %add3A_405 : i32
      %get3A_407 = arith.constant 1 : i32
      %get3A_408 = arith.index_cast %get3A_407 : i32 to index
      %get3A_409 = arith.index_cast %add3A_406 : i32 to index
      %get3A_410 = arith.constant 48 : index
      %get3A_411 = tpu.vector_load %arg6[%get3A_408, %get3A_409, %get3A_410] {strides = array<i32>} : memref<2x200x128xf32, #tpu.memory_space<vmem>>, vector<1x1x16xf32>,
      %get3A_412 = vector.shape_cast %get3A_411 : vector<1x1x16xf32> to vector<16xf32>
      %mul3A_413 = arith.constant 4 : i32
      %mul3A_414 = arith.muli %mul3A_413, %scan3A_341 : i32
      %add3A_415 = arith.constant 0 : i32
      %add3A_416 = arith.addi %mul3A_414, %add3A_415 : i32
      %swap3A_417 = arith.constant 1 : i32
      %swap3A_418 = arith.index_cast %swap3A_417 : i32 to index
      %swap3A_419 = arith.index_cast %add3A_416 : i32 to index
      %swap3A_420 = arith.constant 48 : index
      %swap3A_421 = tpu.vector_load %arg7[%swap3A_418, %swap3A_419, %swap3A_420] {strides = array<i32>} : memref<2x200x100xf32, #tpu.memory_space<vmem>>, vector<1x1x16xf32>,
      %swap3A_422 = vector.shape_cast %swap3A_421 : vector<1x1x16xf32> to vector<16xf32>
      %swap3A_423 = vector.shape_cast %get3A_412 : vector<16xf32> to vector<1x1x16xf32>
      tpu.vector_store %arg7[%swap3A_418, %swap3A_419, %swap3A_420], %swap3A_423 {strides = array<i32>} : memref<2x200x100xf32, #tpu.memory_space<vmem>>, vector<1x1x16xf32>,
      %mul3A_424 = arith.constant 4 : i32
      %mul3A_425 = arith.muli %mul3A_424, %scan3A_341 : i32
      %add3A_426 = arith.constant 0 : i32
      %add3A_427 = arith.addi %mul3A_425, %add3A_426 : i32
      %get3A_428 = arith.constant 1 : i32
      %get3A_429 = arith.index_cast %get3A_428 : i32 to index
      %get3A_430 = arith.index_cast %add3A_427 : i32 to index
      %get3A_431 = arith.constant 64 : index
      %get3A_432 = tpu.vector_load %arg6[%get3A_429, %get3A_430, %get3A_431] {strides = array<i32>} : memref<2x200x128xf32, #tpu.memory_space<vmem>>, vector<1x1x16xf32>,
      %get3A_433 = vector.shape_cast %get3A_432 : vector<1x1x16xf32> to vector<16xf32>
      %mul3A_434 = arith.constant 4 : i32
      %mul3A_435 = arith.muli %mul3A_434, %scan3A_341 : i32
      %add3A_436 = arith.constant 0 : i32
      %add3A_437 = arith.addi %mul3A_435, %add3A_436 : i32
      %swap3A_438 = arith.constant 1 : i32
      %swap3A_439 = arith.index_cast %swap3A_438 : i32 to index
      %swap3A_440 = arith.index_cast %add3A_437 : i32 to index
      %swap3A_441 = arith.constant 64 : index
      %swap3A_442 = tpu.vector_load %arg7[%swap3A_439, %swap3A_440, %swap3A_441] {strides = array<i32>} : memref<2x200x100xf32, #tpu.memory_space<vmem>>, vector<1x1x16xf32>,
      %swap3A_443 = vector.shape_cast %swap3A_442 : vector<1x1x16xf32> to vector<16xf32>
      %swap3A_444 = vector.shape_cast %get3A_433 : vector<16xf32> to vector<1x1x16xf32>
      tpu.vector_store %arg7[%swap3A_439, %swap3A_440, %swap3A_441], %swap3A_444 {strides = array<i32>} : memref<2x200x100xf32, #tpu.memory_space<vmem>>, vector<1x1x16xf32>,
      %mul3A_445 = arith.constant 4 : i32
      %mul3A_446 = arith.muli %mul3A_445, %scan3A_341 : i32
      %add3A_447 = arith.constant 0 : i32
      %add3A_448 = arith.addi %mul3A_446, %add3A_447 : i32
      %get3A_449 = arith.constant 1 : i32
      %get3A_450 = arith.index_cast %get3A_449 : i32 to index
      %get3A_451 = arith.index_cast %add3A_448 : i32 to index
      %get3A_452 = arith.constant 80 : index
      %get3A_453 = tpu.vector_load %arg6[%get3A_450, %get3A_451, %get3A_452] {strides = array<i32>} : memref<2x200x128xf32, #tpu.memory_space<vmem>>, vector<1x1x16xf32>,
      %get3A_454 = vector.shape_cast %get3A_453 : vector<1x1x16xf32> to vector<16xf32>
      %mul3A_455 = arith.constant 4 : i32
      %mul3A_456 = arith.muli %mul3A_455, %scan3A_341 : i32
      %add3A_457 = arith.constant 0 : i32
      %add3A_458 = arith.addi %mul3A_456, %add3A_457 : i32
      %swap3A_459 = arith.constant 1 : i32
      %swap3A_460 = arith.index_cast %swap3A_459 : i32 to index
      %swap3A_461 = arith.index_cast %add3A_458 : i32 to index
      %swap3A_462 = arith.constant 80 : index
      %swap3A_463 = tpu.vector_load %arg7[%swap3A_460, %swap3A_461, %swap3A_462] {strides = array<i32>} : memref<2x200x100xf32, #tpu.memory_space<vmem>>, vector<1x1x16xf32>,
      %swap3A_464 = vector.shape_cast %swap3A_463 : vector<1x1x16xf32> to vector<16xf32>
      %swap3A_465 = vector.shape_cast %get3A_454 : vector<16xf32> to vector<1x1x16xf32>
      tpu.vector_store %arg7[%swap3A_460, %swap3A_461, %swap3A_462], %swap3A_465 {strides = array<i32>} : memref<2x200x100xf32, #tpu.memory_space<vmem>>, vector<1x1x16xf32>,
      %mul3A_466 = arith.constant 4 : i32
      %mul3A_467 = arith.muli %mul3A_466, %scan3A_341 : i32
      %add3A_468 = arith.constant 0 : i32
      %add3A_469 = arith.addi %mul3A_467, %add3A_468 : i32
      %get3A_470 = arith.constant 1 : i32
      %get3A_471 = arith.index_cast %get3A_470 : i32 to index
      %get3A_472 = arith.index_cast %add3A_469 : i32 to index
      %get3A_473 = arith.constant 84 : index
      %get3A_474 = tpu.vector_load %arg6[%get3A_471, %get3A_472, %get3A_473] {strides = array<i32>} : memref<2x200x128xf32, #tpu.memory_space<vmem>>, vector<1x1x16xf32>,
      %get3A_475 = vector.shape_cast %get3A_474 : vector<1x1x16xf32> to vector<16xf32>
      %mul3A_476 = arith.constant 4 : i32
      %mul3A_477 = arith.muli %mul3A_476, %scan3A_341 : i32
      %add3A_478 = arith.constant 0 : i32
      %add3A_479 = arith.addi %mul3A_477, %add3A_478 : i32
      %swap3A_480 = arith.constant 1 : i32
      %swap3A_481 = arith.index_cast %swap3A_480 : i32 to index
      %swap3A_482 = arith.index_cast %add3A_479 : i32 to index
      %swap3A_483 = arith.constant 84 : index
      %swap3A_484 = tpu.vector_load %arg7[%swap3A_481, %swap3A_482, %swap3A_483] {strides = array<i32>} : memref<2x200x100xf32, #tpu.memory_space<vmem>>, vector<1x1x16xf32>,
      %swap3A_485 = vector.shape_cast %swap3A_484 : vector<1x1x16xf32> to vector<16xf32>
      %swap3A_486 = vector.shape_cast %get3A_475 : vector<16xf32> to vector<1x1x16xf32>
      tpu.vector_store %arg7[%swap3A_481, %swap3A_482, %swap3A_483], %swap3A_486 {strides = array<i32>} : memref<2x200x100xf32, #tpu.memory_space<vmem>>, vector<1x1x16xf32>,
      %mul3A_487 = arith.constant 4 : i32
      %mul3A_488 = arith.muli %mul3A_487, %scan3A_341 : i32
      %add3A_489 = arith.constant 1 : i32
      %add3A_490 = arith.addi %mul3A_488, %add3A_489 : i32
      %get3A_491 = arith.constant 1 : i32
      %get3A_492 = arith.index_cast %get3A_491 : i32 to index
      %get3A_493 = arith.index_cast %add3A_490 : i32 to index
      %get3A_494 = arith.constant 0 : index
      %get3A_495 = tpu.vector_load %arg6[%get3A_492, %get3A_493, %get3A_494] {strides = array<i32>} : memref<2x200x128xf32, #tpu.memory_space<vmem>>, vector<1x1x16xf32>,
      %get3A_496 = vector.shape_cast %get3A_495 : vector<1x1x16xf32> to vector<16xf32>
      %mul3A_497 = arith.constant 4 : i32
      %mul3A_498 = arith.muli %mul3A_497, %scan3A_341 : i32
      %add3A_499 = arith.constant 1 : i32
      %add3A_500 = arith.addi %mul3A_498, %add3A_499 : i32
      %swap3A_501 = arith.constant 1 : i32
      %swap3A_502 = arith.index_cast %swap3A_501 : i32 to index
      %swap3A_503 = arith.index_cast %add3A_500 : i32 to index
      %swap3A_504 = arith.constant 0 : index
      %swap3A_505 = tpu.vector_load %arg7[%swap3A_502, %swap3A_503, %swap3A_504] {strides = array<i32>} : memref<2x200x100xf32, #tpu.memory_space<vmem>>, vector<1x1x16xf32>,
      %swap3A_506 = vector.shape_cast %swap3A_505 : vector<1x1x16xf32> to vector<16xf32>
      %swap3A_507 = vector.shape_cast %get3A_496 : vector<16xf32> to vector<1x1x16xf32>
      tpu.vector_store %arg7[%swap3A_502, %swap3A_503, %swap3A_504], %swap3A_507 {strides = array<i32>} : memref<2x200x100xf32, #tpu.memory_space<vmem>>, vector<1x1x16xf32>,
      %mul3A_508 = arith.constant 4 : i32
      %mul3A_509 = arith.muli %mul3A_508, %scan3A_341 : i32
      %add3A_510 = arith.constant 1 : i32
      %add3A_511 = arith.addi %mul3A_509, %add3A_510 : i32
      %get3A_512 = arith.constant 1 : i32
      %get3A_513 = arith.index_cast %get3A_512 : i32 to index
      %get3A_514 = arith.index_cast %add3A_511 : i32 to index
      %get3A_515 = arith.constant 16 : index
      %get3A_516 = tpu.vector_load %arg6[%get3A_513, %get3A_514, %get3A_515] {strides = array<i32>} : memref<2x200x128xf32, #tpu.memory_space<vmem>>, vector<1x1x16xf32>,
      %get3A_517 = vector.shape_cast %get3A_516 : vector<1x1x16xf32> to vector<16xf32>
      %mul3A_518 = arith.constant 4 : i32
      %mul3A_519 = arith.muli %mul3A_518, %scan3A_341 : i32
      %add3A_520 = arith.constant 1 : i32
      %add3A_521 = arith.addi %mul3A_519, %add3A_520 : i32
      %swap3A_522 = arith.constant 1 : i32
      %swap3A_523 = arith.index_cast %swap3A_522 : i32 to index
      %swap3A_524 = arith.index_cast %add3A_521 : i32 to index
      %swap3A_525 = arith.constant 16 : index
      %swap3A_526 = tpu.vector_load %arg7[%swap3A_523, %swap3A_524, %swap3A_525] {strides = array<i32>} : memref<2x200x100xf32, #tpu.memory_space<vmem>>, vector<1x1x16xf32>,
      %swap3A_527 = vector.shape_cast %swap3A_526 : vector<1x1x16xf32> to vector<16xf32>
      %swap3A_528 = vector.shape_cast %get3A_517 : vector<16xf32> to vector<1x1x16xf32>
      tpu.vector_store %arg7[%swap3A_523, %swap3A_524, %swap3A_525], %swap3A_528 {strides = array<i32>} : memref<2x200x100xf32, #tpu.memory_space<vmem>>, vector<1x1x16xf32>,
      %mul3A_529 = arith.constant 4 : i32
      %mul3A_530 = arith.muli %mul3A_529, %scan3A_341 : i32
      %add3A_531 = arith.constant 1 : i32
      %add3A_532 = arith.addi %mul3A_530, %add3A_531 : i32
      %get3A_533 = arith.constant 1 : i32
      %get3A_534 = arith.index_cast %get3A_533 : i32 to index
      %get3A_535 = arith.index_cast %add3A_532 : i32 to index
      %get3A_536 = arith.constant 32 : index
      %get3A_537 = tpu.vector_load %arg6[%get3A_534, %get3A_535, %get3A_536] {strides = array<i32>} : memref<2x200x128xf32, #tpu.memory_space<vmem>>, vector<1x1x16xf32>,
      %get3A_538 = vector.shape_cast %get3A_537 : vector<1x1x16xf32> to vector<16xf32>
      %mul3A_539 = arith.constant 4 : i32
      %mul3A_540 = arith.muli %mul3A_539, %scan3A_341 : i32
      %add3A_541 = arith.constant 1 : i32
      %add3A_542 = arith.addi %mul3A_540, %add3A_541 : i32
      %swap3A_543 = arith.constant 1 : i32
      %swap3A_544 = arith.index_cast %swap3A_543 : i32 to index
      %swap3A_545 = arith.index_cast %add3A_542 : i32 to index
      %swap3A_546 = arith.constant 32 : index
      %swap3A_547 = tpu.vector_load %arg7[%swap3A_544, %swap3A_545, %swap3A_546] {strides = array<i32>} : memref<2x200x100xf32, #tpu.memory_space<vmem>>, vector<1x1x16xf32>,
      %swap3A_548 = vector.shape_cast %swap3A_547 : vector<1x1x16xf32> to vector<16xf32>
      %swap3A_549 = vector.shape_cast %get3A_538 : vector<16xf32> to vector<1x1x16xf32>
      tpu.vector_store %arg7[%swap3A_544, %swap3A_545, %swap3A_546], %swap3A_549 {strides = array<i32>} : memref<2x200x100xf32, #tpu.memory_space<vmem>>, vector<1x1x16xf32>,
      %mul3A_550 = arith.constant 4 : i32
      %mul3A_551 = arith.muli %mul3A_550, %scan3A_341 : i32
      %add3A_552 = arith.constant 1 : i32
      %add3A_553 = arith.addi %mul3A_551, %add3A_552 : i32
      %get3A_554 = arith.constant 1 : i32
      %get3A_555 = arith.index_cast %get3A_554 : i32 to index
      %get3A_556 = arith.index_cast %add3A_553 : i32 to index
      %get3A_557 = arith.constant 48 : index
      %get3A_558 = tpu.vector_load %arg6[%get3A_555, %get3A_556, %get3A_557] {strides = array<i32>} : memref<2x200x128xf32, #tpu.memory_space<vmem>>, vector<1x1x16xf32>,
      %get3A_559 = vector.shape_cast %get3A_558 : vector<1x1x16xf32> to vector<16xf32>
      %mul3A_560 = arith.constant 4 : i32
      %mul3A_561 = arith.muli %mul3A_560, %scan3A_341 : i32
      %add3A_562 = arith.constant 1 : i32
      %add3A_563 = arith.addi %mul3A_561, %add3A_562 : i32
      %swap3A_564 = arith.constant 1 : i32
      %swap3A_565 = arith.index_cast %swap3A_564 : i32 to index
      %swap3A_566 = arith.index_cast %add3A_563 : i32 to index
      %swap3A_567 = arith.constant 48 : index
      %swap3A_568 = tpu.vector_load %arg7[%swap3A_565, %swap3A_566, %swap3A_567] {strides = array<i32>} : memref<2x200x100xf32, #tpu.memory_space<vmem>>, vector<1x1x16xf32>,
      %swap3A_569 = vector.shape_cast %swap3A_568 : vector<1x1x16xf32> to vector<16xf32>
      %swap3A_570 = vector.shape_cast %get3A_559 : vector<16xf32> to vector<1x1x16xf32>
      tpu.vector_store %arg7[%swap3A_565, %swap3A_566, %swap3A_567], %swap3A_570 {strides = array<i32>} : memref<2x200x100xf32, #tpu.memory_space<vmem>>, vector<1x1x16xf32>,
      %mul3A_571 = arith.constant 4 : i32
      %mul3A_572 = arith.muli %mul3A_571, %scan3A_341 : i32
      %add3A_573 = arith.constant 1 : i32
      %add3A_574 = arith.addi %mul3A_572, %add3A_573 : i32
      %get3A_575 = arith.constant 1 : i32
      %get3A_576 = arith.index_cast %get3A_575 : i32 to index
      %get3A_577 = arith.index_cast %add3A_574 : i32 to index
      %get3A_578 = arith.constant 64 : index
      %get3A_579 = tpu.vector_load %arg6[%get3A_576, %get3A_577, %get3A_578] {strides = array<i32>} : memref<2x200x128xf32, #tpu.memory_space<vmem>>, vector<1x1x16xf32>,
      %get3A_580 = vector.shape_cast %get3A_579 : vector<1x1x16xf32> to vector<16xf32>
      %mul3A_581 = arith.constant 4 : i32
      %mul3A_582 = arith.muli %mul3A_581, %scan3A_341 : i32
      %add3A_583 = arith.constant 1 : i32
      %add3A_584 = arith.addi %mul3A_582, %add3A_583 : i32
      %swap3A_585 = arith.constant 1 : i32
      %swap3A_586 = arith.index_cast %swap3A_585 : i32 to index
      %swap3A_587 = arith.index_cast %add3A_584 : i32 to index
      %swap3A_588 = arith.constant 64 : index
      %swap3A_589 = tpu.vector_load %arg7[%swap3A_586, %swap3A_587, %swap3A_588] {strides = array<i32>} : memref<2x200x100xf32, #tpu.memory_space<vmem>>, vector<1x1x16xf32>,
      %swap3A_590 = vector.shape_cast %swap3A_589 : vector<1x1x16xf32> to vector<16xf32>
      %swap3A_591 = vector.shape_cast %get3A_580 : vector<16xf32> to vector<1x1x16xf32>
      tpu.vector_store %arg7[%swap3A_586, %swap3A_587, %swap3A_588], %swap3A_591 {strides = array<i32>} : memref<2x200x100xf32, #tpu.memory_space<vmem>>, vector<1x1x16xf32>,
      %mul3A_592 = arith.constant 4 : i32
      %mul3A_593 = arith.muli %mul3A_592, %scan3A_341 : i32
      %add3A_594 = arith.constant 1 : i32
      %add3A_595 = arith.addi %mul3A_593, %add3A_594 : i32
      %get3A_596 = arith.constant 1 : i32
      %get3A_597 = arith.index_cast %get3A_596 : i32 to index
      %get3A_598 = arith.index_cast %add3A_595 : i32 to index
      %get3A_599 = arith.constant 80 : index
      %get3A_600 = tpu.vector_load %arg6[%get3A_597, %get3A_598, %get3A_599] {strides = array<i32>} : memref<2x200x128xf32, #tpu.memory_space<vmem>>, vector<1x1x16xf32>,
      %get3A_601 = vector.shape_cast %get3A_600 : vector<1x1x16xf32> to vector<16xf32>
      %mul3A_602 = arith.constant 4 : i32
      %mul3A_603 = arith.muli %mul3A_602, %scan3A_341 : i32
      %add3A_604 = arith.constant 1 : i32
      %add3A_605 = arith.addi %mul3A_603, %add3A_604 : i32
      %swap3A_606 = arith.constant 1 : i32
      %swap3A_607 = arith.index_cast %swap3A_606 : i32 to index
      %swap3A_608 = arith.index_cast %add3A_605 : i32 to index
      %swap3A_609 = arith.constant 80 : index
      %swap3A_610 = tpu.vector_load %arg7[%swap3A_607, %swap3A_608, %swap3A_609] {strides = array<i32>} : memref<2x200x100xf32, #tpu.memory_space<vmem>>, vector<1x1x16xf32>,
      %swap3A_611 = vector.shape_cast %swap3A_610 : vector<1x1x16xf32> to vector<16xf32>
      %swap3A_612 = vector.shape_cast %get3A_601 : vector<16xf32> to vector<1x1x16xf32>
      tpu.vector_store %arg7[%swap3A_607, %swap3A_608, %swap3A_609], %swap3A_612 {strides = array<i32>} : memref<2x200x100xf32, #tpu.memory_space<vmem>>, vector<1x1x16xf32>,
      %mul3A_613 = arith.constant 4 : i32
      %mul3A_614 = arith.muli %mul3A_613, %scan3A_341 : i32
      %add3A_615 = arith.constant 1 : i32
      %add3A_616 = arith.addi %mul3A_614, %add3A_615 : i32
      %get3A_617 = arith.constant 1 : i32
      %get3A_618 = arith.index_cast %get3A_617 : i32 to index
      %get3A_619 = arith.index_cast %add3A_616 : i32 to index
      %get3A_620 = arith.constant 84 : index
      %get3A_621 = tpu.vector_load %arg6[%get3A_618, %get3A_619, %get3A_620] {strides = array<i32>} : memref<2x200x128xf32, #tpu.memory_space<vmem>>, vector<1x1x16xf32>,
      %get3A_622 = vector.shape_cast %get3A_621 : vector<1x1x16xf32> to vector<16xf32>
      %mul3A_623 = arith.constant 4 : i32
      %mul3A_624 = arith.muli %mul3A_623, %scan3A_341 : i32
      %add3A_625 = arith.constant 1 : i32
      %add3A_626 = arith.addi %mul3A_624, %add3A_625 : i32
      %swap3A_627 = arith.constant 1 : i32
      %swap3A_628 = arith.index_cast %swap3A_627 : i32 to index
      %swap3A_629 = arith.index_cast %add3A_626 : i32 to index
      %swap3A_630 = arith.constant 84 : index
      %swap3A_631 = tpu.vector_load %arg7[%swap3A_628, %swap3A_629, %swap3A_630] {strides = array<i32>} : memref<2x200x100xf32, #tpu.memory_space<vmem>>, vector<1x1x16xf32>,
      %swap3A_632 = vector.shape_cast %swap3A_631 : vector<1x1x16xf32> to vector<16xf32>
      %swap3A_633 = vector.shape_cast %get3A_622 : vector<16xf32> to vector<1x1x16xf32>
      tpu.vector_store %arg7[%swap3A_628, %swap3A_629, %swap3A_630], %swap3A_633 {strides = array<i32>} : memref<2x200x100xf32, #tpu.memory_space<vmem>>, vector<1x1x16xf32>,
      %mul3A_634 = arith.constant 4 : i32
      %mul3A_635 = arith.muli %mul3A_634, %scan3A_341 : i32
      %add3A_636 = arith.constant 2 : i32
      %add3A_637 = arith.addi %mul3A_635, %add3A_636 : i32
      %get3A_638 = arith.constant 1 : i32
      %get3A_639 = arith.index_cast %get3A_638 : i32 to index
      %get3A_640 = arith.index_cast %add3A_637 : i32 to index
      %get3A_641 = arith.constant 0 : index
      %get3A_642 = tpu.vector_load %arg6[%get3A_639, %get3A_640, %get3A_641] {strides = array<i32>} : memref<2x200x128xf32, #tpu.memory_space<vmem>>, vector<1x1x16xf32>,
      %get3A_643 = vector.shape_cast %get3A_642 : vector<1x1x16xf32> to vector<16xf32>
      %mul3A_644 = arith.constant 4 : i32
      %mul3A_645 = arith.muli %mul3A_644, %scan3A_341 : i32
      %add3A_646 = arith.constant 2 : i32
      %add3A_647 = arith.addi %mul3A_645, %add3A_646 : i32
      %swap3A_648 = arith.constant 1 : i32
      %swap3A_649 = arith.index_cast %swap3A_648 : i32 to index
      %swap3A_650 = arith.index_cast %add3A_647 : i32 to index
      %swap3A_651 = arith.constant 0 : index
      %swap3A_652 = tpu.vector_load %arg7[%swap3A_649, %swap3A_650, %swap3A_651] {strides = array<i32>} : memref<2x200x100xf32, #tpu.memory_space<vmem>>, vector<1x1x16xf32>,
      %swap3A_653 = vector.shape_cast %swap3A_652 : vector<1x1x16xf32> to vector<16xf32>
      %swap3A_654 = vector.shape_cast %get3A_643 : vector<16xf32> to vector<1x1x16xf32>
      tpu.vector_store %arg7[%swap3A_649, %swap3A_650, %swap3A_651], %swap3A_654 {strides = array<i32>} : memref<2x200x100xf32, #tpu.memory_space<vmem>>, vector<1x1x16xf32>,
      %mul3A_655 = arith.constant 4 : i32
      %mul3A_656 = arith.muli %mul3A_655, %scan3A_341 : i32
      %add3A_657 = arith.constant 2 : i32
      %add3A_658 = arith.addi %mul3A_656, %add3A_657 : i32
      %get3A_659 = arith.constant 1 : i32
      %get3A_660 = arith.index_cast %get3A_659 : i32 to index
      %get3A_661 = arith.index_cast %add3A_658 : i32 to index
      %get3A_662 = arith.constant 16 : index
      %get3A_663 = tpu.vector_load %arg6[%get3A_660, %get3A_661, %get3A_662] {strides = array<i32>} : memref<2x200x128xf32, #tpu.memory_space<vmem>>, vector<1x1x16xf32>,
      %get3A_664 = vector.shape_cast %get3A_663 : vector<1x1x16xf32> to vector<16xf32>
      %mul3A_665 = arith.constant 4 : i32
      %mul3A_666 = arith.muli %mul3A_665, %scan3A_341 : i32
      %add3A_667 = arith.constant 2 : i32
      %add3A_668 = arith.addi %mul3A_666, %add3A_667 : i32
      %swap3A_669 = arith.constant 1 : i32
      %swap3A_670 = arith.index_cast %swap3A_669 : i32 to index
      %swap3A_671 = arith.index_cast %add3A_668 : i32 to index
      %swap3A_672 = arith.constant 16 : index
      %swap3A_673 = tpu.vector_load %arg7[%swap3A_670, %swap3A_671, %swap3A_672] {strides = array<i32>} : memref<2x200x100xf32, #tpu.memory_space<vmem>>, vector<1x1x16xf32>,
      %swap3A_674 = vector.shape_cast %swap3A_673 : vector<1x1x16xf32> to vector<16xf32>
      %swap3A_675 = vector.shape_cast %get3A_664 : vector<16xf32> to vector<1x1x16xf32>
      tpu.vector_store %arg7[%swap3A_670, %swap3A_671, %swap3A_672], %swap3A_675 {strides = array<i32>} : memref<2x200x100xf32, #tpu.memory_space<vmem>>, vector<1x1x16xf32>,
      %mul3A_676 = arith.constant 4 : i32
      %mul3A_677 = arith.muli %mul3A_676, %scan3A_341 : i32
      %add3A_678 = arith.constant 2 : i32
      %add3A_679 = arith.addi %mul3A_677, %add3A_678 : i32
      %get3A_680 = arith.constant 1 : i32
      %get3A_681 = arith.index_cast %get3A_680 : i32 to index
      %get3A_682 = arith.index_cast %add3A_679 : i32 to index
      %get3A_683 = arith.constant 32 : index
      %get3A_684 = tpu.vector_load %arg6[%get3A_681, %get3A_682, %get3A_683] {strides = array<i32>} : memref<2x200x128xf32, #tpu.memory_space<vmem>>, vector<1x1x16xf32>,
      %get3A_685 = vector.shape_cast %get3A_684 : vector<1x1x16xf32> to vector<16xf32>
      %mul3A_686 = arith.constant 4 : i32
      %mul3A_687 = arith.muli %mul3A_686, %scan3A_341 : i32
      %add3A_688 = arith.constant 2 : i32
      %add3A_689 = arith.addi %mul3A_687, %add3A_688 : i32
      %swap3A_690 = arith.constant 1 : i32
      %swap3A_691 = arith.index_cast %swap3A_690 : i32 to index
      %swap3A_692 = arith.index_cast %add3A_689 : i32 to index
      %swap3A_693 = arith.constant 32 : index
      %swap3A_694 = tpu.vector_load %arg7[%swap3A_691, %swap3A_692, %swap3A_693] {strides = array<i32>} : memref<2x200x100xf32, #tpu.memory_space<vmem>>, vector<1x1x16xf32>,
      %swap3A_695 = vector.shape_cast %swap3A_694 : vector<1x1x16xf32> to vector<16xf32>
      %swap3A_696 = vector.shape_cast %get3A_685 : vector<16xf32> to vector<1x1x16xf32>
      tpu.vector_store %arg7[%swap3A_691, %swap3A_692, %swap3A_693], %swap3A_696 {strides = array<i32>} : memref<2x200x100xf32, #tpu.memory_space<vmem>>, vector<1x1x16xf32>,
      %mul3A_697 = arith.constant 4 : i32
      %mul3A_698 = arith.muli %mul3A_697, %scan3A_341 : i32
      %add3A_699 = arith.constant 2 : i32
      %add3A_700 = arith.addi %mul3A_698, %add3A_699 : i32
      %get3A_701 = arith.constant 1 : i32
      %get3A_702 = arith.index_cast %get3A_701 : i32 to index
      %get3A_703 = arith.index_cast %add3A_700 : i32 to index
      %get3A_704 = arith.constant 48 : index
      %get3A_705 = tpu.vector_load %arg6[%get3A_702, %get3A_703, %get3A_704] {strides = array<i32>} : memref<2x200x128xf32, #tpu.memory_space<vmem>>, vector<1x1x16xf32>,
      %get3A_706 = vector.shape_cast %get3A_705 : vector<1x1x16xf32> to vector<16xf32>
      %mul3A_707 = arith.constant 4 : i32
      %mul3A_708 = arith.muli %mul3A_707, %scan3A_341 : i32
      %add3A_709 = arith.constant 2 : i32
      %add3A_710 = arith.addi %mul3A_708, %add3A_709 : i32
      %swap3A_711 = arith.constant 1 : i32
      %swap3A_712 = arith.index_cast %swap3A_711 : i32 to index
      %swap3A_713 = arith.index_cast %add3A_710 : i32 to index
      %swap3A_714 = arith.constant 48 : index
      %swap3A_715 = tpu.vector_load %arg7[%swap3A_712, %swap3A_713, %swap3A_714] {strides = array<i32>} : memref<2x200x100xf32, #tpu.memory_space<vmem>>, vector<1x1x16xf32>,
      %swap3A_716 = vector.shape_cast %swap3A_715 : vector<1x1x16xf32> to vector<16xf32>
      %swap3A_717 = vector.shape_cast %get3A_706 : vector<16xf32> to vector<1x1x16xf32>
      tpu.vector_store %arg7[%swap3A_712, %swap3A_713, %swap3A_714], %swap3A_717 {strides = array<i32>} : memref<2x200x100xf32, #tpu.memory_space<vmem>>, vector<1x1x16xf32>,
      %mul3A_718 = arith.constant 4 : i32
      %mul3A_719 = arith.muli %mul3A_718, %scan3A_341 : i32
      %add3A_720 = arith.constant 2 : i32
      %add3A_721 = arith.addi %mul3A_719, %add3A_720 : i32
      %get3A_722 = arith.constant 1 : i32
      %get3A_723 = arith.index_cast %get3A_722 : i32 to index
      %get3A_724 = arith.index_cast %add3A_721 : i32 to index
      %get3A_725 = arith.constant 64 : index
      %get3A_726 = tpu.vector_load %arg6[%get3A_723, %get3A_724, %get3A_725] {strides = array<i32>} : memref<2x200x128xf32, #tpu.memory_space<vmem>>, vector<1x1x16xf32>,
      %get3A_727 = vector.shape_cast %get3A_726 : vector<1x1x16xf32> to vector<16xf32>
      %mul3A_728 = arith.constant 4 : i32
      %mul3A_729 = arith.muli %mul3A_728, %scan3A_341 : i32
      %add3A_730 = arith.constant 2 : i32
      %add3A_731 = arith.addi %mul3A_729, %add3A_730 : i32
      %swap3A_732 = arith.constant 1 : i32
      %swap3A_733 = arith.index_cast %swap3A_732 : i32 to index
      %swap3A_734 = arith.index_cast %add3A_731 : i32 to index
      %swap3A_735 = arith.constant 64 : index
      %swap3A_736 = tpu.vector_load %arg7[%swap3A_733, %swap3A_734, %swap3A_735] {strides = array<i32>} : memref<2x200x100xf32, #tpu.memory_space<vmem>>, vector<1x1x16xf32>,
      %swap3A_737 = vector.shape_cast %swap3A_736 : vector<1x1x16xf32> to vector<16xf32>
      %swap3A_738 = vector.shape_cast %get3A_727 : vector<16xf32> to vector<1x1x16xf32>
      tpu.vector_store %arg7[%swap3A_733, %swap3A_734, %swap3A_735], %swap3A_738 {strides = array<i32>} : memref<2x200x100xf32, #tpu.memory_space<vmem>>, vector<1x1x16xf32>,
      %mul3A_739 = arith.constant 4 : i32
      %mul3A_740 = arith.muli %mul3A_739, %scan3A_341 : i32
      %add3A_741 = arith.constant 2 : i32
      %add3A_742 = arith.addi %mul3A_740, %add3A_741 : i32
      %get3A_743 = arith.constant 1 : i32
      %get3A_744 = arith.index_cast %get3A_743 : i32 to index
      %get3A_745 = arith.index_cast %add3A_742 : i32 to index
      %get3A_746 = arith.constant 80 : index
      %get3A_747 = tpu.vector_load %arg6[%get3A_744, %get3A_745, %get3A_746] {strides = array<i32>} : memref<2x200x128xf32, #tpu.memory_space<vmem>>, vector<1x1x16xf32>,
      %get3A_748 = vector.shape_cast %get3A_747 : vector<1x1x16xf32> to vector<16xf32>
      %mul3A_749 = arith.constant 4 : i32
      %mul3A_750 = arith.muli %mul3A_749, %scan3A_341 : i32
      %add3A_751 = arith.constant 2 : i32
      %add3A_752 = arith.addi %mul3A_750, %add3A_751 : i32
      %swap3A_753 = arith.constant 1 : i32
      %swap3A_754 = arith.index_cast %swap3A_753 : i32 to index
      %swap3A_755 = arith.index_cast %add3A_752 : i32 to index
      %swap3A_756 = arith.constant 80 : index
      %swap3A_757 = tpu.vector_load %arg7[%swap3A_754, %swap3A_755, %swap3A_756] {strides = array<i32>} : memref<2x200x100xf32, #tpu.memory_space<vmem>>, vector<1x1x16xf32>,
      %swap3A_758 = vector.shape_cast %swap3A_757 : vector<1x1x16xf32> to vector<16xf32>
      %swap3A_759 = vector.shape_cast %get3A_748 : vector<16xf32> to vector<1x1x16xf32>
      tpu.vector_store %arg7[%swap3A_754, %swap3A_755, %swap3A_756], %swap3A_759 {strides = array<i32>} : memref<2x200x100xf32, #tpu.memory_space<vmem>>, vector<1x1x16xf32>,
      %mul3A_760 = arith.constant 4 : i32
      %mul3A_761 = arith.muli %mul3A_760, %scan3A_341 : i32
      %add3A_762 = arith.constant 2 : i32
      %add3A_763 = arith.addi %mul3A_761, %add3A_762 : i32
      %get3A_764 = arith.constant 1 : i32
      %get3A_765 = arith.index_cast %get3A_764 : i32 to index
      %get3A_766 = arith.index_cast %add3A_763 : i32 to index
      %get3A_767 = arith.constant 84 : index
      %get3A_768 = tpu.vector_load %arg6[%get3A_765, %get3A_766, %get3A_767] {strides = array<i32>} : memref<2x200x128xf32, #tpu.memory_space<vmem>>, vector<1x1x16xf32>,
      %get3A_769 = vector.shape_cast %get3A_768 : vector<1x1x16xf32> to vector<16xf32>
      %mul3A_770 = arith.constant 4 : i32
      %mul3A_771 = arith.muli %mul3A_770, %scan3A_341 : i32
      %add3A_772 = arith.constant 2 : i32
      %add3A_773 = arith.addi %mul3A_771, %add3A_772 : i32
      %swap3A_774 = arith.constant 1 : i32
      %swap3A_775 = arith.index_cast %swap3A_774 : i32 to index
      %swap3A_776 = arith.index_cast %add3A_773 : i32 to index
      %swap3A_777 = arith.constant 84 : index
      %swap3A_778 = tpu.vector_load %arg7[%swap3A_775, %swap3A_776, %swap3A_777] {strides = array<i32>} : memref<2x200x100xf32, #tpu.memory_space<vmem>>, vector<1x1x16xf32>,
      %swap3A_779 = vector.shape_cast %swap3A_778 : vector<1x1x16xf32> to vector<16xf32>
      %swap3A_780 = vector.shape_cast %get3A_769 : vector<16xf32> to vector<1x1x16xf32>
      tpu.vector_store %arg7[%swap3A_775, %swap3A_776, %swap3A_777], %swap3A_780 {strides = array<i32>} : memref<2x200x100xf32, #tpu.memory_space<vmem>>, vector<1x1x16xf32>,
      %mul3A_781 = arith.constant 4 : i32
      %mul3A_782 = arith.muli %mul3A_781, %scan3A_341 : i32
      %add3A_783 = arith.constant 3 : i32
      %add3A_784 = arith.addi %mul3A_782, %add3A_783 : i32
      %get3A_785 = arith.constant 1 : i32
      %get3A_786 = arith.index_cast %get3A_785 : i32 to index
      %get3A_787 = arith.index_cast %add3A_784 : i32 to index
      %get3A_788 = arith.constant 0 : index
      %get3A_789 = tpu.vector_load %arg6[%get3A_786, %get3A_787, %get3A_788] {strides = array<i32>} : memref<2x200x128xf32, #tpu.memory_space<vmem>>, vector<1x1x16xf32>,
      %get3A_790 = vector.shape_cast %get3A_789 : vector<1x1x16xf32> to vector<16xf32>
      %mul3A_791 = arith.constant 4 : i32
      %mul3A_792 = arith.muli %mul3A_791, %scan3A_341 : i32
      %add3A_793 = arith.constant 3 : i32
      %add3A_794 = arith.addi %mul3A_792, %add3A_793 : i32
      %swap3A_795 = arith.constant 1 : i32
      %swap3A_796 = arith.index_cast %swap3A_795 : i32 to index
      %swap3A_797 = arith.index_cast %add3A_794 : i32 to index
      %swap3A_798 = arith.constant 0 : index
      %swap3A_799 = tpu.vector_load %arg7[%swap3A_796, %swap3A_797, %swap3A_798] {strides = array<i32>} : memref<2x200x100xf32, #tpu.memory_space<vmem>>, vector<1x1x16xf32>,
      %swap3A_800 = vector.shape_cast %swap3A_799 : vector<1x1x16xf32> to vector<16xf32>
      %swap3A_801 = vector.shape_cast %get3A_790 : vector<16xf32> to vector<1x1x16xf32>
      tpu.vector_store %arg7[%swap3A_796, %swap3A_797, %swap3A_798], %swap3A_801 {strides = array<i32>} : memref<2x200x100xf32, #tpu.memory_space<vmem>>, vector<1x1x16xf32>,
      %mul3A_802 = arith.constant 4 : i32
      %mul3A_803 = arith.muli %mul3A_802, %scan3A_341 : i32
      %add3A_804 = arith.constant 3 : i32
      %add3A_805 = arith.addi %mul3A_803, %add3A_804 : i32
      %get3A_806 = arith.constant 1 : i32
      %get3A_807 = arith.index_cast %get3A_806 : i32 to index
      %get3A_808 = arith.index_cast %add3A_805 : i32 to index
      %get3A_809 = arith.constant 16 : index
      %get3A_810 = tpu.vector_load %arg6[%get3A_807, %get3A_808, %get3A_809] {strides = array<i32>} : memref<2x200x128xf32, #tpu.memory_space<vmem>>, vector<1x1x16xf32>,
      %get3A_811 = vector.shape_cast %get3A_810 : vector<1x1x16xf32> to vector<16xf32>
      %mul3A_812 = arith.constant 4 : i32
      %mul3A_813 = arith.muli %mul3A_812, %scan3A_341 : i32
      %add3A_814 = arith.constant 3 : i32
      %add3A_815 = arith.addi %mul3A_813, %add3A_814 : i32
      %swap3A_816 = arith.constant 1 : i32
      %swap3A_817 = arith.index_cast %swap3A_816 : i32 to index
      %swap3A_818 = arith.index_cast %add3A_815 : i32 to index
      %swap3A_819 = arith.constant 16 : index
      %swap3A_820 = tpu.vector_load %arg7[%swap3A_817, %swap3A_818, %swap3A_819] {strides = array<i32>} : memref<2x200x100xf32, #tpu.memory_space<vmem>>, vector<1x1x16xf32>,
      %swap3A_821 = vector.shape_cast %swap3A_820 : vector<1x1x16xf32> to vector<16xf32>
      %swap3A_822 = vector.shape_cast %get3A_811 : vector<16xf32> to vector<1x1x16xf32>
      tpu.vector_store %arg7[%swap3A_817, %swap3A_818, %swap3A_819], %swap3A_822 {strides = array<i32>} : memref<2x200x100xf32, #tpu.memory_space<vmem>>, vector<1x1x16xf32>,
      %mul3A_823 = arith.constant 4 : i32
      %mul3A_824 = arith.muli %mul3A_823, %scan3A_341 : i32
      %add3A_825 = arith.constant 3 : i32
      %add3A_826 = arith.addi %mul3A_824, %add3A_825 : i32
      %get3A_827 = arith.constant 1 : i32
      %get3A_828 = arith.index_cast %get3A_827 : i32 to index
      %get3A_829 = arith.index_cast %add3A_826 : i32 to index
      %get3A_830 = arith.constant 32 : index
      %get3A_831 = tpu.vector_load %arg6[%get3A_828, %get3A_829, %get3A_830] {strides = array<i32>} : memref<2x200x128xf32, #tpu.memory_space<vmem>>, vector<1x1x16xf32>,
      %get3A_832 = vector.shape_cast %get3A_831 : vector<1x1x16xf32> to vector<16xf32>
      %mul3A_833 = arith.constant 4 : i32
      %mul3A_834 = arith.muli %mul3A_833, %scan3A_341 : i32
      %add3A_835 = arith.constant 3 : i32
      %add3A_836 = arith.addi %mul3A_834, %add3A_835 : i32
      %swap3A_837 = arith.constant 1 : i32
      %swap3A_838 = arith.index_cast %swap3A_837 : i32 to index
      %swap3A_839 = arith.index_cast %add3A_836 : i32 to index
      %swap3A_840 = arith.constant 32 : index
      %swap3A_841 = tpu.vector_load %arg7[%swap3A_838, %swap3A_839, %swap3A_840] {strides = array<i32>} : memref<2x200x100xf32, #tpu.memory_space<vmem>>, vector<1x1x16xf32>,
      %swap3A_842 = vector.shape_cast %swap3A_841 : vector<1x1x16xf32> to vector<16xf32>
      %swap3A_843 = vector.shape_cast %get3A_832 : vector<16xf32> to vector<1x1x16xf32>
      tpu.vector_store %arg7[%swap3A_838, %swap3A_839, %swap3A_840], %swap3A_843 {strides = array<i32>} : memref<2x200x100xf32, #tpu.memory_space<vmem>>, vector<1x1x16xf32>,
      %mul3A_844 = arith.constant 4 : i32
      %mul3A_845 = arith.muli %mul3A_844, %scan3A_341 : i32
      %add3A_846 = arith.constant 3 : i32
      %add3A_847 = arith.addi %mul3A_845, %add3A_846 : i32
      %get3A_848 = arith.constant 1 : i32
      %get3A_849 = arith.index_cast %get3A_848 : i32 to index
      %get3A_850 = arith.index_cast %add3A_847 : i32 to index
      %get3A_851 = arith.constant 48 : index
      %get3A_852 = tpu.vector_load %arg6[%get3A_849, %get3A_850, %get3A_851] {strides = array<i32>} : memref<2x200x128xf32, #tpu.memory_space<vmem>>, vector<1x1x16xf32>,
      %get3A_853 = vector.shape_cast %get3A_852 : vector<1x1x16xf32> to vector<16xf32>
      %mul3A_854 = arith.constant 4 : i32
      %mul3A_855 = arith.muli %mul3A_854, %scan3A_341 : i32
      %add3A_856 = arith.constant 3 : i32
      %add3A_857 = arith.addi %mul3A_855, %add3A_856 : i32
      %swap3A_858 = arith.constant 1 : i32
      %swap3A_859 = arith.index_cast %swap3A_858 : i32 to index
      %swap3A_860 = arith.index_cast %add3A_857 : i32 to index
      %swap3A_861 = arith.constant 48 : index
      %swap3A_862 = tpu.vector_load %arg7[%swap3A_859, %swap3A_860, %swap3A_861] {strides = array<i32>} : memref<2x200x100xf32, #tpu.memory_space<vmem>>, vector<1x1x16xf32>,
      %swap3A_863 = vector.shape_cast %swap3A_862 : vector<1x1x16xf32> to vector<16xf32>
      %swap3A_864 = vector.shape_cast %get3A_853 : vector<16xf32> to vector<1x1x16xf32>
      tpu.vector_store %arg7[%swap3A_859, %swap3A_860, %swap3A_861], %swap3A_864 {strides = array<i32>} : memref<2x200x100xf32, #tpu.memory_space<vmem>>, vector<1x1x16xf32>,
      %mul3A_865 = arith.constant 4 : i32
      %mul3A_866 = arith.muli %mul3A_865, %scan3A_341 : i32
      %add3A_867 = arith.constant 3 : i32
      %add3A_868 = arith.addi %mul3A_866, %add3A_867 : i32
      %get3A_869 = arith.constant 1 : i32
      %get3A_870 = arith.index_cast %get3A_869 : i32 to index
      %get3A_871 = arith.index_cast %add3A_868 : i32 to index
      %get3A_872 = arith.constant 64 : index
      %get3A_873 = tpu.vector_load %arg6[%get3A_870, %get3A_871, %get3A_872] {strides = array<i32>} : memref<2x200x128xf32, #tpu.memory_space<vmem>>, vector<1x1x16xf32>,
      %get3A_874 = vector.shape_cast %get3A_873 : vector<1x1x16xf32> to vector<16xf32>
      %mul3A_875 = arith.constant 4 : i32
      %mul3A_876 = arith.muli %mul3A_875, %scan3A_341 : i32
      %add3A_877 = arith.constant 3 : i32
      %add3A_878 = arith.addi %mul3A_876, %add3A_877 : i32
      %swap3A_879 = arith.constant 1 : i32
      %swap3A_880 = arith.index_cast %swap3A_879 : i32 to index
      %swap3A_881 = arith.index_cast %add3A_878 : i32 to index
      %swap3A_882 = arith.constant 64 : index
      %swap3A_883 = tpu.vector_load %arg7[%swap3A_880, %swap3A_881, %swap3A_882] {strides = array<i32>} : memref<2x200x100xf32, #tpu.memory_space<vmem>>, vector<1x1x16xf32>,
      %swap3A_884 = vector.shape_cast %swap3A_883 : vector<1x1x16xf32> to vector<16xf32>
      %swap3A_885 = vector.shape_cast %get3A_874 : vector<16xf32> to vector<1x1x16xf32>
      tpu.vector_store %arg7[%swap3A_880, %swap3A_881, %swap3A_882], %swap3A_885 {strides = array<i32>} : memref<2x200x100xf32, #tpu.memory_space<vmem>>, vector<1x1x16xf32>,
      %mul3A_886 = arith.constant 4 : i32
      %mul3A_887 = arith.muli %mul3A_886, %scan3A_341 : i32
      %add3A_888 = arith.constant 3 : i32
      %add3A_889 = arith.addi %mul3A_887, %add3A_888 : i32
      %get3A_890 = arith.constant 1 : i32
      %get3A_891 = arith.index_cast %get3A_890 : i32 to index
      %get3A_892 = arith.index_cast %add3A_889 : i32 to index
      %get3A_893 = arith.constant 80 : index
      %get3A_894 = tpu.vector_load %arg6[%get3A_891, %get3A_892, %get3A_893] {strides = array<i32>} : memref<2x200x128xf32, #tpu.memory_space<vmem>>, vector<1x1x16xf32>,
      %get3A_895 = vector.shape_cast %get3A_894 : vector<1x1x16xf32> to vector<16xf32>
      %mul3A_896 = arith.constant 4 : i32
      %mul3A_897 = arith.muli %mul3A_896, %scan3A_341 : i32
      %add3A_898 = arith.constant 3 : i32
      %add3A_899 = arith.addi %mul3A_897, %add3A_898 : i32
      %swap3A_900 = arith.constant 1 : i32
      %swap3A_901 = arith.index_cast %swap3A_900 : i32 to index
      %swap3A_902 = arith.index_cast %add3A_899 : i32 to index
      %swap3A_903 = arith.constant 80 : index
      %swap3A_904 = tpu.vector_load %arg7[%swap3A_901, %swap3A_902, %swap3A_903] {strides = array<i32>} : memref<2x200x100xf32, #tpu.memory_space<vmem>>, vector<1x1x16xf32>,
      %swap3A_905 = vector.shape_cast %swap3A_904 : vector<1x1x16xf32> to vector<16xf32>
      %swap3A_906 = vector.shape_cast %get3A_895 : vector<16xf32> to vector<1x1x16xf32>
      tpu.vector_store %arg7[%swap3A_901, %swap3A_902, %swap3A_903], %swap3A_906 {strides = array<i32>} : memref<2x200x100xf32, #tpu.memory_space<vmem>>, vector<1x1x16xf32>,
      %mul3A_907 = arith.constant 4 : i32
      %mul3A_908 = arith.muli %mul3A_907, %scan3A_341 : i32
      %add3A_909 = arith.constant 3 : i32
      %add3A_910 = arith.addi %mul3A_908, %add3A_909 : i32
      %get3A_911 = arith.constant 1 : i32
      %get3A_912 = arith.index_cast %get3A_911 : i32 to index
      %get3A_913 = arith.index_cast %add3A_910 : i32 to index
      %get3A_914 = arith.constant 84 : index
      %get3A_915 = tpu.vector_load %arg6[%get3A_912, %get3A_913, %get3A_914] {strides = array<i32>} : memref<2x200x128xf32, #tpu.memory_space<vmem>>, vector<1x1x16xf32>,
      %get3A_916 = vector.shape_cast %get3A_915 : vector<1x1x16xf32> to vector<16xf32>
      %mul3A_917 = arith.constant 4 : i32
      %mul3A_918 = arith.muli %mul3A_917, %scan3A_341 : i32
      %add3A_919 = arith.constant 3 : i32
      %add3A_920 = arith.addi %mul3A_918, %add3A_919 : i32
      %swap3A_921 = arith.constant 1 : i32
      %swap3A_922 = arith.index_cast %swap3A_921 : i32 to index
      %swap3A_923 = arith.index_cast %add3A_920 : i32 to index
      %swap3A_924 = arith.constant 84 : index
      %swap3A_925 = tpu.vector_load %arg7[%swap3A_922, %swap3A_923, %swap3A_924] {strides = array<i32>} : memref<2x200x100xf32, #tpu.memory_space<vmem>>, vector<1x1x16xf32>,
      %swap3A_926 = vector.shape_cast %swap3A_925 : vector<1x1x16xf32> to vector<16xf32>
      %swap3A_927 = vector.shape_cast %get3A_916 : vector<16xf32> to vector<1x1x16xf32>
      tpu.vector_store %arg7[%swap3A_922, %swap3A_923, %swap3A_924], %swap3A_927 {strides = array<i32>} : memref<2x200x100xf32, #tpu.memory_space<vmem>>, vector<1x1x16xf32>,
    }
    %scan3A_193 = arith.constant 50 : i32
    %add3A_194 = arith.constant 1 : i32
    %add3A_195 = arith.addi %mul3A_2, %add3A_194 : i32
    %mul3A_196 = arith.constant 200 : i32
    %mul3A_197 = arith.muli %add3A_195, %mul3A_196 : i32
    %dma_start3A_198 = arith.constant 1 : i32
    %dma_start3A_199 = arith.constant 0 : i32
    %dma_start3A_200 = arith.constant 0 : i32
    %dma_start3A_201 = tpu.memref_slice %arg7[%dma_start3A_198, %dma_start3A_199, %dma_start3A_200] : memref<2x200x100xf32, #tpu.memory_space<vmem>> -> memref<1x200x100xf32, #tpu.memory_space<vmem>>
    %dma_start3A_202 = tpu.memref_squeeze %dma_start3A_201 : memref<1x200x100xf32, #tpu.memory_space<vmem>> -> memref<200x100xf32, #tpu.memory_space<vmem>>
    %dma_start3A_203 = arith.constant 0 : i32
    %dma_start3A_204 = tpu.memref_slice %arg4[%mul3A_197, %dma_start3A_203] : memref<819200x100xf32, #tpu.memory_space<hbm>> -> memref<200x100xf32, #tpu.memory_space<hbm>>
    %dma_start3A_205 = arith.constant 0 : i32
    %dma_start3A_206 = tpu.memref_slice %arg4[%mul3A_197, %dma_start3A_205] : memref<819200x100xf32, #tpu.memory_space<hbm>> -> memref<200x100xf32, #tpu.memory_space<hbm>>
    %dma_start3A_207 = arith.constant 0 : i32
    %dma_start3A_208 = arith.constant 0 : i32
    %dma_start3A_209 = tpu.memref_slice %arg7[%dma_start3A_198, %dma_start3A_207, %dma_start3A_208] : memref<2x200x100xf32, #tpu.memory_space<vmem>> -> memref<1x200x100xf32, #tpu.memory_space<vmem>>
    %dma_start3A_210 = tpu.memref_squeeze %dma_start3A_209 : memref<1x200x100xf32, #tpu.memory_space<vmem>> -> memref<200x100xf32, #tpu.memory_space<vmem>>
    tpu.enqueue_dma source(%dma_start3A_210 : memref<200x100xf32, #tpu.memory_space<vmem>>) target(%dma_start3A_206 : memref<200x100xf32, #tpu.memory_space<hbm>>) target_semaphore(%arg10 : memref<!tpu.dma_semaphore, #tpu.memory_space<semaphore_mem>>)
    %add3A_211 = arith.constant 2 : i32
    %add3A_212 = arith.addi %mul3A_2, %add3A_211 : i32
    %min3A_213 = arith.constant 4095 : i32
    %min3A_214 = arith.minsi %add3A_212, %min3A_213 : i32
    %dma_wait3A_215 = arith.constant 0 : i32
    %dma_wait3A_216 = arith.constant 0 : i32
    %dma_wait3A_217 = tpu.memref_slice %arg5[%dma_wait3A_215, %dma_wait3A_216] : memref<2x200xi32, #tpu.memory_space<vmem>> -> memref<1x200xi32, #tpu.memory_space<vmem>>
    %dma_wait3A_218 = arith.constant 0 : i32
    %dma_wait3A_219 = tpu.memref_slice %arg2[%min3A_214, %dma_wait3A_218] : memref<4096x200xi32, #tpu.memory_space<hbm>> -> memref<1x200xi32, #tpu.memory_space<hbm>>
    %dma_wait3A_220 = arith.constant 0 : i32
    %dma_wait3A_221 = arith.constant 0 : i32
    %dma_wait3A_222 = tpu.memref_slice %arg5[%dma_wait3A_220, %dma_wait3A_221] : memref<2x200xi32, #tpu.memory_space<vmem>> -> memref<1x200xi32, #tpu.memory_space<vmem>>
    %dma_wait3A_223 = arith.constant 0 : i32
    %dma_wait3A_224 = tpu.memref_slice %arg2[%min3A_214, %dma_wait3A_223] : memref<4096x200xi32, #tpu.memory_space<hbm>> -> memref<1x200xi32, #tpu.memory_space<hbm>>
    tpu.wait_dma2 semaphore(%arg8 : memref<!tpu.dma_semaphore, #tpu.memory_space<semaphore_mem>>) src(%dma_wait3A_224 : memref<1x200xi32, #tpu.memory_space<hbm>>) dst(%dma_wait3A_222 : memref<1x200xi32, #tpu.memory_space<vmem>>)
    %dma_start3A_225 = arith.constant 0 : i32
    %dma_start3A_226 = arith.constant 0 : i32
    %dma_start3A_227 = arith.constant 0 : i32
    %dma_start3A_228 = arith.constant 0 : i32
    %dma_start3A_229 = tpu.memref_slice %arg6[%dma_start3A_226, %dma_start3A_227, %dma_start3A_228] : memref<2x200x128xf32, #tpu.memory_space<vmem>> -> memref<1x128x128xf32, #tpu.memory_space<vmem>>
    %dma_start3A_230 = tpu.memref_squeeze %dma_start3A_229 : memref<1x128x128xf32, #tpu.memory_space<vmem>> -> memref<128x128xf32, #tpu.memory_space<vmem>>
    %dma_start3A_231 = arith.constant 0 : i32
    %dma_start3A_232 = tpu.memref_slice %arg5[%dma_start3A_225, %dma_start3A_231] : memref<2x200xi32, #tpu.memory_space<vmem>> -> memref<1x128xi32, #tpu.memory_space<vmem>>
    %dma_start3A_233 = tpu.memref_squeeze %dma_start3A_232 : memref<1x128xi32, #tpu.memory_space<vmem>> -> memref<128xi32, #tpu.memory_space<vmem>>
    %dma_start3A_234 = arith.constant 0 : i32
    %dma_start3A_235 = arith.constant 0 : i32
    %dma_start3A_236 = tpu.memref_slice %arg3[%dma_start3A_234, %dma_start3A_235] : memref<100000x128xf32, #tpu.memory_space<hbm>> -> memref<100000x128xf32, #tpu.memory_space<hbm>>
    tpu.enqueue_indirect_dma source(%dma_start3A_236 : memref<100000x128xf32, #tpu.memory_space<hbm>>) target(%dma_start3A_230 : memref<128x128xf32, #tpu.memory_space<vmem>>) offsets(%dma_start3A_233 : memref<128xi32, #tpu.memory_space<vmem>>) semaphore(%arg9 : memref<!tpu.dma_semaphore, #tpu.memory_space<semaphore_mem>>)
    %dma_start3A_237 = arith.constant 0 : i32
    %dma_start3A_238 = arith.constant 0 : i32
    %dma_start3A_239 = arith.constant 128 : i32
    %dma_start3A_240 = arith.constant 0 : i32
    %dma_start3A_241 = tpu.memref_slice %arg6[%dma_start3A_238, %dma_start3A_239, %dma_start3A_240] : memref<2x200x128xf32, #tpu.memory_space<vmem>> -> memref<1x72x128xf32, #tpu.memory_space<vmem>>
    %dma_start3A_242 = tpu.memref_squeeze %dma_start3A_241 : memref<1x72x128xf32, #tpu.memory_space<vmem>> -> memref<72x128xf32, #tpu.memory_space<vmem>>
    %dma_start3A_243 = arith.constant 128 : i32
    %dma_start3A_244 = tpu.memref_slice %arg5[%dma_start3A_237, %dma_start3A_243] : memref<2x200xi32, #tpu.memory_space<vmem>> -> memref<1x72xi32, #tpu.memory_space<vmem>>
    %dma_start3A_245 = tpu.memref_squeeze %dma_start3A_244 : memref<1x72xi32, #tpu.memory_space<vmem>> -> memref<72xi32, #tpu.memory_space<vmem>>
    %dma_start3A_246 = arith.constant 0 : i32
    %dma_start3A_247 = arith.constant 0 : i32
    %dma_start3A_248 = tpu.memref_slice %arg3[%dma_start3A_246, %dma_start3A_247] : memref<100000x128xf32, #tpu.memory_space<hbm>> -> memref<100000x128xf32, #tpu.memory_space<hbm>>
    tpu.enqueue_indirect_dma source(%dma_start3A_248 : memref<100000x128xf32, #tpu.memory_space<hbm>>) target(%dma_start3A_242 : memref<72x128xf32, #tpu.memory_space<vmem>>) offsets(%dma_start3A_245 : memref<72xi32, #tpu.memory_space<vmem>>) semaphore(%arg9 : memref<!tpu.dma_semaphore, #tpu.memory_space<semaphore_mem>>)
    %add3A_249 = arith.constant 3 : i32
    %add3A_250 = arith.addi %mul3A_2, %add3A_249 : i32
    %min3A_251 = arith.constant 4095 : i32
    %min3A_252 = arith.minsi %add3A_250, %min3A_251 : i32
    %dma_start3A_253 = arith.constant 1 : i32
    %dma_start3A_254 = arith.constant 0 : i32
    %dma_start3A_255 = tpu.memref_slice %arg5[%dma_start3A_253, %dma_start3A_254] : memref<2x200xi32, #tpu.memory_space<vmem>> -> memref<1x200xi32, #tpu.memory_space<vmem>>
    %dma_start3A_256 = arith.constant 0 : i32
    %dma_start3A_257 = tpu.memref_slice %arg2[%min3A_252, %dma_start3A_256] : memref<4096x200xi32, #tpu.memory_space<hbm>> -> memref<1x200xi32, #tpu.memory_space<hbm>>
    %dma_start3A_258 = arith.constant 1 : i32
    %dma_start3A_259 = arith.constant 0 : i32
    %dma_start3A_260 = tpu.memref_slice %arg5[%dma_start3A_258, %dma_start3A_259] : memref<2x200xi32, #tpu.memory_space<vmem>> -> memref<1x200xi32, #tpu.memory_space<vmem>>
    %dma_start3A_261 = arith.constant 0 : i32
    %dma_start3A_262 = tpu.memref_slice %arg2[%min3A_252, %dma_start3A_261] : memref<4096x200xi32, #tpu.memory_space<hbm>> -> memref<1x200xi32, #tpu.memory_space<hbm>>
    tpu.enqueue_dma source(%dma_start3A_262 : memref<1x200xi32, #tpu.memory_space<hbm>>) target(%dma_start3A_260 : memref<1x200xi32, #tpu.memory_space<vmem>>) target_semaphore(%arg8 : memref<!tpu.dma_semaphore, #tpu.memory_space<semaphore_mem>>)
    %scan3A_263 = arith.constant 0 : i32
    %scan3A_264 = arith.constant 1 : i32
    %scan3A_265 = arith.constant 63 : i32
    %scan3A_266 = arith.addi %scan3A_264, %scan3A_265 : i32
    %scan3A_267 = arith.constant 1 : i32
    scf.for %scan3A_341 = %scan3A_264 to %scan3A_266 step %scan3A_267  : i32 {
      %mul3A_342 = arith.constant 2 : i32
      %mul3A_343 = arith.muli %mul3A_342, %scan3A_341 : i32
      %dma_wait3A_344 = arith.constant 0 : i32
      %dma_wait3A_345 = arith.constant 0 : i32
      %dma_wait3A_346 = arith.constant 0 : i32
      %dma_wait3A_347 = arith.constant 0 : i32
      %dma_wait3A_348 = tpu.memref_slice %arg6[%dma_wait3A_345, %dma_wait3A_346, %dma_wait3A_347] : memref<2x200x128xf32, #tpu.memory_space<vmem>> -> memref<1x128x128xf32, #tpu.memory_space<vmem>>
      %dma_wait3A_349 = tpu.memref_squeeze %dma_wait3A_348 : memref<1x128x128xf32, #tpu.memory_space<vmem>> -> memref<128x128xf32, #tpu.memory_space<vmem>>
      %dma_wait3A_350 = arith.constant 0 : i32
      %dma_wait3A_351 = tpu.memref_slice %arg5[%dma_wait3A_344, %dma_wait3A_350] : memref<2x200xi32, #tpu.memory_space<vmem>> -> memref<1x128xi32, #tpu.memory_space<vmem>>
      %dma_wait3A_352 = tpu.memref_squeeze %dma_wait3A_351 : memref<1x128xi32, #tpu.memory_space<vmem>> -> memref<128xi32, #tpu.memory_space<vmem>>
      %dma_wait3A_353 = arith.constant 0 : i32
      %dma_wait3A_354 = arith.constant 0 : i32
      %dma_wait3A_355 = tpu.memref_slice %arg3[%dma_wait3A_353, %dma_wait3A_354] : memref<100000x128xf32, #tpu.memory_space<hbm>> -> memref<100000x128xf32, #tpu.memory_space<hbm>>
      tpu.wait_indirect_dma semaphore(%arg9 : memref<!tpu.dma_semaphore, #tpu.memory_space<semaphore_mem>>) src(%dma_wait3A_355 : memref<100000x128xf32, #tpu.memory_space<hbm>>) dst(%dma_wait3A_349 : memref<128x128xf32, #tpu.memory_space<vmem>>)
      %dma_wait3A_356 = arith.constant 0 : i32
      %dma_wait3A_357 = arith.constant 0 : i32
      %dma_wait3A_358 = arith.constant 128 : i32
      %dma_wait3A_359 = arith.constant 0 : i32
      %dma_wait3A_360 = tpu.memref_slice %arg6[%dma_wait3A_357, %dma_wait3A_358, %dma_wait3A_359] : memref<2x200x128xf32, #tpu.memory_space<vmem>> -> memref<1x72x128xf32, #tpu.memory_space<vmem>>
      %dma_wait3A_361 = tpu.memref_squeeze %dma_wait3A_360 : memref<1x72x128xf32, #tpu.memory_space<vmem>> -> memref<72x128xf32, #tpu.memory_space<vmem>>
      %dma_wait3A_362 = arith.constant 128 : i32
      %dma_wait3A_363 = tpu.memref_slice %arg5[%dma_wait3A_356, %dma_wait3A_362] : memref<2x200xi32, #tpu.memory_space<vmem>> -> memref<1x72xi32, #tpu.memory_space<vmem>>
      %dma_wait3A_364 = tpu.memref_squeeze %dma_wait3A_363 : memref<1x72xi32, #tpu.memory_space<vmem>> -> memref<72xi32, #tpu.memory_space<vmem>>
      %dma_wait3A_365 = arith.constant 0 : i32
      %dma_wait3A_366 = arith.constant 0 : i32
      %dma_wait3A_367 = tpu.memref_slice %arg3[%dma_wait3A_365, %dma_wait3A_366] : memref<100000x128xf32, #tpu.memory_space<hbm>> -> memref<100000x128xf32, #tpu.memory_space<hbm>>
      tpu.wait_indirect_dma semaphore(%arg9 : memref<!tpu.dma_semaphore, #tpu.memory_space<semaphore_mem>>) src(%dma_wait3A_367 : memref<100000x128xf32, #tpu.memory_space<hbm>>) dst(%dma_wait3A_361 : memref<72x128xf32, #tpu.memory_space<vmem>>)
      %add3A_368 = arith.addi %mul3A_2, %mul3A_343 : i32
      %mul3A_369 = arith.constant 200 : i32
      %mul3A_370 = arith.muli %add3A_368, %mul3A_369 : i32
      %dma_wait3A_371 = arith.constant 0 : i32
      %dma_wait3A_372 = arith.constant 0 : i32
      %dma_wait3A_373 = arith.constant 0 : i32
      %dma_wait3A_374 = tpu.memref_slice %arg7[%dma_wait3A_371, %dma_wait3A_372, %dma_wait3A_373] : memref<2x200x100xf32, #tpu.memory_space<vmem>> -> memref<1x200x100xf32, #tpu.memory_space<vmem>>
      %dma_wait3A_375 = tpu.memref_squeeze %dma_wait3A_374 : memref<1x200x100xf32, #tpu.memory_space<vmem>> -> memref<200x100xf32, #tpu.memory_space<vmem>>
      %dma_wait3A_376 = arith.constant 0 : i32
      %dma_wait3A_377 = tpu.memref_slice %arg4[%mul3A_370, %dma_wait3A_376] : memref<819200x100xf32, #tpu.memory_space<hbm>> -> memref<200x100xf32, #tpu.memory_space<hbm>>
      %dma_wait3A_378 = arith.constant 0 : i32
      %dma_wait3A_379 = tpu.memref_slice %arg4[%mul3A_370, %dma_wait3A_378] : memref<819200x100xf32, #tpu.memory_space<hbm>> -> memref<200x100xf32, #tpu.memory_space<hbm>>
      %dma_wait3A_380 = arith.constant 0 : i32
      %dma_wait3A_381 = arith.constant 0 : i32
      %dma_wait3A_382 = tpu.memref_slice %arg7[%dma_wait3A_371, %dma_wait3A_380, %dma_wait3A_381] : memref<2x200x100xf32, #tpu.memory_space<vmem>> -> memref<1x200x100xf32, #tpu.memory_space<vmem>>
      %dma_wait3A_383 = tpu.memref_squeeze %dma_wait3A_382 : memref<1x200x100xf32, #tpu.memory_space<vmem>> -> memref<200x100xf32, #tpu.memory_space<vmem>>
      tpu.wait_dma2 semaphore(%arg10 : memref<!tpu.dma_semaphore, #tpu.memory_space<semaphore_mem>>) src(%dma_wait3A_383 : memref<200x100xf32, #tpu.memory_space<vmem>>) dst(%dma_wait3A_379 : memref<200x100xf32, #tpu.memory_space<hbm>>)
      %scan3A_384 = arith.constant 0 : i32
      %scan3A_385 = arith.constant 0 : i32
      %scan3A_386 = arith.constant 50 : i32
      %scan3A_387 = arith.addi %scan3A_385, %scan3A_386 : i32
      %scan3A_388 = arith.constant 1 : i32
      scf.for %scan3A_580 = %scan3A_385 to %scan3A_387 step %scan3A_388  : i32 {
        %mul3A_581 = arith.constant 4 : i32
        %mul3A_582 = arith.muli %mul3A_581, %scan3A_580 : i32
        %add3A_583 = arith.constant 0 : i32
        %add3A_584 = arith.addi %mul3A_582, %add3A_583 : i32
        %get3A = arith.constant 0 : i32
        %get3A_585 = arith.index_cast %get3A : i32 to index
        %get3A_586 = arith.index_cast %add3A_584 : i32 to index
        %get3A_587 = arith.constant 0 : index
        %get3A_588 = tpu.vector_load %arg6[%get3A_585, %get3A_586, %get3A_587] {strides = array<i32>} : memref<2x200x128xf32, #tpu.memory_space<vmem>>, vector<1x1x16xf32>,
        %get3A_589 = vector.shape_cast %get3A_588 : vector<1x1x16xf32> to vector<16xf32>
        %mul3A_590 = arith.constant 4 : i32
        %mul3A_591 = arith.muli %mul3A_590, %scan3A_580 : i32
        %add3A_592 = arith.constant 0 : i32
        %add3A_593 = arith.addi %mul3A_591, %add3A_592 : i32
        %swap3A = arith.constant 0 : i32
        %swap3A_594 = arith.index_cast %swap3A : i32 to index
        %swap3A_595 = arith.index_cast %add3A_593 : i32 to index
        %swap3A_596 = arith.constant 0 : index
        %swap3A_597 = tpu.vector_load %arg7[%swap3A_594, %swap3A_595, %swap3A_596] {strides = array<i32>} : memref<2x200x100xf32, #tpu.memory_space<vmem>>, vector<1x1x16xf32>,
        %swap3A_598 = vector.shape_cast %swap3A_597 : vector<1x1x16xf32> to vector<16xf32>
        %swap3A_599 = vector.shape_cast %get3A_589 : vector<16xf32> to vector<1x1x16xf32>
        tpu.vector_store %arg7[%swap3A_594, %swap3A_595, %swap3A_596], %swap3A_599 {strides = array<i32>} : memref<2x200x100xf32, #tpu.memory_space<vmem>>, vector<1x1x16xf32>,
        %mul3A_600 = arith.constant 4 : i32
        %mul3A_601 = arith.muli %mul3A_600, %scan3A_580 : i32
        %add3A_602 = arith.constant 0 : i32
        %add3A_603 = arith.addi %mul3A_601, %add3A_602 : i32
        %get3A_604 = arith.constant 0 : i32
        %get3A_605 = arith.index_cast %get3A_604 : i32 to index
        %get3A_606 = arith.index_cast %add3A_603 : i32 to index
        %get3A_607 = arith.constant 16 : index
        %get3A_608 = tpu.vector_load %arg6[%get3A_605, %get3A_606, %get3A_607] {strides = array<i32>} : memref<2x200x128xf32, #tpu.memory_space<vmem>>, vector<1x1x16xf32>,
        %get3A_609 = vector.shape_cast %get3A_608 : vector<1x1x16xf32> to vector<16xf32>
        %mul3A_610 = arith.constant 4 : i32
        %mul3A_611 = arith.muli %mul3A_610, %scan3A_580 : i32
        %add3A_612 = arith.constant 0 : i32
        %add3A_613 = arith.addi %mul3A_611, %add3A_612 : i32
        %swap3A_614 = arith.constant 0 : i32
        %swap3A_615 = arith.index_cast %swap3A_614 : i32 to index
        %swap3A_616 = arith.index_cast %add3A_613 : i32 to index
        %swap3A_617 = arith.constant 16 : index
        %swap3A_618 = tpu.vector_load %arg7[%swap3A_615, %swap3A_616, %swap3A_617] {strides = array<i32>} : memref<2x200x100xf32, #tpu.memory_space<vmem>>, vector<1x1x16xf32>,
        %swap3A_619 = vector.shape_cast %swap3A_618 : vector<1x1x16xf32> to vector<16xf32>
        %swap3A_620 = vector.shape_cast %get3A_609 : vector<16xf32> to vector<1x1x16xf32>
        tpu.vector_store %arg7[%swap3A_615, %swap3A_616, %swap3A_617], %swap3A_620 {strides = array<i32>} : memref<2x200x100xf32, #tpu.memory_space<vmem>>, vector<1x1x16xf32>,
        %mul3A_621 = arith.constant 4 : i32
        %mul3A_622 = arith.muli %mul3A_621, %scan3A_580 : i32
        %add3A_623 = arith.constant 0 : i32
        %add3A_624 = arith.addi %mul3A_622, %add3A_623 : i32
        %get3A_625 = arith.constant 0 : i32
        %get3A_626 = arith.index_cast %get3A_625 : i32 to index
        %get3A_627 = arith.index_cast %add3A_624 : i32 to index
        %get3A_628 = arith.constant 32 : index
        %get3A_629 = tpu.vector_load %arg6[%get3A_626, %get3A_627, %get3A_628] {strides = array<i32>} : memref<2x200x128xf32, #tpu.memory_space<vmem>>, vector<1x1x16xf32>,
        %get3A_630 = vector.shape_cast %get3A_629 : vector<1x1x16xf32> to vector<16xf32>
        %mul3A_631 = arith.constant 4 : i32
        %mul3A_632 = arith.muli %mul3A_631, %scan3A_580 : i32
        %add3A_633 = arith.constant 0 : i32
        %add3A_634 = arith.addi %mul3A_632, %add3A_633 : i32
        %swap3A_635 = arith.constant 0 : i32
        %swap3A_636 = arith.index_cast %swap3A_635 : i32 to index
        %swap3A_637 = arith.index_cast %add3A_634 : i32 to index
        %swap3A_638 = arith.constant 32 : index
        %swap3A_639 = tpu.vector_load %arg7[%swap3A_636, %swap3A_637, %swap3A_638] {strides = array<i32>} : memref<2x200x100xf32, #tpu.memory_space<vmem>>, vector<1x1x16xf32>,
        %swap3A_640 = vector.shape_cast %swap3A_639 : vector<1x1x16xf32> to vector<16xf32>
        %swap3A_641 = vector.shape_cast %get3A_630 : vector<16xf32> to vector<1x1x16xf32>
        tpu.vector_store %arg7[%swap3A_636, %swap3A_637, %swap3A_638], %swap3A_641 {strides = array<i32>} : memref<2x200x100xf32, #tpu.memory_space<vmem>>, vector<1x1x16xf32>,
        %mul3A_642 = arith.constant 4 : i32
        %mul3A_643 = arith.muli %mul3A_642, %scan3A_580 : i32
        %add3A_644 = arith.constant 0 : i32
        %add3A_645 = arith.addi %mul3A_643, %add3A_644 : i32
        %get3A_646 = arith.constant 0 : i32
        %get3A_647 = arith.index_cast %get3A_646 : i32 to index
        %get3A_648 = arith.index_cast %add3A_645 : i32 to index
        %get3A_649 = arith.constant 48 : index
        %get3A_650 = tpu.vector_load %arg6[%get3A_647, %get3A_648, %get3A_649] {strides = array<i32>} : memref<2x200x128xf32, #tpu.memory_space<vmem>>, vector<1x1x16xf32>,
        %get3A_651 = vector.shape_cast %get3A_650 : vector<1x1x16xf32> to vector<16xf32>
        %mul3A_652 = arith.constant 4 : i32
        %mul3A_653 = arith.muli %mul3A_652, %scan3A_580 : i32
        %add3A_654 = arith.constant 0 : i32
        %add3A_655 = arith.addi %mul3A_653, %add3A_654 : i32
        %swap3A_656 = arith.constant 0 : i32
        %swap3A_657 = arith.index_cast %swap3A_656 : i32 to index
        %swap3A_658 = arith.index_cast %add3A_655 : i32 to index
        %swap3A_659 = arith.constant 48 : index
        %swap3A_660 = tpu.vector_load %arg7[%swap3A_657, %swap3A_658, %swap3A_659] {strides = array<i32>} : memref<2x200x100xf32, #tpu.memory_space<vmem>>, vector<1x1x16xf32>,
        %swap3A_661 = vector.shape_cast %swap3A_660 : vector<1x1x16xf32> to vector<16xf32>
        %swap3A_662 = vector.shape_cast %get3A_651 : vector<16xf32> to vector<1x1x16xf32>
        tpu.vector_store %arg7[%swap3A_657, %swap3A_658, %swap3A_659], %swap3A_662 {strides = array<i32>} : memref<2x200x100xf32, #tpu.memory_space<vmem>>, vector<1x1x16xf32>,
        %mul3A_663 = arith.constant 4 : i32
        %mul3A_664 = arith.muli %mul3A_663, %scan3A_580 : i32
        %add3A_665 = arith.constant 0 : i32
        %add3A_666 = arith.addi %mul3A_664, %add3A_665 : i32
        %get3A_667 = arith.constant 0 : i32
        %get3A_668 = arith.index_cast %get3A_667 : i32 to index
        %get3A_669 = arith.index_cast %add3A_666 : i32 to index
        %get3A_670 = arith.constant 64 : index
        %get3A_671 = tpu.vector_load %arg6[%get3A_668, %get3A_669, %get3A_670] {strides = array<i32>} : memref<2x200x128xf32, #tpu.memory_space<vmem>>, vector<1x1x16xf32>,
        %get3A_672 = vector.shape_cast %get3A_671 : vector<1x1x16xf32> to vector<16xf32>
        %mul3A_673 = arith.constant 4 : i32
        %mul3A_674 = arith.muli %mul3A_673, %scan3A_580 : i32
        %add3A_675 = arith.constant 0 : i32
        %add3A_676 = arith.addi %mul3A_674, %add3A_675 : i32
        %swap3A_677 = arith.constant 0 : i32
        %swap3A_678 = arith.index_cast %swap3A_677 : i32 to index
        %swap3A_679 = arith.index_cast %add3A_676 : i32 to index
        %swap3A_680 = arith.constant 64 : index
        %swap3A_681 = tpu.vector_load %arg7[%swap3A_678, %swap3A_679, %swap3A_680] {strides = array<i32>} : memref<2x200x100xf32, #tpu.memory_space<vmem>>, vector<1x1x16xf32>,
        %swap3A_682 = vector.shape_cast %swap3A_681 : vector<1x1x16xf32> to vector<16xf32>
        %swap3A_683 = vector.shape_cast %get3A_672 : vector<16xf32> to vector<1x1x16xf32>
        tpu.vector_store %arg7[%swap3A_678, %swap3A_679, %swap3A_680], %swap3A_683 {strides = array<i32>} : memref<2x200x100xf32, #tpu.memory_space<vmem>>, vector<1x1x16xf32>,
        %mul3A_684 = arith.constant 4 : i32
        %mul3A_685 = arith.muli %mul3A_684, %scan3A_580 : i32
        %add3A_686 = arith.constant 0 : i32
        %add3A_687 = arith.addi %mul3A_685, %add3A_686 : i32
        %get3A_688 = arith.constant 0 : i32
        %get3A_689 = arith.index_cast %get3A_688 : i32 to index
        %get3A_690 = arith.index_cast %add3A_687 : i32 to index
        %get3A_691 = arith.constant 80 : index
        %get3A_692 = tpu.vector_load %arg6[%get3A_689, %get3A_690, %get3A_691] {strides = array<i32>} : memref<2x200x128xf32, #tpu.memory_space<vmem>>, vector<1x1x16xf32>,
        %get3A_693 = vector.shape_cast %get3A_692 : vector<1x1x16xf32> to vector<16xf32>
        %mul3A_694 = arith.constant 4 : i32
        %mul3A_695 = arith.muli %mul3A_694, %scan3A_580 : i32
        %add3A_696 = arith.constant 0 : i32
        %add3A_697 = arith.addi %mul3A_695, %add3A_696 : i32
        %swap3A_698 = arith.constant 0 : i32
        %swap3A_699 = arith.index_cast %swap3A_698 : i32 to index
        %swap3A_700 = arith.index_cast %add3A_697 : i32 to index
        %swap3A_701 = arith.constant 80 : index
        %swap3A_702 = tpu.vector_load %arg7[%swap3A_699, %swap3A_700, %swap3A_701] {strides = array<i32>} : memref<2x200x100xf32, #tpu.memory_space<vmem>>, vector<1x1x16xf32>,
        %swap3A_703 = vector.shape_cast %swap3A_702 : vector<1x1x16xf32> to vector<16xf32>
        %swap3A_704 = vector.shape_cast %get3A_693 : vector<16xf32> to vector<1x1x16xf32>
        tpu.vector_store %arg7[%swap3A_699, %swap3A_700, %swap3A_701], %swap3A_704 {strides = array<i32>} : memref<2x200x100xf32, #tpu.memory_space<vmem>>, vector<1x1x16xf32>,
        %mul3A_705 = arith.constant 4 : i32
        %mul3A_706 = arith.muli %mul3A_705, %scan3A_580 : i32
        %add3A_707 = arith.constant 0 : i32
        %add3A_708 = arith.addi %mul3A_706, %add3A_707 : i32
        %get3A_709 = arith.constant 0 : i32
        %get3A_710 = arith.index_cast %get3A_709 : i32 to index
        %get3A_711 = arith.index_cast %add3A_708 : i32 to index
        %get3A_712 = arith.constant 84 : index
        %get3A_713 = tpu.vector_load %arg6[%get3A_710, %get3A_711, %get3A_712] {strides = array<i32>} : memref<2x200x128xf32, #tpu.memory_space<vmem>>, vector<1x1x16xf32>,
        %get3A_714 = vector.shape_cast %get3A_713 : vector<1x1x16xf32> to vector<16xf32>
        %mul3A_715 = arith.constant 4 : i32
        %mul3A_716 = arith.muli %mul3A_715, %scan3A_580 : i32
        %add3A_717 = arith.constant 0 : i32
        %add3A_718 = arith.addi %mul3A_716, %add3A_717 : i32
        %swap3A_719 = arith.constant 0 : i32
        %swap3A_720 = arith.index_cast %swap3A_719 : i32 to index
        %swap3A_721 = arith.index_cast %add3A_718 : i32 to index
        %swap3A_722 = arith.constant 84 : index
        %swap3A_723 = tpu.vector_load %arg7[%swap3A_720, %swap3A_721, %swap3A_722] {strides = array<i32>} : memref<2x200x100xf32, #tpu.memory_space<vmem>>, vector<1x1x16xf32>,
        %swap3A_724 = vector.shape_cast %swap3A_723 : vector<1x1x16xf32> to vector<16xf32>
        %swap3A_725 = vector.shape_cast %get3A_714 : vector<16xf32> to vector<1x1x16xf32>
        tpu.vector_store %arg7[%swap3A_720, %swap3A_721, %swap3A_722], %swap3A_725 {strides = array<i32>} : memref<2x200x100xf32, #tpu.memory_space<vmem>>, vector<1x1x16xf32>,
        %mul3A_726 = arith.constant 4 : i32
        %mul3A_727 = arith.muli %mul3A_726, %scan3A_580 : i32
        %add3A_728 = arith.constant 1 : i32
        %add3A_729 = arith.addi %mul3A_727, %add3A_728 : i32
        %get3A_730 = arith.constant 0 : i32
        %get3A_731 = arith.index_cast %get3A_730 : i32 to index
        %get3A_732 = arith.index_cast %add3A_729 : i32 to index
        %get3A_733 = arith.constant 0 : index
        %get3A_734 = tpu.vector_load %arg6[%get3A_731, %get3A_732, %get3A_733] {strides = array<i32>} : memref<2x200x128xf32, #tpu.memory_space<vmem>>, vector<1x1x16xf32>,
        %get3A_735 = vector.shape_cast %get3A_734 : vector<1x1x16xf32> to vector<16xf32>
        %mul3A_736 = arith.constant 4 : i32
        %mul3A_737 = arith.muli %mul3A_736, %scan3A_580 : i32
        %add3A_738 = arith.constant 1 : i32
        %add3A_739 = arith.addi %mul3A_737, %add3A_738 : i32
        %swap3A_740 = arith.constant 0 : i32
        %swap3A_741 = arith.index_cast %swap3A_740 : i32 to index
        %swap3A_742 = arith.index_cast %add3A_739 : i32 to index
        %swap3A_743 = arith.constant 0 : index
        %swap3A_744 = tpu.vector_load %arg7[%swap3A_741, %swap3A_742, %swap3A_743] {strides = array<i32>} : memref<2x200x100xf32, #tpu.memory_space<vmem>>, vector<1x1x16xf32>,
        %swap3A_745 = vector.shape_cast %swap3A_744 : vector<1x1x16xf32> to vector<16xf32>
        %swap3A_746 = vector.shape_cast %get3A_735 : vector<16xf32> to vector<1x1x16xf32>
        tpu.vector_store %arg7[%swap3A_741, %swap3A_742, %swap3A_743], %swap3A_746 {strides = array<i32>} : memref<2x200x100xf32, #tpu.memory_space<vmem>>, vector<1x1x16xf32>,
        %mul3A_747 = arith.constant 4 : i32
        %mul3A_748 = arith.muli %mul3A_747, %scan3A_580 : i32
        %add3A_749 = arith.constant 1 : i32
        %add3A_750 = arith.addi %mul3A_748, %add3A_749 : i32
        %get3A_751 = arith.constant 0 : i32
        %get3A_752 = arith.index_cast %get3A_751 : i32 to index
        %get3A_753 = arith.index_cast %add3A_750 : i32 to index
        %get3A_754 = arith.constant 16 : index
        %get3A_755 = tpu.vector_load %arg6[%get3A_752, %get3A_753, %get3A_754] {strides = array<i32>} : memref<2x200x128xf32, #tpu.memory_space<vmem>>, vector<1x1x16xf32>,
        %get3A_756 = vector.shape_cast %get3A_755 : vector<1x1x16xf32> to vector<16xf32>
        %mul3A_757 = arith.constant 4 : i32
        %mul3A_758 = arith.muli %mul3A_757, %scan3A_580 : i32
        %add3A_759 = arith.constant 1 : i32
        %add3A_760 = arith.addi %mul3A_758, %add3A_759 : i32
        %swap3A_761 = arith.constant 0 : i32
        %swap3A_762 = arith.index_cast %swap3A_761 : i32 to index
        %swap3A_763 = arith.index_cast %add3A_760 : i32 to index
        %swap3A_764 = arith.constant 16 : index
        %swap3A_765 = tpu.vector_load %arg7[%swap3A_762, %swap3A_763, %swap3A_764] {strides = array<i32>} : memref<2x200x100xf32, #tpu.memory_space<vmem>>, vector<1x1x16xf32>,
        %swap3A_766 = vector.shape_cast %swap3A_765 : vector<1x1x16xf32> to vector<16xf32>
        %swap3A_767 = vector.shape_cast %get3A_756 : vector<16xf32> to vector<1x1x16xf32>
        tpu.vector_store %arg7[%swap3A_762, %swap3A_763, %swap3A_764], %swap3A_767 {strides = array<i32>} : memref<2x200x100xf32, #tpu.memory_space<vmem>>, vector<1x1x16xf32>,
        %mul3A_768 = arith.constant 4 : i32
        %mul3A_769 = arith.muli %mul3A_768, %scan3A_580 : i32
        %add3A_770 = arith.constant 1 : i32
        %add3A_771 = arith.addi %mul3A_769, %add3A_770 : i32
        %get3A_772 = arith.constant 0 : i32
        %get3A_773 = arith.index_cast %get3A_772 : i32 to index
        %get3A_774 = arith.index_cast %add3A_771 : i32 to index
        %get3A_775 = arith.constant 32 : index
        %get3A_776 = tpu.vector_load %arg6[%get3A_773, %get3A_774, %get3A_775] {strides = array<i32>} : memref<2x200x128xf32, #tpu.memory_space<vmem>>, vector<1x1x16xf32>,
        %get3A_777 = vector.shape_cast %get3A_776 : vector<1x1x16xf32> to vector<16xf32>
        %mul3A_778 = arith.constant 4 : i32
        %mul3A_779 = arith.muli %mul3A_778, %scan3A_580 : i32
        %add3A_780 = arith.constant 1 : i32
        %add3A_781 = arith.addi %mul3A_779, %add3A_780 : i32
        %swap3A_782 = arith.constant 0 : i32
        %swap3A_783 = arith.index_cast %swap3A_782 : i32 to index
        %swap3A_784 = arith.index_cast %add3A_781 : i32 to index
        %swap3A_785 = arith.constant 32 : index
        %swap3A_786 = tpu.vector_load %arg7[%swap3A_783, %swap3A_784, %swap3A_785] {strides = array<i32>} : memref<2x200x100xf32, #tpu.memory_space<vmem>>, vector<1x1x16xf32>,
        %swap3A_787 = vector.shape_cast %swap3A_786 : vector<1x1x16xf32> to vector<16xf32>
        %swap3A_788 = vector.shape_cast %get3A_777 : vector<16xf32> to vector<1x1x16xf32>
        tpu.vector_store %arg7[%swap3A_783, %swap3A_784, %swap3A_785], %swap3A_788 {strides = array<i32>} : memref<2x200x100xf32, #tpu.memory_space<vmem>>, vector<1x1x16xf32>,
        %mul3A_789 = arith.constant 4 : i32
        %mul3A_790 = arith.muli %mul3A_789, %scan3A_580 : i32
        %add3A_791 = arith.constant 1 : i32
        %add3A_792 = arith.addi %mul3A_790, %add3A_791 : i32
        %get3A_793 = arith.constant 0 : i32
        %get3A_794 = arith.index_cast %get3A_793 : i32 to index
        %get3A_795 = arith.index_cast %add3A_792 : i32 to index
        %get3A_796 = arith.constant 48 : index
        %get3A_797 = tpu.vector_load %arg6[%get3A_794, %get3A_795, %get3A_796] {strides = array<i32>} : memref<2x200x128xf32, #tpu.memory_space<vmem>>, vector<1x1x16xf32>,
        %get3A_798 = vector.shape_cast %get3A_797 : vector<1x1x16xf32> to vector<16xf32>
        %mul3A_799 = arith.constant 4 : i32
        %mul3A_800 = arith.muli %mul3A_799, %scan3A_580 : i32
        %add3A_801 = arith.constant 1 : i32
        %add3A_802 = arith.addi %mul3A_800, %add3A_801 : i32
        %swap3A_803 = arith.constant 0 : i32
        %swap3A_804 = arith.index_cast %swap3A_803 : i32 to index
        %swap3A_805 = arith.index_cast %add3A_802 : i32 to index
        %swap3A_806 = arith.constant 48 : index
        %swap3A_807 = tpu.vector_load %arg7[%swap3A_804, %swap3A_805, %swap3A_806] {strides = array<i32>} : memref<2x200x100xf32, #tpu.memory_space<vmem>>, vector<1x1x16xf32>,
        %swap3A_808 = vector.shape_cast %swap3A_807 : vector<1x1x16xf32> to vector<16xf32>
        %swap3A_809 = vector.shape_cast %get3A_798 : vector<16xf32> to vector<1x1x16xf32>
        tpu.vector_store %arg7[%swap3A_804, %swap3A_805, %swap3A_806], %swap3A_809 {strides = array<i32>} : memref<2x200x100xf32, #tpu.memory_space<vmem>>, vector<1x1x16xf32>,
        %mul3A_810 = arith.constant 4 : i32
        %mul3A_811 = arith.muli %mul3A_810, %scan3A_580 : i32
        %add3A_812 = arith.constant 1 : i32
        %add3A_813 = arith.addi %mul3A_811, %add3A_812 : i32
        %get3A_814 = arith.constant 0 : i32
        %get3A_815 = arith.index_cast %get3A_814 : i32 to index
        %get3A_816 = arith.index_cast %add3A_813 : i32 to index
        %get3A_817 = arith.constant 64 : index
        %get3A_818 = tpu.vector_load %arg6[%get3A_815, %get3A_816, %get3A_817] {strides = array<i32>} : memref<2x200x128xf32, #tpu.memory_space<vmem>>, vector<1x1x16xf32>,
        %get3A_819 = vector.shape_cast %get3A_818 : vector<1x1x16xf32> to vector<16xf32>
        %mul3A_820 = arith.constant 4 : i32
        %mul3A_821 = arith.muli %mul3A_820, %scan3A_580 : i32
        %add3A_822 = arith.constant 1 : i32
        %add3A_823 = arith.addi %mul3A_821, %add3A_822 : i32
        %swap3A_824 = arith.constant 0 : i32
        %swap3A_825 = arith.index_cast %swap3A_824 : i32 to index
        %swap3A_826 = arith.index_cast %add3A_823 : i32 to index
        %swap3A_827 = arith.constant 64 : index
        %swap3A_828 = tpu.vector_load %arg7[%swap3A_825, %swap3A_826, %swap3A_827] {strides = array<i32>} : memref<2x200x100xf32, #tpu.memory_space<vmem>>, vector<1x1x16xf32>,
        %swap3A_829 = vector.shape_cast %swap3A_828 : vector<1x1x16xf32> to vector<16xf32>
        %swap3A_830 = vector.shape_cast %get3A_819 : vector<16xf32> to vector<1x1x16xf32>
        tpu.vector_store %arg7[%swap3A_825, %swap3A_826, %swap3A_827], %swap3A_830 {strides = array<i32>} : memref<2x200x100xf32, #tpu.memory_space<vmem>>, vector<1x1x16xf32>,
        %mul3A_831 = arith.constant 4 : i32
        %mul3A_832 = arith.muli %mul3A_831, %scan3A_580 : i32
        %add3A_833 = arith.constant 1 : i32
        %add3A_834 = arith.addi %mul3A_832, %add3A_833 : i32
        %get3A_835 = arith.constant 0 : i32
        %get3A_836 = arith.index_cast %get3A_835 : i32 to index
        %get3A_837 = arith.index_cast %add3A_834 : i32 to index
        %get3A_838 = arith.constant 80 : index
        %get3A_839 = tpu.vector_load %arg6[%get3A_836, %get3A_837, %get3A_838] {strides = array<i32>} : memref<2x200x128xf32, #tpu.memory_space<vmem>>, vector<1x1x16xf32>,
        %get3A_840 = vector.shape_cast %get3A_839 : vector<1x1x16xf32> to vector<16xf32>
        %mul3A_841 = arith.constant 4 : i32
        %mul3A_842 = arith.muli %mul3A_841, %scan3A_580 : i32
        %add3A_843 = arith.constant 1 : i32
        %add3A_844 = arith.addi %mul3A_842, %add3A_843 : i32
        %swap3A_845 = arith.constant 0 : i32
        %swap3A_846 = arith.index_cast %swap3A_845 : i32 to index
        %swap3A_847 = arith.index_cast %add3A_844 : i32 to index
        %swap3A_848 = arith.constant 80 : index
        %swap3A_849 = tpu.vector_load %arg7[%swap3A_846, %swap3A_847, %swap3A_848] {strides = array<i32>} : memref<2x200x100xf32, #tpu.memory_space<vmem>>, vector<1x1x16xf32>,
        %swap3A_850 = vector.shape_cast %swap3A_849 : vector<1x1x16xf32> to vector<16xf32>
        %swap3A_851 = vector.shape_cast %get3A_840 : vector<16xf32> to vector<1x1x16xf32>
        tpu.vector_store %arg7[%swap3A_846, %swap3A_847, %swap3A_848], %swap3A_851 {strides = array<i32>} : memref<2x200x100xf32, #tpu.memory_space<vmem>>, vector<1x1x16xf32>,
        %mul3A_852 = arith.constant 4 : i32
        %mul3A_853 = arith.muli %mul3A_852, %scan3A_580 : i32
        %add3A_854 = arith.constant 1 : i32
        %add3A_855 = arith.addi %mul3A_853, %add3A_854 : i32
        %get3A_856 = arith.constant 0 : i32
        %get3A_857 = arith.index_cast %get3A_856 : i32 to index
        %get3A_858 = arith.index_cast %add3A_855 : i32 to index
        %get3A_859 = arith.constant 84 : index
        %get3A_860 = tpu.vector_load %arg6[%get3A_857, %get3A_858, %get3A_859] {strides = array<i32>} : memref<2x200x128xf32, #tpu.memory_space<vmem>>, vector<1x1x16xf32>,
        %get3A_861 = vector.shape_cast %get3A_860 : vector<1x1x16xf32> to vector<16xf32>
        %mul3A_862 = arith.constant 4 : i32
        %mul3A_863 = arith.muli %mul3A_862, %scan3A_580 : i32
        %add3A_864 = arith.constant 1 : i32
        %add3A_865 = arith.addi %mul3A_863, %add3A_864 : i32
        %swap3A_866 = arith.constant 0 : i32
        %swap3A_867 = arith.index_cast %swap3A_866 : i32 to index
        %swap3A_868 = arith.index_cast %add3A_865 : i32 to index
        %swap3A_869 = arith.constant 84 : index
        %swap3A_870 = tpu.vector_load %arg7[%swap3A_867, %swap3A_868, %swap3A_869] {strides = array<i32>} : memref<2x200x100xf32, #tpu.memory_space<vmem>>, vector<1x1x16xf32>,
        %swap3A_871 = vector.shape_cast %swap3A_870 : vector<1x1x16xf32> to vector<16xf32>
        %swap3A_872 = vector.shape_cast %get3A_861 : vector<16xf32> to vector<1x1x16xf32>
        tpu.vector_store %arg7[%swap3A_867, %swap3A_868, %swap3A_869], %swap3A_872 {strides = array<i32>} : memref<2x200x100xf32, #tpu.memory_space<vmem>>, vector<1x1x16xf32>,
        %mul3A_873 = arith.constant 4 : i32
        %mul3A_874 = arith.muli %mul3A_873, %scan3A_580 : i32
        %add3A_875 = arith.constant 2 : i32
        %add3A_876 = arith.addi %mul3A_874, %add3A_875 : i32
        %get3A_877 = arith.constant 0 : i32
        %get3A_878 = arith.index_cast %get3A_877 : i32 to index
        %get3A_879 = arith.index_cast %add3A_876 : i32 to index
        %get3A_880 = arith.constant 0 : index
        %get3A_881 = tpu.vector_load %arg6[%get3A_878, %get3A_879, %get3A_880] {strides = array<i32>} : memref<2x200x128xf32, #tpu.memory_space<vmem>>, vector<1x1x16xf32>,
        %get3A_882 = vector.shape_cast %get3A_881 : vector<1x1x16xf32> to vector<16xf32>
        %mul3A_883 = arith.constant 4 : i32
        %mul3A_884 = arith.muli %mul3A_883, %scan3A_580 : i32
        %add3A_885 = arith.constant 2 : i32
        %add3A_886 = arith.addi %mul3A_884, %add3A_885 : i32
        %swap3A_887 = arith.constant 0 : i32
        %swap3A_888 = arith.index_cast %swap3A_887 : i32 to index
        %swap3A_889 = arith.index_cast %add3A_886 : i32 to index
        %swap3A_890 = arith.constant 0 : index
        %swap3A_891 = tpu.vector_load %arg7[%swap3A_888, %swap3A_889, %swap3A_890] {strides = array<i32>} : memref<2x200x100xf32, #tpu.memory_space<vmem>>, vector<1x1x16xf32>,
        %swap3A_892 = vector.shape_cast %swap3A_891 : vector<1x1x16xf32> to vector<16xf32>
        %swap3A_893 = vector.shape_cast %get3A_882 : vector<16xf32> to vector<1x1x16xf32>
        tpu.vector_store %arg7[%swap3A_888, %swap3A_889, %swap3A_890], %swap3A_893 {strides = array<i32>} : memref<2x200x100xf32, #tpu.memory_space<vmem>>, vector<1x1x16xf32>,
        %mul3A_894 = arith.constant 4 : i32
        %mul3A_895 = arith.muli %mul3A_894, %scan3A_580 : i32
        %add3A_896 = arith.constant 2 : i32
        %add3A_897 = arith.addi %mul3A_895, %add3A_896 : i32
        %get3A_898 = arith.constant 0 : i32
        %get3A_899 = arith.index_cast %get3A_898 : i32 to index
        %get3A_900 = arith.index_cast %add3A_897 : i32 to index
        %get3A_901 = arith.constant 16 : index
        %get3A_902 = tpu.vector_load %arg6[%get3A_899, %get3A_900, %get3A_901] {strides = array<i32>} : memref<2x200x128xf32, #tpu.memory_space<vmem>>, vector<1x1x16xf32>,
        %get3A_903 = vector.shape_cast %get3A_902 : vector<1x1x16xf32> to vector<16xf32>
        %mul3A_904 = arith.constant 4 : i32
        %mul3A_905 = arith.muli %mul3A_904, %scan3A_580 : i32
        %add3A_906 = arith.constant 2 : i32
        %add3A_907 = arith.addi %mul3A_905, %add3A_906 : i32
        %swap3A_908 = arith.constant 0 : i32
        %swap3A_909 = arith.index_cast %swap3A_908 : i32 to index
        %swap3A_910 = arith.index_cast %add3A_907 : i32 to index
        %swap3A_911 = arith.constant 16 : index
        %swap3A_912 = tpu.vector_load %arg7[%swap3A_909, %swap3A_910, %swap3A_911] {strides = array<i32>} : memref<2x200x100xf32, #tpu.memory_space<vmem>>, vector<1x1x16xf32>,
        %swap3A_913 = vector.shape_cast %swap3A_912 : vector<1x1x16xf32> to vector<16xf32>
        %swap3A_914 = vector.shape_cast %get3A_903 : vector<16xf32> to vector<1x1x16xf32>
        tpu.vector_store %arg7[%swap3A_909, %swap3A_910, %swap3A_911], %swap3A_914 {strides = array<i32>} : memref<2x200x100xf32, #tpu.memory_space<vmem>>, vector<1x1x16xf32>,
        %mul3A_915 = arith.constant 4 : i32
        %mul3A_916 = arith.muli %mul3A_915, %scan3A_580 : i32
        %add3A_917 = arith.constant 2 : i32
        %add3A_918 = arith.addi %mul3A_916, %add3A_917 : i32
        %get3A_919 = arith.constant 0 : i32
        %get3A_920 = arith.index_cast %get3A_919 : i32 to index
        %get3A_921 = arith.index_cast %add3A_918 : i32 to index
        %get3A_922 = arith.constant 32 : index
        %get3A_923 = tpu.vector_load %arg6[%get3A_920, %get3A_921, %get3A_922] {strides = array<i32>} : memref<2x200x128xf32, #tpu.memory_space<vmem>>, vector<1x1x16xf32>,
        %get3A_924 = vector.shape_cast %get3A_923 : vector<1x1x16xf32> to vector<16xf32>
        %mul3A_925 = arith.constant 4 : i32
        %mul3A_926 = arith.muli %mul3A_925, %scan3A_580 : i32
        %add3A_927 = arith.constant 2 : i32
        %add3A_928 = arith.addi %mul3A_926, %add3A_927 : i32
        %swap3A_929 = arith.constant 0 : i32
        %swap3A_930 = arith.index_cast %swap3A_929 : i32 to index
        %swap3A_931 = arith.index_cast %add3A_928 : i32 to index
        %swap3A_932 = arith.constant 32 : index
        %swap3A_933 = tpu.vector_load %arg7[%swap3A_930, %swap3A_931, %swap3A_932] {strides = array<i32>} : memref<2x200x100xf32, #tpu.memory_space<vmem>>, vector<1x1x16xf32>,
        %swap3A_934 = vector.shape_cast %swap3A_933 : vector<1x1x16xf32> to vector<16xf32>
        %swap3A_935 = vector.shape_cast %get3A_924 : vector<16xf32> to vector<1x1x16xf32>
        tpu.vector_store %arg7[%swap3A_930, %swap3A_931, %swap3A_932], %swap3A_935 {strides = array<i32>} : memref<2x200x100xf32, #tpu.memory_space<vmem>>, vector<1x1x16xf32>,
        %mul3A_936 = arith.constant 4 : i32
        %mul3A_937 = arith.muli %mul3A_936, %scan3A_580 : i32
        %add3A_938 = arith.constant 2 : i32
        %add3A_939 = arith.addi %mul3A_937, %add3A_938 : i32
        %get3A_940 = arith.constant 0 : i32
        %get3A_941 = arith.index_cast %get3A_940 : i32 to index
        %get3A_942 = arith.index_cast %add3A_939 : i32 to index
        %get3A_943 = arith.constant 48 : index
        %get3A_944 = tpu.vector_load %arg6[%get3A_941, %get3A_942, %get3A_943] {strides = array<i32>} : memref<2x200x128xf32, #tpu.memory_space<vmem>>, vector<1x1x16xf32>,
        %get3A_945 = vector.shape_cast %get3A_944 : vector<1x1x16xf32> to vector<16xf32>
        %mul3A_946 = arith.constant 4 : i32
        %mul3A_947 = arith.muli %mul3A_946, %scan3A_580 : i32
        %add3A_948 = arith.constant 2 : i32
        %add3A_949 = arith.addi %mul3A_947, %add3A_948 : i32
        %swap3A_950 = arith.constant 0 : i32
        %swap3A_951 = arith.index_cast %swap3A_950 : i32 to index
        %swap3A_952 = arith.index_cast %add3A_949 : i32 to index
        %swap3A_953 = arith.constant 48 : index
        %swap3A_954 = tpu.vector_load %arg7[%swap3A_951, %swap3A_952, %swap3A_953] {strides = array<i32>} : memref<2x200x100xf32, #tpu.memory_space<vmem>>, vector<1x1x16xf32>,
        %swap3A_955 = vector.shape_cast %swap3A_954 : vector<1x1x16xf32> to vector<16xf32>
        %swap3A_956 = vector.shape_cast %get3A_945 : vector<16xf32> to vector<1x1x16xf32>
        tpu.vector_store %arg7[%swap3A_951, %swap3A_952, %swap3A_953], %swap3A_956 {strides = array<i32>} : memref<2x200x100xf32, #tpu.memory_space<vmem>>, vector<1x1x16xf32>,
        %mul3A_957 = arith.constant 4 : i32
        %mul3A_958 = arith.muli %mul3A_957, %scan3A_580 : i32
        %add3A_959 = arith.constant 2 : i32
        %add3A_960 = arith.addi %mul3A_958, %add3A_959 : i32
        %get3A_961 = arith.constant 0 : i32
        %get3A_962 = arith.index_cast %get3A_961 : i32 to index
        %get3A_963 = arith.index_cast %add3A_960 : i32 to index
        %get3A_964 = arith.constant 64 : index
        %get3A_965 = tpu.vector_load %arg6[%get3A_962, %get3A_963, %get3A_964] {strides = array<i32>} : memref<2x200x128xf32, #tpu.memory_space<vmem>>, vector<1x1x16xf32>,
        %get3A_966 = vector.shape_cast %get3A_965 : vector<1x1x16xf32> to vector<16xf32>
        %mul3A_967 = arith.constant 4 : i32
        %mul3A_968 = arith.muli %mul3A_967, %scan3A_580 : i32
        %add3A_969 = arith.constant 2 : i32
        %add3A_970 = arith.addi %mul3A_968, %add3A_969 : i32
        %swap3A_971 = arith.constant 0 : i32
        %swap3A_972 = arith.index_cast %swap3A_971 : i32 to index
        %swap3A_973 = arith.index_cast %add3A_970 : i32 to index
        %swap3A_974 = arith.constant 64 : index
        %swap3A_975 = tpu.vector_load %arg7[%swap3A_972, %swap3A_973, %swap3A_974] {strides = array<i32>} : memref<2x200x100xf32, #tpu.memory_space<vmem>>, vector<1x1x16xf32>,
        %swap3A_976 = vector.shape_cast %swap3A_975 : vector<1x1x16xf32> to vector<16xf32>
        %swap3A_977 = vector.shape_cast %get3A_966 : vector<16xf32> to vector<1x1x16xf32>
        tpu.vector_store %arg7[%swap3A_972, %swap3A_973, %swap3A_974], %swap3A_977 {strides = array<i32>} : memref<2x200x100xf32, #tpu.memory_space<vmem>>, vector<1x1x16xf32>,
        %mul3A_978 = arith.constant 4 : i32
        %mul3A_979 = arith.muli %mul3A_978, %scan3A_580 : i32
        %add3A_980 = arith.constant 2 : i32
        %add3A_981 = arith.addi %mul3A_979, %add3A_980 : i32
        %get3A_982 = arith.constant 0 : i32
        %get3A_983 = arith.index_cast %get3A_982 : i32 to index
        %get3A_984 = arith.index_cast %add3A_981 : i32 to index
        %get3A_985 = arith.constant 80 : index
        %get3A_986 = tpu.vector_load %arg6[%get3A_983, %get3A_984, %get3A_985] {strides = array<i32>} : memref<2x200x128xf32, #tpu.memory_space<vmem>>, vector<1x1x16xf32>,
        %get3A_987 = vector.shape_cast %get3A_986 : vector<1x1x16xf32> to vector<16xf32>
        %mul3A_988 = arith.constant 4 : i32
        %mul3A_989 = arith.muli %mul3A_988, %scan3A_580 : i32
        %add3A_990 = arith.constant 2 : i32
        %add3A_991 = arith.addi %mul3A_989, %add3A_990 : i32
        %swap3A_992 = arith.constant 0 : i32
        %swap3A_993 = arith.index_cast %swap3A_992 : i32 to index
        %swap3A_994 = arith.index_cast %add3A_991 : i32 to index
        %swap3A_995 = arith.constant 80 : index
        %swap3A_996 = tpu.vector_load %arg7[%swap3A_993, %swap3A_994, %swap3A_995] {strides = array<i32>} : memref<2x200x100xf32, #tpu.memory_space<vmem>>, vector<1x1x16xf32>,
        %swap3A_997 = vector.shape_cast %swap3A_996 : vector<1x1x16xf32> to vector<16xf32>
        %swap3A_998 = vector.shape_cast %get3A_987 : vector<16xf32> to vector<1x1x16xf32>
        tpu.vector_store %arg7[%swap3A_993, %swap3A_994, %swap3A_995], %swap3A_998 {strides = array<i32>} : memref<2x200x100xf32, #tpu.memory_space<vmem>>, vector<1x1x16xf32>,
        %mul3A_999 = arith.constant 4 : i32
        %mul3A_1000 = arith.muli %mul3A_999, %scan3A_580 : i32
        %add3A_1001 = arith.constant 2 : i32
        %add3A_1002 = arith.addi %mul3A_1000, %add3A_1001 : i32
        %get3A_1003 = arith.constant 0 : i32
        %get3A_1004 = arith.index_cast %get3A_1003 : i32 to index
        %get3A_1005 = arith.index_cast %add3A_1002 : i32 to index
        %get3A_1006 = arith.constant 84 : index
        %get3A_1007 = tpu.vector_load %arg6[%get3A_1004, %get3A_1005, %get3A_1006] {strides = array<i32>} : memref<2x200x128xf32, #tpu.memory_space<vmem>>, vector<1x1x16xf32>,
        %get3A_1008 = vector.shape_cast %get3A_1007 : vector<1x1x16xf32> to vector<16xf32>
        %mul3A_1009 = arith.constant 4 : i32
        %mul3A_1010 = arith.muli %mul3A_1009, %scan3A_580 : i32
        %add3A_1011 = arith.constant 2 : i32
        %add3A_1012 = arith.addi %mul3A_1010, %add3A_1011 : i32
        %swap3A_1013 = arith.constant 0 : i32
        %swap3A_1014 = arith.index_cast %swap3A_1013 : i32 to index
        %swap3A_1015 = arith.index_cast %add3A_1012 : i32 to index
        %swap3A_1016 = arith.constant 84 : index
        %swap3A_1017 = tpu.vector_load %arg7[%swap3A_1014, %swap3A_1015, %swap3A_1016] {strides = array<i32>} : memref<2x200x100xf32, #tpu.memory_space<vmem>>, vector<1x1x16xf32>,
        %swap3A_1018 = vector.shape_cast %swap3A_1017 : vector<1x1x16xf32> to vector<16xf32>
        %swap3A_1019 = vector.shape_cast %get3A_1008 : vector<16xf32> to vector<1x1x16xf32>
        tpu.vector_store %arg7[%swap3A_1014, %swap3A_1015, %swap3A_1016], %swap3A_1019 {strides = array<i32>} : memref<2x200x100xf32, #tpu.memory_space<vmem>>, vector<1x1x16xf32>,
        %mul3A_1020 = arith.constant 4 : i32
        %mul3A_1021 = arith.muli %mul3A_1020, %scan3A_580 : i32
        %add3A_1022 = arith.constant 3 : i32
        %add3A_1023 = arith.addi %mul3A_1021, %add3A_1022 : i32
        %get3A_1024 = arith.constant 0 : i32
        %get3A_1025 = arith.index_cast %get3A_1024 : i32 to index
        %get3A_1026 = arith.index_cast %add3A_1023 : i32 to index
        %get3A_1027 = arith.constant 0 : index
        %get3A_1028 = tpu.vector_load %arg6[%get3A_1025, %get3A_1026, %get3A_1027] {strides = array<i32>} : memref<2x200x128xf32, #tpu.memory_space<vmem>>, vector<1x1x16xf32>,
        %get3A_1029 = vector.shape_cast %get3A_1028 : vector<1x1x16xf32> to vector<16xf32>
        %mul3A_1030 = arith.constant 4 : i32
        %mul3A_1031 = arith.muli %mul3A_1030, %scan3A_580 : i32
        %add3A_1032 = arith.constant 3 : i32
        %add3A_1033 = arith.addi %mul3A_1031, %add3A_1032 : i32
        %swap3A_1034 = arith.constant 0 : i32
        %swap3A_1035 = arith.index_cast %swap3A_1034 : i32 to index
        %swap3A_1036 = arith.index_cast %add3A_1033 : i32 to index
        %swap3A_1037 = arith.constant 0 : index
        %swap3A_1038 = tpu.vector_load %arg7[%swap3A_1035, %swap3A_1036, %swap3A_1037] {strides = array<i32>} : memref<2x200x100xf32, #tpu.memory_space<vmem>>, vector<1x1x16xf32>,
        %swap3A_1039 = vector.shape_cast %swap3A_1038 : vector<1x1x16xf32> to vector<16xf32>
        %swap3A_1040 = vector.shape_cast %get3A_1029 : vector<16xf32> to vector<1x1x16xf32>
        tpu.vector_store %arg7[%swap3A_1035, %swap3A_1036, %swap3A_1037], %swap3A_1040 {strides = array<i32>} : memref<2x200x100xf32, #tpu.memory_space<vmem>>, vector<1x1x16xf32>,
        %mul3A_1041 = arith.constant 4 : i32
        %mul3A_1042 = arith.muli %mul3A_1041, %scan3A_580 : i32
        %add3A_1043 = arith.constant 3 : i32
        %add3A_1044 = arith.addi %mul3A_1042, %add3A_1043 : i32
        %get3A_1045 = arith.constant 0 : i32
        %get3A_1046 = arith.index_cast %get3A_1045 : i32 to index
        %get3A_1047 = arith.index_cast %add3A_1044 : i32 to index
        %get3A_1048 = arith.constant 16 : index
        %get3A_1049 = tpu.vector_load %arg6[%get3A_1046, %get3A_1047, %get3A_1048] {strides = array<i32>} : memref<2x200x128xf32, #tpu.memory_space<vmem>>, vector<1x1x16xf32>,
        %get3A_1050 = vector.shape_cast %get3A_1049 : vector<1x1x16xf32> to vector<16xf32>
        %mul3A_1051 = arith.constant 4 : i32
        %mul3A_1052 = arith.muli %mul3A_1051, %scan3A_580 : i32
        %add3A_1053 = arith.constant 3 : i32
        %add3A_1054 = arith.addi %mul3A_1052, %add3A_1053 : i32
        %swap3A_1055 = arith.constant 0 : i32
        %swap3A_1056 = arith.index_cast %swap3A_1055 : i32 to index
        %swap3A_1057 = arith.index_cast %add3A_1054 : i32 to index
        %swap3A_1058 = arith.constant 16 : index
        %swap3A_1059 = tpu.vector_load %arg7[%swap3A_1056, %swap3A_1057, %swap3A_1058] {strides = array<i32>} : memref<2x200x100xf32, #tpu.memory_space<vmem>>, vector<1x1x16xf32>,
        %swap3A_1060 = vector.shape_cast %swap3A_1059 : vector<1x1x16xf32> to vector<16xf32>
        %swap3A_1061 = vector.shape_cast %get3A_1050 : vector<16xf32> to vector<1x1x16xf32>
        tpu.vector_store %arg7[%swap3A_1056, %swap3A_1057, %swap3A_1058], %swap3A_1061 {strides = array<i32>} : memref<2x200x100xf32, #tpu.memory_space<vmem>>, vector<1x1x16xf32>,
        %mul3A_1062 = arith.constant 4 : i32
        %mul3A_1063 = arith.muli %mul3A_1062, %scan3A_580 : i32
        %add3A_1064 = arith.constant 3 : i32
        %add3A_1065 = arith.addi %mul3A_1063, %add3A_1064 : i32
        %get3A_1066 = arith.constant 0 : i32
        %get3A_1067 = arith.index_cast %get3A_1066 : i32 to index
        %get3A_1068 = arith.index_cast %add3A_1065 : i32 to index
        %get3A_1069 = arith.constant 32 : index
        %get3A_1070 = tpu.vector_load %arg6[%get3A_1067, %get3A_1068, %get3A_1069] {strides = array<i32>} : memref<2x200x128xf32, #tpu.memory_space<vmem>>, vector<1x1x16xf32>,
        %get3A_1071 = vector.shape_cast %get3A_1070 : vector<1x1x16xf32> to vector<16xf32>
        %mul3A_1072 = arith.constant 4 : i32
        %mul3A_1073 = arith.muli %mul3A_1072, %scan3A_580 : i32
        %add3A_1074 = arith.constant 3 : i32
        %add3A_1075 = arith.addi %mul3A_1073, %add3A_1074 : i32
        %swap3A_1076 = arith.constant 0 : i32
        %swap3A_1077 = arith.index_cast %swap3A_1076 : i32 to index
        %swap3A_1078 = arith.index_cast %add3A_1075 : i32 to index
        %swap3A_1079 = arith.constant 32 : index
        %swap3A_1080 = tpu.vector_load %arg7[%swap3A_1077, %swap3A_1078, %swap3A_1079] {strides = array<i32>} : memref<2x200x100xf32, #tpu.memory_space<vmem>>, vector<1x1x16xf32>,
        %swap3A_1081 = vector.shape_cast %swap3A_1080 : vector<1x1x16xf32> to vector<16xf32>
        %swap3A_1082 = vector.shape_cast %get3A_1071 : vector<16xf32> to vector<1x1x16xf32>
        tpu.vector_store %arg7[%swap3A_1077, %swap3A_1078, %swap3A_1079], %swap3A_1082 {strides = array<i32>} : memref<2x200x100xf32, #tpu.memory_space<vmem>>, vector<1x1x16xf32>,
        %mul3A_1083 = arith.constant 4 : i32
        %mul3A_1084 = arith.muli %mul3A_1083, %scan3A_580 : i32
        %add3A_1085 = arith.constant 3 : i32
        %add3A_1086 = arith.addi %mul3A_1084, %add3A_1085 : i32
        %get3A_1087 = arith.constant 0 : i32
        %get3A_1088 = arith.index_cast %get3A_1087 : i32 to index
        %get3A_1089 = arith.index_cast %add3A_1086 : i32 to index
        %get3A_1090 = arith.constant 48 : index
        %get3A_1091 = tpu.vector_load %arg6[%get3A_1088, %get3A_1089, %get3A_1090] {strides = array<i32>} : memref<2x200x128xf32, #tpu.memory_space<vmem>>, vector<1x1x16xf32>,
        %get3A_1092 = vector.shape_cast %get3A_1091 : vector<1x1x16xf32> to vector<16xf32>
        %mul3A_1093 = arith.constant 4 : i32
        %mul3A_1094 = arith.muli %mul3A_1093, %scan3A_580 : i32
        %add3A_1095 = arith.constant 3 : i32
        %add3A_1096 = arith.addi %mul3A_1094, %add3A_1095 : i32
        %swap3A_1097 = arith.constant 0 : i32
        %swap3A_1098 = arith.index_cast %swap3A_1097 : i32 to index
        %swap3A_1099 = arith.index_cast %add3A_1096 : i32 to index
        %swap3A_1100 = arith.constant 48 : index
        %swap3A_1101 = tpu.vector_load %arg7[%swap3A_1098, %swap3A_1099, %swap3A_1100] {strides = array<i32>} : memref<2x200x100xf32, #tpu.memory_space<vmem>>, vector<1x1x16xf32>,
        %swap3A_1102 = vector.shape_cast %swap3A_1101 : vector<1x1x16xf32> to vector<16xf32>
        %swap3A_1103 = vector.shape_cast %get3A_1092 : vector<16xf32> to vector<1x1x16xf32>
        tpu.vector_store %arg7[%swap3A_1098, %swap3A_1099, %swap3A_1100], %swap3A_1103 {strides = array<i32>} : memref<2x200x100xf32, #tpu.memory_space<vmem>>, vector<1x1x16xf32>,
        %mul3A_1104 = arith.constant 4 : i32
        %mul3A_1105 = arith.muli %mul3A_1104, %scan3A_580 : i32
        %add3A_1106 = arith.constant 3 : i32
        %add3A_1107 = arith.addi %mul3A_1105, %add3A_1106 : i32
        %get3A_1108 = arith.constant 0 : i32
        %get3A_1109 = arith.index_cast %get3A_1108 : i32 to index
        %get3A_1110 = arith.index_cast %add3A_1107 : i32 to index
        %get3A_1111 = arith.constant 64 : index
        %get3A_1112 = tpu.vector_load %arg6[%get3A_1109, %get3A_1110, %get3A_1111] {strides = array<i32>} : memref<2x200x128xf32, #tpu.memory_space<vmem>>, vector<1x1x16xf32>,
        %get3A_1113 = vector.shape_cast %get3A_1112 : vector<1x1x16xf32> to vector<16xf32>
        %mul3A_1114 = arith.constant 4 : i32
        %mul3A_1115 = arith.muli %mul3A_1114, %scan3A_580 : i32
        %add3A_1116 = arith.constant 3 : i32
        %add3A_1117 = arith.addi %mul3A_1115, %add3A_1116 : i32
        %swap3A_1118 = arith.constant 0 : i32
        %swap3A_1119 = arith.index_cast %swap3A_1118 : i32 to index
        %swap3A_1120 = arith.index_cast %add3A_1117 : i32 to index
        %swap3A_1121 = arith.constant 64 : index
        %swap3A_1122 = tpu.vector_load %arg7[%swap3A_1119, %swap3A_1120, %swap3A_1121] {strides = array<i32>} : memref<2x200x100xf32, #tpu.memory_space<vmem>>, vector<1x1x16xf32>,
        %swap3A_1123 = vector.shape_cast %swap3A_1122 : vector<1x1x16xf32> to vector<16xf32>
        %swap3A_1124 = vector.shape_cast %get3A_1113 : vector<16xf32> to vector<1x1x16xf32>
        tpu.vector_store %arg7[%swap3A_1119, %swap3A_1120, %swap3A_1121], %swap3A_1124 {strides = array<i32>} : memref<2x200x100xf32, #tpu.memory_space<vmem>>, vector<1x1x16xf32>,
        %mul3A_1125 = arith.constant 4 : i32
        %mul3A_1126 = arith.muli %mul3A_1125, %scan3A_580 : i32
        %add3A_1127 = arith.constant 3 : i32
        %add3A_1128 = arith.addi %mul3A_1126, %add3A_1127 : i32
        %get3A_1129 = arith.constant 0 : i32
        %get3A_1130 = arith.index_cast %get3A_1129 : i32 to index
        %get3A_1131 = arith.index_cast %add3A_1128 : i32 to index
        %get3A_1132 = arith.constant 80 : index
        %get3A_1133 = tpu.vector_load %arg6[%get3A_1130, %get3A_1131, %get3A_1132] {strides = array<i32>} : memref<2x200x128xf32, #tpu.memory_space<vmem>>, vector<1x1x16xf32>,
        %get3A_1134 = vector.shape_cast %get3A_1133 : vector<1x1x16xf32> to vector<16xf32>
        %mul3A_1135 = arith.constant 4 : i32
        %mul3A_1136 = arith.muli %mul3A_1135, %scan3A_580 : i32
        %add3A_1137 = arith.constant 3 : i32
        %add3A_1138 = arith.addi %mul3A_1136, %add3A_1137 : i32
        %swap3A_1139 = arith.constant 0 : i32
        %swap3A_1140 = arith.index_cast %swap3A_1139 : i32 to index
        %swap3A_1141 = arith.index_cast %add3A_1138 : i32 to index
        %swap3A_1142 = arith.constant 80 : index
        %swap3A_1143 = tpu.vector_load %arg7[%swap3A_1140, %swap3A_1141, %swap3A_1142] {strides = array<i32>} : memref<2x200x100xf32, #tpu.memory_space<vmem>>, vector<1x1x16xf32>,
        %swap3A_1144 = vector.shape_cast %swap3A_1143 : vector<1x1x16xf32> to vector<16xf32>
        %swap3A_1145 = vector.shape_cast %get3A_1134 : vector<16xf32> to vector<1x1x16xf32>
        tpu.vector_store %arg7[%swap3A_1140, %swap3A_1141, %swap3A_1142], %swap3A_1145 {strides = array<i32>} : memref<2x200x100xf32, #tpu.memory_space<vmem>>, vector<1x1x16xf32>,
        %mul3A_1146 = arith.constant 4 : i32
        %mul3A_1147 = arith.muli %mul3A_1146, %scan3A_580 : i32
        %add3A_1148 = arith.constant 3 : i32
        %add3A_1149 = arith.addi %mul3A_1147, %add3A_1148 : i32
        %get3A_1150 = arith.constant 0 : i32
        %get3A_1151 = arith.index_cast %get3A_1150 : i32 to index
        %get3A_1152 = arith.index_cast %add3A_1149 : i32 to index
        %get3A_1153 = arith.constant 84 : index
        %get3A_1154 = tpu.vector_load %arg6[%get3A_1151, %get3A_1152, %get3A_1153] {strides = array<i32>} : memref<2x200x128xf32, #tpu.memory_space<vmem>>, vector<1x1x16xf32>,
        %get3A_1155 = vector.shape_cast %get3A_1154 : vector<1x1x16xf32> to vector<16xf32>
        %mul3A_1156 = arith.constant 4 : i32
        %mul3A_1157 = arith.muli %mul3A_1156, %scan3A_580 : i32
        %add3A_1158 = arith.constant 3 : i32
        %add3A_1159 = arith.addi %mul3A_1157, %add3A_1158 : i32
        %swap3A_1160 = arith.constant 0 : i32
        %swap3A_1161 = arith.index_cast %swap3A_1160 : i32 to index
        %swap3A_1162 = arith.index_cast %add3A_1159 : i32 to index
        %swap3A_1163 = arith.constant 84 : index
        %swap3A_1164 = tpu.vector_load %arg7[%swap3A_1161, %swap3A_1162, %swap3A_1163] {strides = array<i32>} : memref<2x200x100xf32, #tpu.memory_space<vmem>>, vector<1x1x16xf32>,
        %swap3A_1165 = vector.shape_cast %swap3A_1164 : vector<1x1x16xf32> to vector<16xf32>
        %swap3A_1166 = vector.shape_cast %get3A_1155 : vector<16xf32> to vector<1x1x16xf32>
        tpu.vector_store %arg7[%swap3A_1161, %swap3A_1162, %swap3A_1163], %swap3A_1166 {strides = array<i32>} : memref<2x200x100xf32, #tpu.memory_space<vmem>>, vector<1x1x16xf32>,
      }
      %scan3A_389 = arith.constant 50 : i32
      %add3A_390 = arith.addi %mul3A_2, %mul3A_343 : i32
      %mul3A_391 = arith.constant 200 : i32
      %mul3A_392 = arith.muli %add3A_390, %mul3A_391 : i32
      %dma_start3A_393 = arith.constant 0 : i32
      %dma_start3A_394 = arith.constant 0 : i32
      %dma_start3A_395 = arith.constant 0 : i32
      %dma_start3A_396 = tpu.memref_slice %arg7[%dma_start3A_393, %dma_start3A_394, %dma_start3A_395] : memref<2x200x100xf32, #tpu.memory_space<vmem>> -> memref<1x200x100xf32, #tpu.memory_space<vmem>>
      %dma_start3A_397 = tpu.memref_squeeze %dma_start3A_396 : memref<1x200x100xf32, #tpu.memory_space<vmem>> -> memref<200x100xf32, #tpu.memory_space<vmem>>
      %dma_start3A_398 = arith.constant 0 : i32
      %dma_start3A_399 = tpu.memref_slice %arg4[%mul3A_392, %dma_start3A_398] : memref<819200x100xf32, #tpu.memory_space<hbm>> -> memref<200x100xf32, #tpu.memory_space<hbm>>
      %dma_start3A_400 = arith.constant 0 : i32
      %dma_start3A_401 = tpu.memref_slice %arg4[%mul3A_392, %dma_start3A_400] : memref<819200x100xf32, #tpu.memory_space<hbm>> -> memref<200x100xf32, #tpu.memory_space<hbm>>
      %dma_start3A_402 = arith.constant 0 : i32
      %dma_start3A_403 = arith.constant 0 : i32
      %dma_start3A_404 = tpu.memref_slice %arg7[%dma_start3A_393, %dma_start3A_402, %dma_start3A_403] : memref<2x200x100xf32, #tpu.memory_space<vmem>> -> memref<1x200x100xf32, #tpu.memory_space<vmem>>
      %dma_start3A_405 = tpu.memref_squeeze %dma_start3A_404 : memref<1x200x100xf32, #tpu.memory_space<vmem>> -> memref<200x100xf32, #tpu.memory_space<vmem>>
      tpu.enqueue_dma source(%dma_start3A_405 : memref<200x100xf32, #tpu.memory_space<vmem>>) target(%dma_start3A_401 : memref<200x100xf32, #tpu.memory_space<hbm>>) target_semaphore(%arg10 : memref<!tpu.dma_semaphore, #tpu.memory_space<semaphore_mem>>)
      %add3A_406 = arith.constant 1 : i32
      %add3A_407 = arith.addi %mul3A_343, %add3A_406 : i32
      %add3A_408 = arith.addi %mul3A_2, %add3A_407 : i32
      %min3A_409 = arith.constant 4095 : i32
      %min3A_410 = arith.minsi %add3A_408, %min3A_409 : i32
      %dma_wait3A_411 = arith.constant 1 : i32
      %dma_wait3A_412 = arith.constant 0 : i32
      %dma_wait3A_413 = tpu.memref_slice %arg5[%dma_wait3A_411, %dma_wait3A_412] : memref<2x200xi32, #tpu.memory_space<vmem>> -> memref<1x200xi32, #tpu.memory_space<vmem>>
      %dma_wait3A_414 = arith.constant 0 : i32
      %dma_wait3A_415 = tpu.memref_slice %arg2[%min3A_410, %dma_wait3A_414] : memref<4096x200xi32, #tpu.memory_space<hbm>> -> memref<1x200xi32, #tpu.memory_space<hbm>>
      %dma_wait3A_416 = arith.constant 1 : i32
      %dma_wait3A_417 = arith.constant 0 : i32
      %dma_wait3A_418 = tpu.memref_slice %arg5[%dma_wait3A_416, %dma_wait3A_417] : memref<2x200xi32, #tpu.memory_space<vmem>> -> memref<1x200xi32, #tpu.memory_space<vmem>>
      %dma_wait3A_419 = arith.constant 0 : i32
      %dma_wait3A_420 = tpu.memref_slice %arg2[%min3A_410, %dma_wait3A_419] : memref<4096x200xi32, #tpu.memory_space<hbm>> -> memref<1x200xi32, #tpu.memory_space<hbm>>
      tpu.wait_dma2 semaphore(%arg8 : memref<!tpu.dma_semaphore, #tpu.memory_space<semaphore_mem>>) src(%dma_wait3A_420 : memref<1x200xi32, #tpu.memory_space<hbm>>) dst(%dma_wait3A_418 : memref<1x200xi32, #tpu.memory_space<vmem>>)
      %dma_start3A_421 = arith.constant 1 : i32
      %dma_start3A_422 = arith.constant 1 : i32
      %dma_start3A_423 = arith.constant 0 : i32
      %dma_start3A_424 = arith.constant 0 : i32
      %dma_start3A_425 = tpu.memref_slice %arg6[%dma_start3A_422, %dma_start3A_423, %dma_start3A_424] : memref<2x200x128xf32, #tpu.memory_space<vmem>> -> memref<1x128x128xf32, #tpu.memory_space<vmem>>
      %dma_start3A_426 = tpu.memref_squeeze %dma_start3A_425 : memref<1x128x128xf32, #tpu.memory_space<vmem>> -> memref<128x128xf32, #tpu.memory_space<vmem>>
      %dma_start3A_427 = arith.constant 0 : i32
      %dma_start3A_428 = tpu.memref_slice %arg5[%dma_start3A_421, %dma_start3A_427] : memref<2x200xi32, #tpu.memory_space<vmem>> -> memref<1x128xi32, #tpu.memory_space<vmem>>
      %dma_start3A_429 = tpu.memref_squeeze %dma_start3A_428 : memref<1x128xi32, #tpu.memory_space<vmem>> -> memref<128xi32, #tpu.memory_space<vmem>>
      %dma_start3A_430 = arith.constant 0 : i32
      %dma_start3A_431 = arith.constant 0 : i32
      %dma_start3A_432 = tpu.memref_slice %arg3[%dma_start3A_430, %dma_start3A_431] : memref<100000x128xf32, #tpu.memory_space<hbm>> -> memref<100000x128xf32, #tpu.memory_space<hbm>>
      tpu.enqueue_indirect_dma source(%dma_start3A_432 : memref<100000x128xf32, #tpu.memory_space<hbm>>) target(%dma_start3A_426 : memref<128x128xf32, #tpu.memory_space<vmem>>) offsets(%dma_start3A_429 : memref<128xi32, #tpu.memory_space<vmem>>) semaphore(%arg9 : memref<!tpu.dma_semaphore, #tpu.memory_space<semaphore_mem>>)
      %dma_start3A_433 = arith.constant 1 : i32
      %dma_start3A_434 = arith.constant 1 : i32
      %dma_start3A_435 = arith.constant 128 : i32
      %dma_start3A_436 = arith.constant 0 : i32
      %dma_start3A_437 = tpu.memref_slice %arg6[%dma_start3A_434, %dma_start3A_435, %dma_start3A_436] : memref<2x200x128xf32, #tpu.memory_space<vmem>> -> memref<1x72x128xf32, #tpu.memory_space<vmem>>
      %dma_start3A_438 = tpu.memref_squeeze %dma_start3A_437 : memref<1x72x128xf32, #tpu.memory_space<vmem>> -> memref<72x128xf32, #tpu.memory_space<vmem>>
      %dma_start3A_439 = arith.constant 128 : i32
      %dma_start3A_440 = tpu.memref_slice %arg5[%dma_start3A_433, %dma_start3A_439] : memref<2x200xi32, #tpu.memory_space<vmem>> -> memref<1x72xi32, #tpu.memory_space<vmem>>
      %dma_start3A_441 = tpu.memref_squeeze %dma_start3A_440 : memref<1x72xi32, #tpu.memory_space<vmem>> -> memref<72xi32, #tpu.memory_space<vmem>>
      %dma_start3A_442 = arith.constant 0 : i32
      %dma_start3A_443 = arith.constant 0 : i32
      %dma_start3A_444 = tpu.memref_slice %arg3[%dma_start3A_442, %dma_start3A_443] : memref<100000x128xf32, #tpu.memory_space<hbm>> -> memref<100000x128xf32, #tpu.memory_space<hbm>>
      tpu.enqueue_indirect_dma source(%dma_start3A_444 : memref<100000x128xf32, #tpu.memory_space<hbm>>) target(%dma_start3A_438 : memref<72x128xf32, #tpu.memory_space<vmem>>) offsets(%dma_start3A_441 : memref<72xi32, #tpu.memory_space<vmem>>) semaphore(%arg9 : memref<!tpu.dma_semaphore, #tpu.memory_space<semaphore_mem>>)
      %add3A_445 = arith.constant 2 : i32
      %add3A_446 = arith.addi %mul3A_343, %add3A_445 : i32
      %add3A_447 = arith.addi %mul3A_2, %add3A_446 : i32
      %min3A_448 = arith.constant 4095 : i32
      %min3A_449 = arith.minsi %add3A_447, %min3A_448 : i32
      %dma_start3A_450 = arith.constant 0 : i32
      %dma_start3A_451 = arith.constant 0 : i32
      %dma_start3A_452 = tpu.memref_slice %arg5[%dma_start3A_450, %dma_start3A_451] : memref<2x200xi32, #tpu.memory_space<vmem>> -> memref<1x200xi32, #tpu.memory_space<vmem>>
      %dma_start3A_453 = arith.constant 0 : i32
      %dma_start3A_454 = tpu.memref_slice %arg2[%min3A_449, %dma_start3A_453] : memref<4096x200xi32, #tpu.memory_space<hbm>> -> memref<1x200xi32, #tpu.memory_space<hbm>>
      %dma_start3A_455 = arith.constant 0 : i32
      %dma_start3A_456 = arith.constant 0 : i32
      %dma_start3A_457 = tpu.memref_slice %arg5[%dma_start3A_455, %dma_start3A_456] : memref<2x200xi32, #tpu.memory_space<vmem>> -> memref<1x200xi32, #tpu.memory_space<vmem>>
      %dma_start3A_458 = arith.constant 0 : i32
      %dma_start3A_459 = tpu.memref_slice %arg2[%min3A_449, %dma_start3A_458] : memref<4096x200xi32, #tpu.memory_space<hbm>> -> memref<1x200xi32, #tpu.memory_space<hbm>>
      tpu.enqueue_dma source(%dma_start3A_459 : memref<1x200xi32, #tpu.memory_space<hbm>>) target(%dma_start3A_457 : memref<1x200xi32, #tpu.memory_space<vmem>>) target_semaphore(%arg8 : memref<!tpu.dma_semaphore, #tpu.memory_space<semaphore_mem>>)
      %mul3A_460 = arith.constant 2 : i32
      %mul3A_461 = arith.muli %mul3A_460, %scan3A_341 : i32
      %add3A_462 = arith.constant 1 : i32
      %add3A_463 = arith.addi %mul3A_461, %add3A_462 : i32
      %dma_wait3A_464 = arith.constant 1 : i32
      %dma_wait3A_465 = arith.constant 1 : i32
      %dma_wait3A_466 = arith.constant 0 : i32
      %dma_wait3A_467 = arith.constant 0 : i32
      %dma_wait3A_468 = tpu.memref_slice %arg6[%dma_wait3A_465, %dma_wait3A_466, %dma_wait3A_467] : memref<2x200x128xf32, #tpu.memory_space<vmem>> -> memref<1x128x128xf32, #tpu.memory_space<vmem>>
      %dma_wait3A_469 = tpu.memref_squeeze %dma_wait3A_468 : memref<1x128x128xf32, #tpu.memory_space<vmem>> -> memref<128x128xf32, #tpu.memory_space<vmem>>
      %dma_wait3A_470 = arith.constant 0 : i32
      %dma_wait3A_471 = tpu.memref_slice %arg5[%dma_wait3A_464, %dma_wait3A_470] : memref<2x200xi32, #tpu.memory_space<vmem>> -> memref<1x128xi32, #tpu.memory_space<vmem>>
      %dma_wait3A_472 = tpu.memref_squeeze %dma_wait3A_471 : memref<1x128xi32, #tpu.memory_space<vmem>> -> memref<128xi32, #tpu.memory_space<vmem>>
      %dma_wait3A_473 = arith.constant 0 : i32
      %dma_wait3A_474 = arith.constant 0 : i32
      %dma_wait3A_475 = tpu.memref_slice %arg3[%dma_wait3A_473, %dma_wait3A_474] : memref<100000x128xf32, #tpu.memory_space<hbm>> -> memref<100000x128xf32, #tpu.memory_space<hbm>>
      tpu.wait_indirect_dma semaphore(%arg9 : memref<!tpu.dma_semaphore, #tpu.memory_space<semaphore_mem>>) src(%dma_wait3A_475 : memref<100000x128xf32, #tpu.memory_space<hbm>>) dst(%dma_wait3A_469 : memref<128x128xf32, #tpu.memory_space<vmem>>)
      %dma_wait3A_476 = arith.constant 1 : i32
      %dma_wait3A_477 = arith.constant 1 : i32
      %dma_wait3A_478 = arith.constant 128 : i32
      %dma_wait3A_479 = arith.constant 0 : i32
      %dma_wait3A_480 = tpu.memref_slice %arg6[%dma_wait3A_477, %dma_wait3A_478, %dma_wait3A_479] : memref<2x200x128xf32, #tpu.memory_space<vmem>> -> memref<1x72x128xf32, #tpu.memory_space<vmem>>
      %dma_wait3A_481 = tpu.memref_squeeze %dma_wait3A_480 : memref<1x72x128xf32, #tpu.memory_space<vmem>> -> memref<72x128xf32, #tpu.memory_space<vmem>>
      %dma_wait3A_482 = arith.constant 128 : i32
      %dma_wait3A_483 = tpu.memref_slice %arg5[%dma_wait3A_476, %dma_wait3A_482] : memref<2x200xi32, #tpu.memory_space<vmem>> -> memref<1x72xi32, #tpu.memory_space<vmem>>
      %dma_wait3A_484 = tpu.memref_squeeze %dma_wait3A_483 : memref<1x72xi32, #tpu.memory_space<vmem>> -> memref<72xi32, #tpu.memory_space<vmem>>
      %dma_wait3A_485 = arith.constant 0 : i32
      %dma_wait3A_486 = arith.constant 0 : i32
      %dma_wait3A_487 = tpu.memref_slice %arg3[%dma_wait3A_485, %dma_wait3A_486] : memref<100000x128xf32, #tpu.memory_space<hbm>> -> memref<100000x128xf32, #tpu.memory_space<hbm>>
      tpu.wait_indirect_dma semaphore(%arg9 : memref<!tpu.dma_semaphore, #tpu.memory_space<semaphore_mem>>) src(%dma_wait3A_487 : memref<100000x128xf32, #tpu.memory_space<hbm>>) dst(%dma_wait3A_481 : memref<72x128xf32, #tpu.memory_space<vmem>>)
      %add3A_488 = arith.addi %mul3A_2, %add3A_463 : i32
      %mul3A_489 = arith.constant 200 : i32
      %mul3A_490 = arith.muli %add3A_488, %mul3A_489 : i32
      %dma_wait3A_491 = arith.constant 1 : i32
      %dma_wait3A_492 = arith.constant 0 : i32
      %dma_wait3A_493 = arith.constant 0 : i32
      %dma_wait3A_494 = tpu.memref_slice %arg7[%dma_wait3A_491, %dma_wait3A_492, %dma_wait3A_493] : memref<2x200x100xf32, #tpu.memory_space<vmem>> -> memref<1x200x100xf32, #tpu.memory_space<vmem>>
      %dma_wait3A_495 = tpu.memref_squeeze %dma_wait3A_494 : memref<1x200x100xf32, #tpu.memory_space<vmem>> -> memref<200x100xf32, #tpu.memory_space<vmem>>
      %dma_wait3A_496 = arith.constant 0 : i32
      %dma_wait3A_497 = tpu.memref_slice %arg4[%mul3A_490, %dma_wait3A_496] : memref<819200x100xf32, #tpu.memory_space<hbm>> -> memref<200x100xf32, #tpu.memory_space<hbm>>
      %dma_wait3A_498 = arith.constant 0 : i32
      %dma_wait3A_499 = tpu.memref_slice %arg4[%mul3A_490, %dma_wait3A_498] : memref<819200x100xf32, #tpu.memory_space<hbm>> -> memref<200x100xf32, #tpu.memory_space<hbm>>
      %dma_wait3A_500 = arith.constant 0 : i32
      %dma_wait3A_501 = arith.constant 0 : i32
      %dma_wait3A_502 = tpu.memref_slice %arg7[%dma_wait3A_491, %dma_wait3A_500, %dma_wait3A_501] : memref<2x200x100xf32, #tpu.memory_space<vmem>> -> memref<1x200x100xf32, #tpu.memory_space<vmem>>
      %dma_wait3A_503 = tpu.memref_squeeze %dma_wait3A_502 : memref<1x200x100xf32, #tpu.memory_space<vmem>> -> memref<200x100xf32, #tpu.memory_space<vmem>>
      tpu.wait_dma2 semaphore(%arg10 : memref<!tpu.dma_semaphore, #tpu.memory_space<semaphore_mem>>) src(%dma_wait3A_503 : memref<200x100xf32, #tpu.memory_space<vmem>>) dst(%dma_wait3A_499 : memref<200x100xf32, #tpu.memory_space<hbm>>)
      %scan3A_504 = arith.constant 0 : i32
      %scan3A_505 = arith.constant 0 : i32
      %scan3A_506 = arith.constant 50 : i32
      %scan3A_507 = arith.addi %scan3A_505, %scan3A_506 : i32
      %scan3A_508 = arith.constant 1 : i32
      scf.for %scan3A_580 = %scan3A_505 to %scan3A_507 step %scan3A_508  : i32 {
        %mul3A_581 = arith.constant 4 : i32
        %mul3A_582 = arith.muli %mul3A_581, %scan3A_580 : i32
        %add3A_583 = arith.constant 0 : i32
        %add3A_584 = arith.addi %mul3A_582, %add3A_583 : i32
        %get3A = arith.constant 1 : i32
        %get3A_585 = arith.index_cast %get3A : i32 to index
        %get3A_586 = arith.index_cast %add3A_584 : i32 to index
        %get3A_587 = arith.constant 0 : index
        %get3A_588 = tpu.vector_load %arg6[%get3A_585, %get3A_586, %get3A_587] {strides = array<i32>} : memref<2x200x128xf32, #tpu.memory_space<vmem>>, vector<1x1x16xf32>,
        %get3A_589 = vector.shape_cast %get3A_588 : vector<1x1x16xf32> to vector<16xf32>
        %mul3A_590 = arith.constant 4 : i32
        %mul3A_591 = arith.muli %mul3A_590, %scan3A_580 : i32
        %add3A_592 = arith.constant 0 : i32
        %add3A_593 = arith.addi %mul3A_591, %add3A_592 : i32
        %swap3A = arith.constant 1 : i32
        %swap3A_594 = arith.index_cast %swap3A : i32 to index
        %swap3A_595 = arith.index_cast %add3A_593 : i32 to index
        %swap3A_596 = arith.constant 0 : index
        %swap3A_597 = tpu.vector_load %arg7[%swap3A_594, %swap3A_595, %swap3A_596] {strides = array<i32>} : memref<2x200x100xf32, #tpu.memory_space<vmem>>, vector<1x1x16xf32>,
        %swap3A_598 = vector.shape_cast %swap3A_597 : vector<1x1x16xf32> to vector<16xf32>
        %swap3A_599 = vector.shape_cast %get3A_589 : vector<16xf32> to vector<1x1x16xf32>
        tpu.vector_store %arg7[%swap3A_594, %swap3A_595, %swap3A_596], %swap3A_599 {strides = array<i32>} : memref<2x200x100xf32, #tpu.memory_space<vmem>>, vector<1x1x16xf32>,
        %mul3A_600 = arith.constant 4 : i32
        %mul3A_601 = arith.muli %mul3A_600, %scan3A_580 : i32
        %add3A_602 = arith.constant 0 : i32
        %add3A_603 = arith.addi %mul3A_601, %add3A_602 : i32
        %get3A_604 = arith.constant 1 : i32
        %get3A_605 = arith.index_cast %get3A_604 : i32 to index
        %get3A_606 = arith.index_cast %add3A_603 : i32 to index
        %get3A_607 = arith.constant 16 : index
        %get3A_608 = tpu.vector_load %arg6[%get3A_605, %get3A_606, %get3A_607] {strides = array<i32>} : memref<2x200x128xf32, #tpu.memory_space<vmem>>, vector<1x1x16xf32>,
        %get3A_609 = vector.shape_cast %get3A_608 : vector<1x1x16xf32> to vector<16xf32>
        %mul3A_610 = arith.constant 4 : i32
        %mul3A_611 = arith.muli %mul3A_610, %scan3A_580 : i32
        %add3A_612 = arith.constant 0 : i32
        %add3A_613 = arith.addi %mul3A_611, %add3A_612 : i32
        %swap3A_614 = arith.constant 1 : i32
        %swap3A_615 = arith.index_cast %swap3A_614 : i32 to index
        %swap3A_616 = arith.index_cast %add3A_613 : i32 to index
        %swap3A_617 = arith.constant 16 : index
        %swap3A_618 = tpu.vector_load %arg7[%swap3A_615, %swap3A_616, %swap3A_617] {strides = array<i32>} : memref<2x200x100xf32, #tpu.memory_space<vmem>>, vector<1x1x16xf32>,
        %swap3A_619 = vector.shape_cast %swap3A_618 : vector<1x1x16xf32> to vector<16xf32>
        %swap3A_620 = vector.shape_cast %get3A_609 : vector<16xf32> to vector<1x1x16xf32>
        tpu.vector_store %arg7[%swap3A_615, %swap3A_616, %swap3A_617], %swap3A_620 {strides = array<i32>} : memref<2x200x100xf32, #tpu.memory_space<vmem>>, vector<1x1x16xf32>,
        %mul3A_621 = arith.constant 4 : i32
        %mul3A_622 = arith.muli %mul3A_621, %scan3A_580 : i32
        %add3A_623 = arith.constant 0 : i32
        %add3A_624 = arith.addi %mul3A_622, %add3A_623 : i32
        %get3A_625 = arith.constant 1 : i32
        %get3A_626 = arith.index_cast %get3A_625 : i32 to index
        %get3A_627 = arith.index_cast %add3A_624 : i32 to index
        %get3A_628 = arith.constant 32 : index
        %get3A_629 = tpu.vector_load %arg6[%get3A_626, %get3A_627, %get3A_628] {strides = array<i32>} : memref<2x200x128xf32, #tpu.memory_space<vmem>>, vector<1x1x16xf32>,
        %get3A_630 = vector.shape_cast %get3A_629 : vector<1x1x16xf32> to vector<16xf32>
        %mul3A_631 = arith.constant 4 : i32
        %mul3A_632 = arith.muli %mul3A_631, %scan3A_580 : i32
        %add3A_633 = arith.constant 0 : i32
        %add3A_634 = arith.addi %mul3A_632, %add3A_633 : i32
        %swap3A_635 = arith.constant 1 : i32
        %swap3A_636 = arith.index_cast %swap3A_635 : i32 to index
        %swap3A_637 = arith.index_cast %add3A_634 : i32 to index
        %swap3A_638 = arith.constant 32 : index
        %swap3A_639 = tpu.vector_load %arg7[%swap3A_636, %swap3A_637, %swap3A_638] {strides = array<i32>} : memref<2x200x100xf32, #tpu.memory_space<vmem>>, vector<1x1x16xf32>,
        %swap3A_640 = vector.shape_cast %swap3A_639 : vector<1x1x16xf32> to vector<16xf32>
        %swap3A_641 = vector.shape_cast %get3A_630 : vector<16xf32> to vector<1x1x16xf32>
        tpu.vector_store %arg7[%swap3A_636, %swap3A_637, %swap3A_638], %swap3A_641 {strides = array<i32>} : memref<2x200x100xf32, #tpu.memory_space<vmem>>, vector<1x1x16xf32>,
        %mul3A_642 = arith.constant 4 : i32
        %mul3A_643 = arith.muli %mul3A_642, %scan3A_580 : i32
        %add3A_644 = arith.constant 0 : i32
        %add3A_645 = arith.addi %mul3A_643, %add3A_644 : i32
        %get3A_646 = arith.constant 1 : i32
        %get3A_647 = arith.index_cast %get3A_646 : i32 to index
        %get3A_648 = arith.index_cast %add3A_645 : i32 to index
        %get3A_649 = arith.constant 48 : index
        %get3A_650 = tpu.vector_load %arg6[%get3A_647, %get3A_648, %get3A_649] {strides = array<i32>} : memref<2x200x128xf32, #tpu.memory_space<vmem>>, vector<1x1x16xf32>,
        %get3A_651 = vector.shape_cast %get3A_650 : vector<1x1x16xf32> to vector<16xf32>
        %mul3A_652 = arith.constant 4 : i32
        %mul3A_653 = arith.muli %mul3A_652, %scan3A_580 : i32
        %add3A_654 = arith.constant 0 : i32
        %add3A_655 = arith.addi %mul3A_653, %add3A_654 : i32
        %swap3A_656 = arith.constant 1 : i32
        %swap3A_657 = arith.index_cast %swap3A_656 : i32 to index
        %swap3A_658 = arith.index_cast %add3A_655 : i32 to index
        %swap3A_659 = arith.constant 48 : index
        %swap3A_660 = tpu.vector_load %arg7[%swap3A_657, %swap3A_658, %swap3A_659] {strides = array<i32>} : memref<2x200x100xf32, #tpu.memory_space<vmem>>, vector<1x1x16xf32>,
        %swap3A_661 = vector.shape_cast %swap3A_660 : vector<1x1x16xf32> to vector<16xf32>
        %swap3A_662 = vector.shape_cast %get3A_651 : vector<16xf32> to vector<1x1x16xf32>
        tpu.vector_store %arg7[%swap3A_657, %swap3A_658, %swap3A_659], %swap3A_662 {strides = array<i32>} : memref<2x200x100xf32, #tpu.memory_space<vmem>>, vector<1x1x16xf32>,
        %mul3A_663 = arith.constant 4 : i32
        %mul3A_664 = arith.muli %mul3A_663, %scan3A_580 : i32
        %add3A_665 = arith.constant 0 : i32
        %add3A_666 = arith.addi %mul3A_664, %add3A_665 : i32
        %get3A_667 = arith.constant 1 : i32
        %get3A_668 = arith.index_cast %get3A_667 : i32 to index
        %get3A_669 = arith.index_cast %add3A_666 : i32 to index
        %get3A_670 = arith.constant 64 : index
        %get3A_671 = tpu.vector_load %arg6[%get3A_668, %get3A_669, %get3A_670] {strides = array<i32>} : memref<2x200x128xf32, #tpu.memory_space<vmem>>, vector<1x1x16xf32>,
        %get3A_672 = vector.shape_cast %get3A_671 : vector<1x1x16xf32> to vector<16xf32>
        %mul3A_673 = arith.constant 4 : i32
        %mul3A_674 = arith.muli %mul3A_673, %scan3A_580 : i32
        %add3A_675 = arith.constant 0 : i32
        %add3A_676 = arith.addi %mul3A_674, %add3A_675 : i32
        %swap3A_677 = arith.constant 1 : i32
        %swap3A_678 = arith.index_cast %swap3A_677 : i32 to index
        %swap3A_679 = arith.index_cast %add3A_676 : i32 to index
        %swap3A_680 = arith.constant 64 : index
        %swap3A_681 = tpu.vector_load %arg7[%swap3A_678, %swap3A_679, %swap3A_680] {strides = array<i32>} : memref<2x200x100xf32, #tpu.memory_space<vmem>>, vector<1x1x16xf32>,
        %swap3A_682 = vector.shape_cast %swap3A_681 : vector<1x1x16xf32> to vector<16xf32>
        %swap3A_683 = vector.shape_cast %get3A_672 : vector<16xf32> to vector<1x1x16xf32>
        tpu.vector_store %arg7[%swap3A_678, %swap3A_679, %swap3A_680], %swap3A_683 {strides = array<i32>} : memref<2x200x100xf32, #tpu.memory_space<vmem>>, vector<1x1x16xf32>,
        %mul3A_684 = arith.constant 4 : i32
        %mul3A_685 = arith.muli %mul3A_684, %scan3A_580 : i32
        %add3A_686 = arith.constant 0 : i32
        %add3A_687 = arith.addi %mul3A_685, %add3A_686 : i32
        %get3A_688 = arith.constant 1 : i32
        %get3A_689 = arith.index_cast %get3A_688 : i32 to index
        %get3A_690 = arith.index_cast %add3A_687 : i32 to index
        %get3A_691 = arith.constant 80 : index
        %get3A_692 = tpu.vector_load %arg6[%get3A_689, %get3A_690, %get3A_691] {strides = array<i32>} : memref<2x200x128xf32, #tpu.memory_space<vmem>>, vector<1x1x16xf32>,
        %get3A_693 = vector.shape_cast %get3A_692 : vector<1x1x16xf32> to vector<16xf32>
        %mul3A_694 = arith.constant 4 : i32
        %mul3A_695 = arith.muli %mul3A_694, %scan3A_580 : i32
        %add3A_696 = arith.constant 0 : i32
        %add3A_697 = arith.addi %mul3A_695, %add3A_696 : i32
        %swap3A_698 = arith.constant 1 : i32
        %swap3A_699 = arith.index_cast %swap3A_698 : i32 to index
        %swap3A_700 = arith.index_cast %add3A_697 : i32 to index
        %swap3A_701 = arith.constant 80 : index
        %swap3A_702 = tpu.vector_load %arg7[%swap3A_699, %swap3A_700, %swap3A_701] {strides = array<i32>} : memref<2x200x100xf32, #tpu.memory_space<vmem>>, vector<1x1x16xf32>,
        %swap3A_703 = vector.shape_cast %swap3A_702 : vector<1x1x16xf32> to vector<16xf32>
        %swap3A_704 = vector.shape_cast %get3A_693 : vector<16xf32> to vector<1x1x16xf32>
        tpu.vector_store %arg7[%swap3A_699, %swap3A_700, %swap3A_701], %swap3A_704 {strides = array<i32>} : memref<2x200x100xf32, #tpu.memory_space<vmem>>, vector<1x1x16xf32>,
        %mul3A_705 = arith.constant 4 : i32
        %mul3A_706 = arith.muli %mul3A_705, %scan3A_580 : i32
        %add3A_707 = arith.constant 0 : i32
        %add3A_708 = arith.addi %mul3A_706, %add3A_707 : i32
        %get3A_709 = arith.constant 1 : i32
        %get3A_710 = arith.index_cast %get3A_709 : i32 to index
        %get3A_711 = arith.index_cast %add3A_708 : i32 to index
        %get3A_712 = arith.constant 84 : index
        %get3A_713 = tpu.vector_load %arg6[%get3A_710, %get3A_711, %get3A_712] {strides = array<i32>} : memref<2x200x128xf32, #tpu.memory_space<vmem>>, vector<1x1x16xf32>,
        %get3A_714 = vector.shape_cast %get3A_713 : vector<1x1x16xf32> to vector<16xf32>
        %mul3A_715 = arith.constant 4 : i32
        %mul3A_716 = arith.muli %mul3A_715, %scan3A_580 : i32
        %add3A_717 = arith.constant 0 : i32
        %add3A_718 = arith.addi %mul3A_716, %add3A_717 : i32
        %swap3A_719 = arith.constant 1 : i32
        %swap3A_720 = arith.index_cast %swap3A_719 : i32 to index
        %swap3A_721 = arith.index_cast %add3A_718 : i32 to index
        %swap3A_722 = arith.constant 84 : index
        %swap3A_723 = tpu.vector_load %arg7[%swap3A_720, %swap3A_721, %swap3A_722] {strides = array<i32>} : memref<2x200x100xf32, #tpu.memory_space<vmem>>, vector<1x1x16xf32>,
        %swap3A_724 = vector.shape_cast %swap3A_723 : vector<1x1x16xf32> to vector<16xf32>
        %swap3A_725 = vector.shape_cast %get3A_714 : vector<16xf32> to vector<1x1x16xf32>
        tpu.vector_store %arg7[%swap3A_720, %swap3A_721, %swap3A_722], %swap3A_725 {strides = array<i32>} : memref<2x200x100xf32, #tpu.memory_space<vmem>>, vector<1x1x16xf32>,
        %mul3A_726 = arith.constant 4 : i32
        %mul3A_727 = arith.muli %mul3A_726, %scan3A_580 : i32
        %add3A_728 = arith.constant 1 : i32
        %add3A_729 = arith.addi %mul3A_727, %add3A_728 : i32
        %get3A_730 = arith.constant 1 : i32
        %get3A_731 = arith.index_cast %get3A_730 : i32 to index
        %get3A_732 = arith.index_cast %add3A_729 : i32 to index
        %get3A_733 = arith.constant 0 : index
        %get3A_734 = tpu.vector_load %arg6[%get3A_731, %get3A_732, %get3A_733] {strides = array<i32>} : memref<2x200x128xf32, #tpu.memory_space<vmem>>, vector<1x1x16xf32>,
        %get3A_735 = vector.shape_cast %get3A_734 : vector<1x1x16xf32> to vector<16xf32>
        %mul3A_736 = arith.constant 4 : i32
        %mul3A_737 = arith.muli %mul3A_736, %scan3A_580 : i32
        %add3A_738 = arith.constant 1 : i32
        %add3A_739 = arith.addi %mul3A_737, %add3A_738 : i32
        %swap3A_740 = arith.constant 1 : i32
        %swap3A_741 = arith.index_cast %swap3A_740 : i32 to index
        %swap3A_742 = arith.index_cast %add3A_739 : i32 to index
        %swap3A_743 = arith.constant 0 : index
        %swap3A_744 = tpu.vector_load %arg7[%swap3A_741, %swap3A_742, %swap3A_743] {strides = array<i32>} : memref<2x200x100xf32, #tpu.memory_space<vmem>>, vector<1x1x16xf32>,
        %swap3A_745 = vector.shape_cast %swap3A_744 : vector<1x1x16xf32> to vector<16xf32>
        %swap3A_746 = vector.shape_cast %get3A_735 : vector<16xf32> to vector<1x1x16xf32>
        tpu.vector_store %arg7[%swap3A_741, %swap3A_742, %swap3A_743], %swap3A_746 {strides = array<i32>} : memref<2x200x100xf32, #tpu.memory_space<vmem>>, vector<1x1x16xf32>,
        %mul3A_747 = arith.constant 4 : i32
        %mul3A_748 = arith.muli %mul3A_747, %scan3A_580 : i32
        %add3A_749 = arith.constant 1 : i32
        %add3A_750 = arith.addi %mul3A_748, %add3A_749 : i32
        %get3A_751 = arith.constant 1 : i32
        %get3A_752 = arith.index_cast %get3A_751 : i32 to index
        %get3A_753 = arith.index_cast %add3A_750 : i32 to index
        %get3A_754 = arith.constant 16 : index
        %get3A_755 = tpu.vector_load %arg6[%get3A_752, %get3A_753, %get3A_754] {strides = array<i32>} : memref<2x200x128xf32, #tpu.memory_space<vmem>>, vector<1x1x16xf32>,
        %get3A_756 = vector.shape_cast %get3A_755 : vector<1x1x16xf32> to vector<16xf32>
        %mul3A_757 = arith.constant 4 : i32
        %mul3A_758 = arith.muli %mul3A_757, %scan3A_580 : i32
        %add3A_759 = arith.constant 1 : i32
        %add3A_760 = arith.addi %mul3A_758, %add3A_759 : i32
        %swap3A_761 = arith.constant 1 : i32
        %swap3A_762 = arith.index_cast %swap3A_761 : i32 to index
        %swap3A_763 = arith.index_cast %add3A_760 : i32 to index
        %swap3A_764 = arith.constant 16 : index
        %swap3A_765 = tpu.vector_load %arg7[%swap3A_762, %swap3A_763, %swap3A_764] {strides = array<i32>} : memref<2x200x100xf32, #tpu.memory_space<vmem>>, vector<1x1x16xf32>,
        %swap3A_766 = vector.shape_cast %swap3A_765 : vector<1x1x16xf32> to vector<16xf32>
        %swap3A_767 = vector.shape_cast %get3A_756 : vector<16xf32> to vector<1x1x16xf32>
        tpu.vector_store %arg7[%swap3A_762, %swap3A_763, %swap3A_764], %swap3A_767 {strides = array<i32>} : memref<2x200x100xf32, #tpu.memory_space<vmem>>, vector<1x1x16xf32>,
        %mul3A_768 = arith.constant 4 : i32
        %mul3A_769 = arith.muli %mul3A_768, %scan3A_580 : i32
        %add3A_770 = arith.constant 1 : i32
        %add3A_771 = arith.addi %mul3A_769, %add3A_770 : i32
        %get3A_772 = arith.constant 1 : i32
        %get3A_773 = arith.index_cast %get3A_772 : i32 to index
        %get3A_774 = arith.index_cast %add3A_771 : i32 to index
        %get3A_775 = arith.constant 32 : index
        %get3A_776 = tpu.vector_load %arg6[%get3A_773, %get3A_774, %get3A_775] {strides = array<i32>} : memref<2x200x128xf32, #tpu.memory_space<vmem>>, vector<1x1x16xf32>,
        %get3A_777 = vector.shape_cast %get3A_776 : vector<1x1x16xf32> to vector<16xf32>
        %mul3A_778 = arith.constant 4 : i32
        %mul3A_779 = arith.muli %mul3A_778, %scan3A_580 : i32
        %add3A_780 = arith.constant 1 : i32
        %add3A_781 = arith.addi %mul3A_779, %add3A_780 : i32
        %swap3A_782 = arith.constant 1 : i32
        %swap3A_783 = arith.index_cast %swap3A_782 : i32 to index
        %swap3A_784 = arith.index_cast %add3A_781 : i32 to index
        %swap3A_785 = arith.constant 32 : index
        %swap3A_786 = tpu.vector_load %arg7[%swap3A_783, %swap3A_784, %swap3A_785] {strides = array<i32>} : memref<2x200x100xf32, #tpu.memory_space<vmem>>, vector<1x1x16xf32>,
        %swap3A_787 = vector.shape_cast %swap3A_786 : vector<1x1x16xf32> to vector<16xf32>
        %swap3A_788 = vector.shape_cast %get3A_777 : vector<16xf32> to vector<1x1x16xf32>
        tpu.vector_store %arg7[%swap3A_783, %swap3A_784, %swap3A_785], %swap3A_788 {strides = array<i32>} : memref<2x200x100xf32, #tpu.memory_space<vmem>>, vector<1x1x16xf32>,
        %mul3A_789 = arith.constant 4 : i32
        %mul3A_790 = arith.muli %mul3A_789, %scan3A_580 : i32
        %add3A_791 = arith.constant 1 : i32
        %add3A_792 = arith.addi %mul3A_790, %add3A_791 : i32
        %get3A_793 = arith.constant 1 : i32
        %get3A_794 = arith.index_cast %get3A_793 : i32 to index
        %get3A_795 = arith.index_cast %add3A_792 : i32 to index
        %get3A_796 = arith.constant 48 : index
        %get3A_797 = tpu.vector_load %arg6[%get3A_794, %get3A_795, %get3A_796] {strides = array<i32>} : memref<2x200x128xf32, #tpu.memory_space<vmem>>, vector<1x1x16xf32>,
        %get3A_798 = vector.shape_cast %get3A_797 : vector<1x1x16xf32> to vector<16xf32>
        %mul3A_799 = arith.constant 4 : i32
        %mul3A_800 = arith.muli %mul3A_799, %scan3A_580 : i32
        %add3A_801 = arith.constant 1 : i32
        %add3A_802 = arith.addi %mul3A_800, %add3A_801 : i32
        %swap3A_803 = arith.constant 1 : i32
        %swap3A_804 = arith.index_cast %swap3A_803 : i32 to index
        %swap3A_805 = arith.index_cast %add3A_802 : i32 to index
        %swap3A_806 = arith.constant 48 : index
        %swap3A_807 = tpu.vector_load %arg7[%swap3A_804, %swap3A_805, %swap3A_806] {strides = array<i32>} : memref<2x200x100xf32, #tpu.memory_space<vmem>>, vector<1x1x16xf32>,
        %swap3A_808 = vector.shape_cast %swap3A_807 : vector<1x1x16xf32> to vector<16xf32>
        %swap3A_809 = vector.shape_cast %get3A_798 : vector<16xf32> to vector<1x1x16xf32>
        tpu.vector_store %arg7[%swap3A_804, %swap3A_805, %swap3A_806], %swap3A_809 {strides = array<i32>} : memref<2x200x100xf32, #tpu.memory_space<vmem>>, vector<1x1x16xf32>,
        %mul3A_810 = arith.constant 4 : i32
        %mul3A_811 = arith.muli %mul3A_810, %scan3A_580 : i32
        %add3A_812 = arith.constant 1 : i32
        %add3A_813 = arith.addi %mul3A_811, %add3A_812 : i32
        %get3A_814 = arith.constant 1 : i32
        %get3A_815 = arith.index_cast %get3A_814 : i32 to index
        %get3A_816 = arith.index_cast %add3A_813 : i32 to index
        %get3A_817 = arith.constant 64 : index
        %get3A_818 = tpu.vector_load %arg6[%get3A_815, %get3A_816, %get3A_817] {strides = array<i32>} : memref<2x200x128xf32, #tpu.memory_space<vmem>>, vector<1x1x16xf32>,
        %get3A_819 = vector.shape_cast %get3A_818 : vector<1x1x16xf32> to vector<16xf32>
        %mul3A_820 = arith.constant 4 : i32
        %mul3A_821 = arith.muli %mul3A_820, %scan3A_580 : i32
        %add3A_822 = arith.constant 1 : i32
        %add3A_823 = arith.addi %mul3A_821, %add3A_822 : i32
        %swap3A_824 = arith.constant 1 : i32
        %swap3A_825 = arith.index_cast %swap3A_824 : i32 to index
        %swap3A_826 = arith.index_cast %add3A_823 : i32 to index
        %swap3A_827 = arith.constant 64 : index
        %swap3A_828 = tpu.vector_load %arg7[%swap3A_825, %swap3A_826, %swap3A_827] {strides = array<i32>} : memref<2x200x100xf32, #tpu.memory_space<vmem>>, vector<1x1x16xf32>,
        %swap3A_829 = vector.shape_cast %swap3A_828 : vector<1x1x16xf32> to vector<16xf32>
        %swap3A_830 = vector.shape_cast %get3A_819 : vector<16xf32> to vector<1x1x16xf32>
        tpu.vector_store %arg7[%swap3A_825, %swap3A_826, %swap3A_827], %swap3A_830 {strides = array<i32>} : memref<2x200x100xf32, #tpu.memory_space<vmem>>, vector<1x1x16xf32>,
        %mul3A_831 = arith.constant 4 : i32
        %mul3A_832 = arith.muli %mul3A_831, %scan3A_580 : i32
        %add3A_833 = arith.constant 1 : i32
        %add3A_834 = arith.addi %mul3A_832, %add3A_833 : i32
        %get3A_835 = arith.constant 1 : i32
        %get3A_836 = arith.index_cast %get3A_835 : i32 to index
        %get3A_837 = arith.index_cast %add3A_834 : i32 to index
        %get3A_838 = arith.constant 80 : index
        %get3A_839 = tpu.vector_load %arg6[%get3A_836, %get3A_837, %get3A_838] {strides = array<i32>} : memref<2x200x128xf32, #tpu.memory_space<vmem>>, vector<1x1x16xf32>,
        %get3A_840 = vector.shape_cast %get3A_839 : vector<1x1x16xf32> to vector<16xf32>
        %mul3A_841 = arith.constant 4 : i32
        %mul3A_842 = arith.muli %mul3A_841, %scan3A_580 : i32
        %add3A_843 = arith.constant 1 : i32
        %add3A_844 = arith.addi %mul3A_842, %add3A_843 : i32
        %swap3A_845 = arith.constant 1 : i32
        %swap3A_846 = arith.index_cast %swap3A_845 : i32 to index
        %swap3A_847 = arith.index_cast %add3A_844 : i32 to index
        %swap3A_848 = arith.constant 80 : index
        %swap3A_849 = tpu.vector_load %arg7[%swap3A_846, %swap3A_847, %swap3A_848] {strides = array<i32>} : memref<2x200x100xf32, #tpu.memory_space<vmem>>, vector<1x1x16xf32>,
        %swap3A_850 = vector.shape_cast %swap3A_849 : vector<1x1x16xf32> to vector<16xf32>
        %swap3A_851 = vector.shape_cast %get3A_840 : vector<16xf32> to vector<1x1x16xf32>
        tpu.vector_store %arg7[%swap3A_846, %swap3A_847, %swap3A_848], %swap3A_851 {strides = array<i32>} : memref<2x200x100xf32, #tpu.memory_space<vmem>>, vector<1x1x16xf32>,
        %mul3A_852 = arith.constant 4 : i32
        %mul3A_853 = arith.muli %mul3A_852, %scan3A_580 : i32
        %add3A_854 = arith.constant 1 : i32
        %add3A_855 = arith.addi %mul3A_853, %add3A_854 : i32
        %get3A_856 = arith.constant 1 : i32
        %get3A_857 = arith.index_cast %get3A_856 : i32 to index
        %get3A_858 = arith.index_cast %add3A_855 : i32 to index
        %get3A_859 = arith.constant 84 : index
        %get3A_860 = tpu.vector_load %arg6[%get3A_857, %get3A_858, %get3A_859] {strides = array<i32>} : memref<2x200x128xf32, #tpu.memory_space<vmem>>, vector<1x1x16xf32>,
        %get3A_861 = vector.shape_cast %get3A_860 : vector<1x1x16xf32> to vector<16xf32>
        %mul3A_862 = arith.constant 4 : i32
        %mul3A_863 = arith.muli %mul3A_862, %scan3A_580 : i32
        %add3A_864 = arith.constant 1 : i32
        %add3A_865 = arith.addi %mul3A_863, %add3A_864 : i32
        %swap3A_866 = arith.constant 1 : i32
        %swap3A_867 = arith.index_cast %swap3A_866 : i32 to index
        %swap3A_868 = arith.index_cast %add3A_865 : i32 to index
        %swap3A_869 = arith.constant 84 : index
        %swap3A_870 = tpu.vector_load %arg7[%swap3A_867, %swap3A_868, %swap3A_869] {strides = array<i32>} : memref<2x200x100xf32, #tpu.memory_space<vmem>>, vector<1x1x16xf32>,
        %swap3A_871 = vector.shape_cast %swap3A_870 : vector<1x1x16xf32> to vector<16xf32>
        %swap3A_872 = vector.shape_cast %get3A_861 : vector<16xf32> to vector<1x1x16xf32>
        tpu.vector_store %arg7[%swap3A_867, %swap3A_868, %swap3A_869], %swap3A_872 {strides = array<i32>} : memref<2x200x100xf32, #tpu.memory_space<vmem>>, vector<1x1x16xf32>,
        %mul3A_873 = arith.constant 4 : i32
        %mul3A_874 = arith.muli %mul3A_873, %scan3A_580 : i32
        %add3A_875 = arith.constant 2 : i32
        %add3A_876 = arith.addi %mul3A_874, %add3A_875 : i32
        %get3A_877 = arith.constant 1 : i32
        %get3A_878 = arith.index_cast %get3A_877 : i32 to index
        %get3A_879 = arith.index_cast %add3A_876 : i32 to index
        %get3A_880 = arith.constant 0 : index
        %get3A_881 = tpu.vector_load %arg6[%get3A_878, %get3A_879, %get3A_880] {strides = array<i32>} : memref<2x200x128xf32, #tpu.memory_space<vmem>>, vector<1x1x16xf32>,
        %get3A_882 = vector.shape_cast %get3A_881 : vector<1x1x16xf32> to vector<16xf32>
        %mul3A_883 = arith.constant 4 : i32
        %mul3A_884 = arith.muli %mul3A_883, %scan3A_580 : i32
        %add3A_885 = arith.constant 2 : i32
        %add3A_886 = arith.addi %mul3A_884, %add3A_885 : i32
        %swap3A_887 = arith.constant 1 : i32
        %swap3A_888 = arith.index_cast %swap3A_887 : i32 to index
        %swap3A_889 = arith.index_cast %add3A_886 : i32 to index
        %swap3A_890 = arith.constant 0 : index
        %swap3A_891 = tpu.vector_load %arg7[%swap3A_888, %swap3A_889, %swap3A_890] {strides = array<i32>} : memref<2x200x100xf32, #tpu.memory_space<vmem>>, vector<1x1x16xf32>,
        %swap3A_892 = vector.shape_cast %swap3A_891 : vector<1x1x16xf32> to vector<16xf32>
        %swap3A_893 = vector.shape_cast %get3A_882 : vector<16xf32> to vector<1x1x16xf32>
        tpu.vector_store %arg7[%swap3A_888, %swap3A_889, %swap3A_890], %swap3A_893 {strides = array<i32>} : memref<2x200x100xf32, #tpu.memory_space<vmem>>, vector<1x1x16xf32>,
        %mul3A_894 = arith.constant 4 : i32
        %mul3A_895 = arith.muli %mul3A_894, %scan3A_580 : i32
        %add3A_896 = arith.constant 2 : i32
        %add3A_897 = arith.addi %mul3A_895, %add3A_896 : i32
        %get3A_898 = arith.constant 1 : i32
        %get3A_899 = arith.index_cast %get3A_898 : i32 to index
        %get3A_900 = arith.index_cast %add3A_897 : i32 to index
        %get3A_901 = arith.constant 16 : index
        %get3A_902 = tpu.vector_load %arg6[%get3A_899, %get3A_900, %get3A_901] {strides = array<i32>} : memref<2x200x128xf32, #tpu.memory_space<vmem>>, vector<1x1x16xf32>,
        %get3A_903 = vector.shape_cast %get3A_902 : vector<1x1x16xf32> to vector<16xf32>
        %mul3A_904 = arith.constant 4 : i32
        %mul3A_905 = arith.muli %mul3A_904, %scan3A_580 : i32
        %add3A_906 = arith.constant 2 : i32
        %add3A_907 = arith.addi %mul3A_905, %add3A_906 : i32
        %swap3A_908 = arith.constant 1 : i32
        %swap3A_909 = arith.index_cast %swap3A_908 : i32 to index
        %swap3A_910 = arith.index_cast %add3A_907 : i32 to index
        %swap3A_911 = arith.constant 16 : index
        %swap3A_912 = tpu.vector_load %arg7[%swap3A_909, %swap3A_910, %swap3A_911] {strides = array<i32>} : memref<2x200x100xf32, #tpu.memory_space<vmem>>, vector<1x1x16xf32>,
        %swap3A_913 = vector.shape_cast %swap3A_912 : vector<1x1x16xf32> to vector<16xf32>
        %swap3A_914 = vector.shape_cast %get3A_903 : vector<16xf32> to vector<1x1x16xf32>
        tpu.vector_store %arg7[%swap3A_909, %swap3A_910, %swap3A_911], %swap3A_914 {strides = array<i32>} : memref<2x200x100xf32, #tpu.memory_space<vmem>>, vector<1x1x16xf32>,
        %mul3A_915 = arith.constant 4 : i32
        %mul3A_916 = arith.muli %mul3A_915, %scan3A_580 : i32
        %add3A_917 = arith.constant 2 : i32
        %add3A_918 = arith.addi %mul3A_916, %add3A_917 : i32
        %get3A_919 = arith.constant 1 : i32
        %get3A_920 = arith.index_cast %get3A_919 : i32 to index
        %get3A_921 = arith.index_cast %add3A_918 : i32 to index
        %get3A_922 = arith.constant 32 : index
        %get3A_923 = tpu.vector_load %arg6[%get3A_920, %get3A_921, %get3A_922] {strides = array<i32>} : memref<2x200x128xf32, #tpu.memory_space<vmem>>, vector<1x1x16xf32>,
        %get3A_924 = vector.shape_cast %get3A_923 : vector<1x1x16xf32> to vector<16xf32>
        %mul3A_925 = arith.constant 4 : i32
        %mul3A_926 = arith.muli %mul3A_925, %scan3A_580 : i32
        %add3A_927 = arith.constant 2 : i32
        %add3A_928 = arith.addi %mul3A_926, %add3A_927 : i32
        %swap3A_929 = arith.constant 1 : i32
        %swap3A_930 = arith.index_cast %swap3A_929 : i32 to index
        %swap3A_931 = arith.index_cast %add3A_928 : i32 to index
        %swap3A_932 = arith.constant 32 : index
        %swap3A_933 = tpu.vector_load %arg7[%swap3A_930, %swap3A_931, %swap3A_932] {strides = array<i32>} : memref<2x200x100xf32, #tpu.memory_space<vmem>>, vector<1x1x16xf32>,
        %swap3A_934 = vector.shape_cast %swap3A_933 : vector<1x1x16xf32> to vector<16xf32>
        %swap3A_935 = vector.shape_cast %get3A_924 : vector<16xf32> to vector<1x1x16xf32>
        tpu.vector_store %arg7[%swap3A_930, %swap3A_931, %swap3A_932], %swap3A_935 {strides = array<i32>} : memref<2x200x100xf32, #tpu.memory_space<vmem>>, vector<1x1x16xf32>,
        %mul3A_936 = arith.constant 4 : i32
        %mul3A_937 = arith.muli %mul3A_936, %scan3A_580 : i32
        %add3A_938 = arith.constant 2 : i32
        %add3A_939 = arith.addi %mul3A_937, %add3A_938 : i32
        %get3A_940 = arith.constant 1 : i32
        %get3A_941 = arith.index_cast %get3A_940 : i32 to index
        %get3A_942 = arith.index_cast %add3A_939 : i32 to index
        %get3A_943 = arith.constant 48 : index
        %get3A_944 = tpu.vector_load %arg6[%get3A_941, %get3A_942, %get3A_943] {strides = array<i32>} : memref<2x200x128xf32, #tpu.memory_space<vmem>>, vector<1x1x16xf32>,
        %get3A_945 = vector.shape_cast %get3A_944 : vector<1x1x16xf32> to vector<16xf32>
        %mul3A_946 = arith.constant 4 : i32
        %mul3A_947 = arith.muli %mul3A_946, %scan3A_580 : i32
        %add3A_948 = arith.constant 2 : i32
        %add3A_949 = arith.addi %mul3A_947, %add3A_948 : i32
        %swap3A_950 = arith.constant 1 : i32
        %swap3A_951 = arith.index_cast %swap3A_950 : i32 to index
        %swap3A_952 = arith.index_cast %add3A_949 : i32 to index
        %swap3A_953 = arith.constant 48 : index
        %swap3A_954 = tpu.vector_load %arg7[%swap3A_951, %swap3A_952, %swap3A_953] {strides = array<i32>} : memref<2x200x100xf32, #tpu.memory_space<vmem>>, vector<1x1x16xf32>,
        %swap3A_955 = vector.shape_cast %swap3A_954 : vector<1x1x16xf32> to vector<16xf32>
        %swap3A_956 = vector.shape_cast %get3A_945 : vector<16xf32> to vector<1x1x16xf32>
        tpu.vector_store %arg7[%swap3A_951, %swap3A_952, %swap3A_953], %swap3A_956 {strides = array<i32>} : memref<2x200x100xf32, #tpu.memory_space<vmem>>, vector<1x1x16xf32>,
        %mul3A_957 = arith.constant 4 : i32
        %mul3A_958 = arith.muli %mul3A_957, %scan3A_580 : i32
        %add3A_959 = arith.constant 2 : i32
        %add3A_960 = arith.addi %mul3A_958, %add3A_959 : i32
        %get3A_961 = arith.constant 1 : i32
        %get3A_962 = arith.index_cast %get3A_961 : i32 to index
        %get3A_963 = arith.index_cast %add3A_960 : i32 to index
        %get3A_964 = arith.constant 64 : index
        %get3A_965 = tpu.vector_load %arg6[%get3A_962, %get3A_963, %get3A_964] {strides = array<i32>} : memref<2x200x128xf32, #tpu.memory_space<vmem>>, vector<1x1x16xf32>,
        %get3A_966 = vector.shape_cast %get3A_965 : vector<1x1x16xf32> to vector<16xf32>
        %mul3A_967 = arith.constant 4 : i32
        %mul3A_968 = arith.muli %mul3A_967, %scan3A_580 : i32
        %add3A_969 = arith.constant 2 : i32
        %add3A_970 = arith.addi %mul3A_968, %add3A_969 : i32
        %swap3A_971 = arith.constant 1 : i32
        %swap3A_972 = arith.index_cast %swap3A_971 : i32 to index
        %swap3A_973 = arith.index_cast %add3A_970 : i32 to index
        %swap3A_974 = arith.constant 64 : index
        %swap3A_975 = tpu.vector_load %arg7[%swap3A_972, %swap3A_973, %swap3A_974] {strides = array<i32>} : memref<2x200x100xf32, #tpu.memory_space<vmem>>, vector<1x1x16xf32>,
        %swap3A_976 = vector.shape_cast %swap3A_975 : vector<1x1x16xf32> to vector<16xf32>
        %swap3A_977 = vector.shape_cast %get3A_966 : vector<16xf32> to vector<1x1x16xf32>
        tpu.vector_store %arg7[%swap3A_972, %swap3A_973, %swap3A_974], %swap3A_977 {strides = array<i32>} : memref<2x200x100xf32, #tpu.memory_space<vmem>>, vector<1x1x16xf32>,
        %mul3A_978 = arith.constant 4 : i32
        %mul3A_979 = arith.muli %mul3A_978, %scan3A_580 : i32
        %add3A_980 = arith.constant 2 : i32
        %add3A_981 = arith.addi %mul3A_979, %add3A_980 : i32
        %get3A_982 = arith.constant 1 : i32
        %get3A_983 = arith.index_cast %get3A_982 : i32 to index
        %get3A_984 = arith.index_cast %add3A_981 : i32 to index
        %get3A_985 = arith.constant 80 : index
        %get3A_986 = tpu.vector_load %arg6[%get3A_983, %get3A_984, %get3A_985] {strides = array<i32>} : memref<2x200x128xf32, #tpu.memory_space<vmem>>, vector<1x1x16xf32>,
        %get3A_987 = vector.shape_cast %get3A_986 : vector<1x1x16xf32> to vector<16xf32>
        %mul3A_988 = arith.constant 4 : i32
        %mul3A_989 = arith.muli %mul3A_988, %scan3A_580 : i32
        %add3A_990 = arith.constant 2 : i32
        %add3A_991 = arith.addi %mul3A_989, %add3A_990 : i32
        %swap3A_992 = arith.constant 1 : i32
        %swap3A_993 = arith.index_cast %swap3A_992 : i32 to index
        %swap3A_994 = arith.index_cast %add3A_991 : i32 to index
        %swap3A_995 = arith.constant 80 : index
        %swap3A_996 = tpu.vector_load %arg7[%swap3A_993, %swap3A_994, %swap3A_995] {strides = array<i32>} : memref<2x200x100xf32, #tpu.memory_space<vmem>>, vector<1x1x16xf32>,
        %swap3A_997 = vector.shape_cast %swap3A_996 : vector<1x1x16xf32> to vector<16xf32>
        %swap3A_998 = vector.shape_cast %get3A_987 : vector<16xf32> to vector<1x1x16xf32>
        tpu.vector_store %arg7[%swap3A_993, %swap3A_994, %swap3A_995], %swap3A_998 {strides = array<i32>} : memref<2x200x100xf32, #tpu.memory_space<vmem>>, vector<1x1x16xf32>,
        %mul3A_999 = arith.constant 4 : i32
        %mul3A_1000 = arith.muli %mul3A_999, %scan3A_580 : i32
        %add3A_1001 = arith.constant 2 : i32
        %add3A_1002 = arith.addi %mul3A_1000, %add3A_1001 : i32
        %get3A_1003 = arith.constant 1 : i32
        %get3A_1004 = arith.index_cast %get3A_1003 : i32 to index
        %get3A_1005 = arith.index_cast %add3A_1002 : i32 to index
        %get3A_1006 = arith.constant 84 : index
        %get3A_1007 = tpu.vector_load %arg6[%get3A_1004, %get3A_1005, %get3A_1006] {strides = array<i32>} : memref<2x200x128xf32, #tpu.memory_space<vmem>>, vector<1x1x16xf32>,
        %get3A_1008 = vector.shape_cast %get3A_1007 : vector<1x1x16xf32> to vector<16xf32>
        %mul3A_1009 = arith.constant 4 : i32
        %mul3A_1010 = arith.muli %mul3A_1009, %scan3A_580 : i32
        %add3A_1011 = arith.constant 2 : i32
        %add3A_1012 = arith.addi %mul3A_1010, %add3A_1011 : i32
        %swap3A_1013 = arith.constant 1 : i32
        %swap3A_1014 = arith.index_cast %swap3A_1013 : i32 to index
        %swap3A_1015 = arith.index_cast %add3A_1012 : i32 to index
        %swap3A_1016 = arith.constant 84 : index
        %swap3A_1017 = tpu.vector_load %arg7[%swap3A_1014, %swap3A_1015, %swap3A_1016] {strides = array<i32>} : memref<2x200x100xf32, #tpu.memory_space<vmem>>, vector<1x1x16xf32>,
        %swap3A_1018 = vector.shape_cast %swap3A_1017 : vector<1x1x16xf32> to vector<16xf32>
        %swap3A_1019 = vector.shape_cast %get3A_1008 : vector<16xf32> to vector<1x1x16xf32>
        tpu.vector_store %arg7[%swap3A_1014, %swap3A_1015, %swap3A_1016], %swap3A_1019 {strides = array<i32>} : memref<2x200x100xf32, #tpu.memory_space<vmem>>, vector<1x1x16xf32>,
        %mul3A_1020 = arith.constant 4 : i32
        %mul3A_1021 = arith.muli %mul3A_1020, %scan3A_580 : i32
        %add3A_1022 = arith.constant 3 : i32
        %add3A_1023 = arith.addi %mul3A_1021, %add3A_1022 : i32
        %get3A_1024 = arith.constant 1 : i32
        %get3A_1025 = arith.index_cast %get3A_1024 : i32 to index
        %get3A_1026 = arith.index_cast %add3A_1023 : i32 to index
        %get3A_1027 = arith.constant 0 : index
        %get3A_1028 = tpu.vector_load %arg6[%get3A_1025, %get3A_1026, %get3A_1027] {strides = array<i32>} : memref<2x200x128xf32, #tpu.memory_space<vmem>>, vector<1x1x16xf32>,
        %get3A_1029 = vector.shape_cast %get3A_1028 : vector<1x1x16xf32> to vector<16xf32>
        %mul3A_1030 = arith.constant 4 : i32
        %mul3A_1031 = arith.muli %mul3A_1030, %scan3A_580 : i32
        %add3A_1032 = arith.constant 3 : i32
        %add3A_1033 = arith.addi %mul3A_1031, %add3A_1032 : i32
        %swap3A_1034 = arith.constant 1 : i32
        %swap3A_1035 = arith.index_cast %swap3A_1034 : i32 to index
        %swap3A_1036 = arith.index_cast %add3A_1033 : i32 to index
        %swap3A_1037 = arith.constant 0 : index
        %swap3A_1038 = tpu.vector_load %arg7[%swap3A_1035, %swap3A_1036, %swap3A_1037] {strides = array<i32>} : memref<2x200x100xf32, #tpu.memory_space<vmem>>, vector<1x1x16xf32>,
        %swap3A_1039 = vector.shape_cast %swap3A_1038 : vector<1x1x16xf32> to vector<16xf32>
        %swap3A_1040 = vector.shape_cast %get3A_1029 : vector<16xf32> to vector<1x1x16xf32>
        tpu.vector_store %arg7[%swap3A_1035, %swap3A_1036, %swap3A_1037], %swap3A_1040 {strides = array<i32>} : memref<2x200x100xf32, #tpu.memory_space<vmem>>, vector<1x1x16xf32>,
        %mul3A_1041 = arith.constant 4 : i32
        %mul3A_1042 = arith.muli %mul3A_1041, %scan3A_580 : i32
        %add3A_1043 = arith.constant 3 : i32
        %add3A_1044 = arith.addi %mul3A_1042, %add3A_1043 : i32
        %get3A_1045 = arith.constant 1 : i32
        %get3A_1046 = arith.index_cast %get3A_1045 : i32 to index
        %get3A_1047 = arith.index_cast %add3A_1044 : i32 to index
        %get3A_1048 = arith.constant 16 : index
        %get3A_1049 = tpu.vector_load %arg6[%get3A_1046, %get3A_1047, %get3A_1048] {strides = array<i32>} : memref<2x200x128xf32, #tpu.memory_space<vmem>>, vector<1x1x16xf32>,
        %get3A_1050 = vector.shape_cast %get3A_1049 : vector<1x1x16xf32> to vector<16xf32>
        %mul3A_1051 = arith.constant 4 : i32
        %mul3A_1052 = arith.muli %mul3A_1051, %scan3A_580 : i32
        %add3A_1053 = arith.constant 3 : i32
        %add3A_1054 = arith.addi %mul3A_1052, %add3A_1053 : i32
        %swap3A_1055 = arith.constant 1 : i32
        %swap3A_1056 = arith.index_cast %swap3A_1055 : i32 to index
        %swap3A_1057 = arith.index_cast %add3A_1054 : i32 to index
        %swap3A_1058 = arith.constant 16 : index
        %swap3A_1059 = tpu.vector_load %arg7[%swap3A_1056, %swap3A_1057, %swap3A_1058] {strides = array<i32>} : memref<2x200x100xf32, #tpu.memory_space<vmem>>, vector<1x1x16xf32>,
        %swap3A_1060 = vector.shape_cast %swap3A_1059 : vector<1x1x16xf32> to vector<16xf32>
        %swap3A_1061 = vector.shape_cast %get3A_1050 : vector<16xf32> to vector<1x1x16xf32>
        tpu.vector_store %arg7[%swap3A_1056, %swap3A_1057, %swap3A_1058], %swap3A_1061 {strides = array<i32>} : memref<2x200x100xf32, #tpu.memory_space<vmem>>, vector<1x1x16xf32>,
        %mul3A_1062 = arith.constant 4 : i32
        %mul3A_1063 = arith.muli %mul3A_1062, %scan3A_580 : i32
        %add3A_1064 = arith.constant 3 : i32
        %add3A_1065 = arith.addi %mul3A_1063, %add3A_1064 : i32
        %get3A_1066 = arith.constant 1 : i32
        %get3A_1067 = arith.index_cast %get3A_1066 : i32 to index
        %get3A_1068 = arith.index_cast %add3A_1065 : i32 to index
        %get3A_1069 = arith.constant 32 : index
        %get3A_1070 = tpu.vector_load %arg6[%get3A_1067, %get3A_1068, %get3A_1069] {strides = array<i32>} : memref<2x200x128xf32, #tpu.memory_space<vmem>>, vector<1x1x16xf32>,
        %get3A_1071 = vector.shape_cast %get3A_1070 : vector<1x1x16xf32> to vector<16xf32>
        %mul3A_1072 = arith.constant 4 : i32
        %mul3A_1073 = arith.muli %mul3A_1072, %scan3A_580 : i32
        %add3A_1074 = arith.constant 3 : i32
        %add3A_1075 = arith.addi %mul3A_1073, %add3A_1074 : i32
        %swap3A_1076 = arith.constant 1 : i32
        %swap3A_1077 = arith.index_cast %swap3A_1076 : i32 to index
        %swap3A_1078 = arith.index_cast %add3A_1075 : i32 to index
        %swap3A_1079 = arith.constant 32 : index
        %swap3A_1080 = tpu.vector_load %arg7[%swap3A_1077, %swap3A_1078, %swap3A_1079] {strides = array<i32>} : memref<2x200x100xf32, #tpu.memory_space<vmem>>, vector<1x1x16xf32>,
        %swap3A_1081 = vector.shape_cast %swap3A_1080 : vector<1x1x16xf32> to vector<16xf32>
        %swap3A_1082 = vector.shape_cast %get3A_1071 : vector<16xf32> to vector<1x1x16xf32>
        tpu.vector_store %arg7[%swap3A_1077, %swap3A_1078, %swap3A_1079], %swap3A_1082 {strides = array<i32>} : memref<2x200x100xf32, #tpu.memory_space<vmem>>, vector<1x1x16xf32>,
        %mul3A_1083 = arith.constant 4 : i32
        %mul3A_1084 = arith.muli %mul3A_1083, %scan3A_580 : i32
        %add3A_1085 = arith.constant 3 : i32
        %add3A_1086 = arith.addi %mul3A_1084, %add3A_1085 : i32
        %get3A_1087 = arith.constant 1 : i32
        %get3A_1088 = arith.index_cast %get3A_1087 : i32 to index
        %get3A_1089 = arith.index_cast %add3A_1086 : i32 to index
        %get3A_1090 = arith.constant 48 : index
        %get3A_1091 = tpu.vector_load %arg6[%get3A_1088, %get3A_1089, %get3A_1090] {strides = array<i32>} : memref<2x200x128xf32, #tpu.memory_space<vmem>>, vector<1x1x16xf32>,
        %get3A_1092 = vector.shape_cast %get3A_1091 : vector<1x1x16xf32> to vector<16xf32>
        %mul3A_1093 = arith.constant 4 : i32
        %mul3A_1094 = arith.muli %mul3A_1093, %scan3A_580 : i32
        %add3A_1095 = arith.constant 3 : i32
        %add3A_1096 = arith.addi %mul3A_1094, %add3A_1095 : i32
        %swap3A_1097 = arith.constant 1 : i32
        %swap3A_1098 = arith.index_cast %swap3A_1097 : i32 to index
        %swap3A_1099 = arith.index_cast %add3A_1096 : i32 to index
        %swap3A_1100 = arith.constant 48 : index
        %swap3A_1101 = tpu.vector_load %arg7[%swap3A_1098, %swap3A_1099, %swap3A_1100] {strides = array<i32>} : memref<2x200x100xf32, #tpu.memory_space<vmem>>, vector<1x1x16xf32>,
        %swap3A_1102 = vector.shape_cast %swap3A_1101 : vector<1x1x16xf32> to vector<16xf32>
        %swap3A_1103 = vector.shape_cast %get3A_1092 : vector<16xf32> to vector<1x1x16xf32>
        tpu.vector_store %arg7[%swap3A_1098, %swap3A_1099, %swap3A_1100], %swap3A_1103 {strides = array<i32>} : memref<2x200x100xf32, #tpu.memory_space<vmem>>, vector<1x1x16xf32>,
        %mul3A_1104 = arith.constant 4 : i32
        %mul3A_1105 = arith.muli %mul3A_1104, %scan3A_580 : i32
        %add3A_1106 = arith.constant 3 : i32
        %add3A_1107 = arith.addi %mul3A_1105, %add3A_1106 : i32
        %get3A_1108 = arith.constant 1 : i32
        %get3A_1109 = arith.index_cast %get3A_1108 : i32 to index
        %get3A_1110 = arith.index_cast %add3A_1107 : i32 to index
        %get3A_1111 = arith.constant 64 : index
        %get3A_1112 = tpu.vector_load %arg6[%get3A_1109, %get3A_1110, %get3A_1111] {strides = array<i32>} : memref<2x200x128xf32, #tpu.memory_space<vmem>>, vector<1x1x16xf32>,
        %get3A_1113 = vector.shape_cast %get3A_1112 : vector<1x1x16xf32> to vector<16xf32>
        %mul3A_1114 = arith.constant 4 : i32
        %mul3A_1115 = arith.muli %mul3A_1114, %scan3A_580 : i32
        %add3A_1116 = arith.constant 3 : i32
        %add3A_1117 = arith.addi %mul3A_1115, %add3A_1116 : i32
        %swap3A_1118 = arith.constant 1 : i32
        %swap3A_1119 = arith.index_cast %swap3A_1118 : i32 to index
        %swap3A_1120 = arith.index_cast %add3A_1117 : i32 to index
        %swap3A_1121 = arith.constant 64 : index
        %swap3A_1122 = tpu.vector_load %arg7[%swap3A_1119, %swap3A_1120, %swap3A_1121] {strides = array<i32>} : memref<2x200x100xf32, #tpu.memory_space<vmem>>, vector<1x1x16xf32>,
        %swap3A_1123 = vector.shape_cast %swap3A_1122 : vector<1x1x16xf32> to vector<16xf32>
        %swap3A_1124 = vector.shape_cast %get3A_1113 : vector<16xf32> to vector<1x1x16xf32>
        tpu.vector_store %arg7[%swap3A_1119, %swap3A_1120, %swap3A_1121], %swap3A_1124 {strides = array<i32>} : memref<2x200x100xf32, #tpu.memory_space<vmem>>, vector<1x1x16xf32>,
        %mul3A_1125 = arith.constant 4 : i32
        %mul3A_1126 = arith.muli %mul3A_1125, %scan3A_580 : i32
        %add3A_1127 = arith.constant 3 : i32
        %add3A_1128 = arith.addi %mul3A_1126, %add3A_1127 : i32
        %get3A_1129 = arith.constant 1 : i32
        %get3A_1130 = arith.index_cast %get3A_1129 : i32 to index
        %get3A_1131 = arith.index_cast %add3A_1128 : i32 to index
        %get3A_1132 = arith.constant 80 : index
        %get3A_1133 = tpu.vector_load %arg6[%get3A_1130, %get3A_1131, %get3A_1132] {strides = array<i32>} : memref<2x200x128xf32, #tpu.memory_space<vmem>>, vector<1x1x16xf32>,
        %get3A_1134 = vector.shape_cast %get3A_1133 : vector<1x1x16xf32> to vector<16xf32>
        %mul3A_1135 = arith.constant 4 : i32
        %mul3A_1136 = arith.muli %mul3A_1135, %scan3A_580 : i32
        %add3A_1137 = arith.constant 3 : i32
        %add3A_1138 = arith.addi %mul3A_1136, %add3A_1137 : i32
        %swap3A_1139 = arith.constant 1 : i32
        %swap3A_1140 = arith.index_cast %swap3A_1139 : i32 to index
        %swap3A_1141 = arith.index_cast %add3A_1138 : i32 to index
        %swap3A_1142 = arith.constant 80 : index
        %swap3A_1143 = tpu.vector_load %arg7[%swap3A_1140, %swap3A_1141, %swap3A_1142] {strides = array<i32>} : memref<2x200x100xf32, #tpu.memory_space<vmem>>, vector<1x1x16xf32>,
        %swap3A_1144 = vector.shape_cast %swap3A_1143 : vector<1x1x16xf32> to vector<16xf32>
        %swap3A_1145 = vector.shape_cast %get3A_1134 : vector<16xf32> to vector<1x1x16xf32>
        tpu.vector_store %arg7[%swap3A_1140, %swap3A_1141, %swap3A_1142], %swap3A_1145 {strides = array<i32>} : memref<2x200x100xf32, #tpu.memory_space<vmem>>, vector<1x1x16xf32>,
        %mul3A_1146 = arith.constant 4 : i32
        %mul3A_1147 = arith.muli %mul3A_1146, %scan3A_580 : i32
        %add3A_1148 = arith.constant 3 : i32
        %add3A_1149 = arith.addi %mul3A_1147, %add3A_1148 : i32
        %get3A_1150 = arith.constant 1 : i32
        %get3A_1151 = arith.index_cast %get3A_1150 : i32 to index
        %get3A_1152 = arith.index_cast %add3A_1149 : i32 to index
        %get3A_1153 = arith.constant 84 : index
        %get3A_1154 = tpu.vector_load %arg6[%get3A_1151, %get3A_1152, %get3A_1153] {strides = array<i32>} : memref<2x200x128xf32, #tpu.memory_space<vmem>>, vector<1x1x16xf32>,
        %get3A_1155 = vector.shape_cast %get3A_1154 : vector<1x1x16xf32> to vector<16xf32>
        %mul3A_1156 = arith.constant 4 : i32
        %mul3A_1157 = arith.muli %mul3A_1156, %scan3A_580 : i32
        %add3A_1158 = arith.constant 3 : i32
        %add3A_1159 = arith.addi %mul3A_1157, %add3A_1158 : i32
        %swap3A_1160 = arith.constant 1 : i32
        %swap3A_1161 = arith.index_cast %swap3A_1160 : i32 to index
        %swap3A_1162 = arith.index_cast %add3A_1159 : i32 to index
        %swap3A_1163 = arith.constant 84 : index
        %swap3A_1164 = tpu.vector_load %arg7[%swap3A_1161, %swap3A_1162, %swap3A_1163] {strides = array<i32>} : memref<2x200x100xf32, #tpu.memory_space<vmem>>, vector<1x1x16xf32>,
        %swap3A_1165 = vector.shape_cast %swap3A_1164 : vector<1x1x16xf32> to vector<16xf32>
        %swap3A_1166 = vector.shape_cast %get3A_1155 : vector<16xf32> to vector<1x1x16xf32>
        tpu.vector_store %arg7[%swap3A_1161, %swap3A_1162, %swap3A_1163], %swap3A_1166 {strides = array<i32>} : memref<2x200x100xf32, #tpu.memory_space<vmem>>, vector<1x1x16xf32>,
      }
      %scan3A_509 = arith.constant 50 : i32
      %add3A_510 = arith.addi %mul3A_2, %add3A_463 : i32
      %mul3A_511 = arith.constant 200 : i32
      %mul3A_512 = arith.muli %add3A_510, %mul3A_511 : i32
      %dma_start3A_513 = arith.constant 1 : i32
      %dma_start3A_514 = arith.constant 0 : i32
      %dma_start3A_515 = arith.constant 0 : i32
      %dma_start3A_516 = tpu.memref_slice %arg7[%dma_start3A_513, %dma_start3A_514, %dma_start3A_515] : memref<2x200x100xf32, #tpu.memory_space<vmem>> -> memref<1x200x100xf32, #tpu.memory_space<vmem>>
      %dma_start3A_517 = tpu.memref_squeeze %dma_start3A_516 : memref<1x200x100xf32, #tpu.memory_space<vmem>> -> memref<200x100xf32, #tpu.memory_space<vmem>>
      %dma_start3A_518 = arith.constant 0 : i32
      %dma_start3A_519 = tpu.memref_slice %arg4[%mul3A_512, %dma_start3A_518] : memref<819200x100xf32, #tpu.memory_space<hbm>> -> memref<200x100xf32, #tpu.memory_space<hbm>>
      %dma_start3A_520 = arith.constant 0 : i32
      %dma_start3A_521 = tpu.memref_slice %arg4[%mul3A_512, %dma_start3A_520] : memref<819200x100xf32, #tpu.memory_space<hbm>> -> memref<200x100xf32, #tpu.memory_space<hbm>>
      %dma_start3A_522 = arith.constant 0 : i32
      %dma_start3A_523 = arith.constant 0 : i32
      %dma_start3A_524 = tpu.memref_slice %arg7[%dma_start3A_513, %dma_start3A_522, %dma_start3A_523] : memref<2x200x100xf32, #tpu.memory_space<vmem>> -> memref<1x200x100xf32, #tpu.memory_space<vmem>>
      %dma_start3A_525 = tpu.memref_squeeze %dma_start3A_524 : memref<1x200x100xf32, #tpu.memory_space<vmem>> -> memref<200x100xf32, #tpu.memory_space<vmem>>
      tpu.enqueue_dma source(%dma_start3A_525 : memref<200x100xf32, #tpu.memory_space<vmem>>) target(%dma_start3A_521 : memref<200x100xf32, #tpu.memory_space<hbm>>) target_semaphore(%arg10 : memref<!tpu.dma_semaphore, #tpu.memory_space<semaphore_mem>>)
      %add3A_526 = arith.constant 1 : i32
      %add3A_527 = arith.addi %add3A_463, %add3A_526 : i32
      %add3A_528 = arith.addi %mul3A_2, %add3A_527 : i32
      %min3A_529 = arith.constant 4095 : i32
      %min3A_530 = arith.minsi %add3A_528, %min3A_529 : i32
      %dma_wait3A_531 = arith.constant 0 : i32
      %dma_wait3A_532 = arith.constant 0 : i32
      %dma_wait3A_533 = tpu.memref_slice %arg5[%dma_wait3A_531, %dma_wait3A_532] : memref<2x200xi32, #tpu.memory_space<vmem>> -> memref<1x200xi32, #tpu.memory_space<vmem>>
      %dma_wait3A_534 = arith.constant 0 : i32
      %dma_wait3A_535 = tpu.memref_slice %arg2[%min3A_530, %dma_wait3A_534] : memref<4096x200xi32, #tpu.memory_space<hbm>> -> memref<1x200xi32, #tpu.memory_space<hbm>>
      %dma_wait3A_536 = arith.constant 0 : i32
      %dma_wait3A_537 = arith.constant 0 : i32
      %dma_wait3A_538 = tpu.memref_slice %arg5[%dma_wait3A_536, %dma_wait3A_537] : memref<2x200xi32, #tpu.memory_space<vmem>> -> memref<1x200xi32, #tpu.memory_space<vmem>>
      %dma_wait3A_539 = arith.constant 0 : i32
      %dma_wait3A_540 = tpu.memref_slice %arg2[%min3A_530, %dma_wait3A_539] : memref<4096x200xi32, #tpu.memory_space<hbm>> -> memref<1x200xi32, #tpu.memory_space<hbm>>
      tpu.wait_dma2 semaphore(%arg8 : memref<!tpu.dma_semaphore, #tpu.memory_space<semaphore_mem>>) src(%dma_wait3A_540 : memref<1x200xi32, #tpu.memory_space<hbm>>) dst(%dma_wait3A_538 : memref<1x200xi32, #tpu.memory_space<vmem>>)
      %dma_start3A_541 = arith.constant 0 : i32
      %dma_start3A_542 = arith.constant 0 : i32
      %dma_start3A_543 = arith.constant 0 : i32
      %dma_start3A_544 = arith.constant 0 : i32
      %dma_start3A_545 = tpu.memref_slice %arg6[%dma_start3A_542, %dma_start3A_543, %dma_start3A_544] : memref<2x200x128xf32, #tpu.memory_space<vmem>> -> memref<1x128x128xf32, #tpu.memory_space<vmem>>
      %dma_start3A_546 = tpu.memref_squeeze %dma_start3A_545 : memref<1x128x128xf32, #tpu.memory_space<vmem>> -> memref<128x128xf32, #tpu.memory_space<vmem>>
      %dma_start3A_547 = arith.constant 0 : i32
      %dma_start3A_548 = tpu.memref_slice %arg5[%dma_start3A_541, %dma_start3A_547] : memref<2x200xi32, #tpu.memory_space<vmem>> -> memref<1x128xi32, #tpu.memory_space<vmem>>
      %dma_start3A_549 = tpu.memref_squeeze %dma_start3A_548 : memref<1x128xi32, #tpu.memory_space<vmem>> -> memref<128xi32, #tpu.memory_space<vmem>>
      %dma_start3A_550 = arith.constant 0 : i32
      %dma_start3A_551 = arith.constant 0 : i32
      %dma_start3A_552 = tpu.memref_slice %arg3[%dma_start3A_550, %dma_start3A_551] : memref<100000x128xf32, #tpu.memory_space<hbm>> -> memref<100000x128xf32, #tpu.memory_space<hbm>>
      tpu.enqueue_indirect_dma source(%dma_start3A_552 : memref<100000x128xf32, #tpu.memory_space<hbm>>) target(%dma_start3A_546 : memref<128x128xf32, #tpu.memory_space<vmem>>) offsets(%dma_start3A_549 : memref<128xi32, #tpu.memory_space<vmem>>) semaphore(%arg9 : memref<!tpu.dma_semaphore, #tpu.memory_space<semaphore_mem>>)
      %dma_start3A_553 = arith.constant 0 : i32
      %dma_start3A_554 = arith.constant 0 : i32
      %dma_start3A_555 = arith.constant 128 : i32
      %dma_start3A_556 = arith.constant 0 : i32
      %dma_start3A_557 = tpu.memref_slice %arg6[%dma_start3A_554, %dma_start3A_555, %dma_start3A_556] : memref<2x200x128xf32, #tpu.memory_space<vmem>> -> memref<1x72x128xf32, #tpu.memory_space<vmem>>
      %dma_start3A_558 = tpu.memref_squeeze %dma_start3A_557 : memref<1x72x128xf32, #tpu.memory_space<vmem>> -> memref<72x128xf32, #tpu.memory_space<vmem>>
      %dma_start3A_559 = arith.constant 128 : i32
      %dma_start3A_560 = tpu.memref_slice %arg5[%dma_start3A_553, %dma_start3A_559] : memref<2x200xi32, #tpu.memory_space<vmem>> -> memref<1x72xi32, #tpu.memory_space<vmem>>
      %dma_start3A_561 = tpu.memref_squeeze %dma_start3A_560 : memref<1x72xi32, #tpu.memory_space<vmem>> -> memref<72xi32, #tpu.memory_space<vmem>>
      %dma_start3A_562 = arith.constant 0 : i32
      %dma_start3A_563 = arith.constant 0 : i32
      %dma_start3A_564 = tpu.memref_slice %arg3[%dma_start3A_562, %dma_start3A_563] : memref<100000x128xf32, #tpu.memory_space<hbm>> -> memref<100000x128xf32, #tpu.memory_space<hbm>>
      tpu.enqueue_indirect_dma source(%dma_start3A_564 : memref<100000x128xf32, #tpu.memory_space<hbm>>) target(%dma_start3A_558 : memref<72x128xf32, #tpu.memory_space<vmem>>) offsets(%dma_start3A_561 : memref<72xi32, #tpu.memory_space<vmem>>) semaphore(%arg9 : memref<!tpu.dma_semaphore, #tpu.memory_space<semaphore_mem>>)
      %add3A_565 = arith.constant 2 : i32
      %add3A_566 = arith.addi %add3A_463, %add3A_565 : i32
      %add3A_567 = arith.addi %mul3A_2, %add3A_566 : i32
      %min3A_568 = arith.constant 4095 : i32
      %min3A_569 = arith.minsi %add3A_567, %min3A_568 : i32
      %dma_start3A_570 = arith.constant 1 : i32
      %dma_start3A_571 = arith.constant 0 : i32
      %dma_start3A_572 = tpu.memref_slice %arg5[%dma_start3A_570, %dma_start3A_571] : memref<2x200xi32, #tpu.memory_space<vmem>> -> memref<1x200xi32, #tpu.memory_space<vmem>>
      %dma_start3A_573 = arith.constant 0 : i32
      %dma_start3A_574 = tpu.memref_slice %arg2[%min3A_569, %dma_start3A_573] : memref<4096x200xi32, #tpu.memory_space<hbm>> -> memref<1x200xi32, #tpu.memory_space<hbm>>
      %dma_start3A_575 = arith.constant 1 : i32
      %dma_start3A_576 = arith.constant 0 : i32
      %dma_start3A_577 = tpu.memref_slice %arg5[%dma_start3A_575, %dma_start3A_576] : memref<2x200xi32, #tpu.memory_space<vmem>> -> memref<1x200xi32, #tpu.memory_space<vmem>>
      %dma_start3A_578 = arith.constant 0 : i32
      %dma_start3A_579 = tpu.memref_slice %arg2[%min3A_569, %dma_start3A_578] : memref<4096x200xi32, #tpu.memory_space<hbm>> -> memref<1x200xi32, #tpu.memory_space<hbm>>
      tpu.enqueue_dma source(%dma_start3A_579 : memref<1x200xi32, #tpu.memory_space<hbm>>) target(%dma_start3A_577 : memref<1x200xi32, #tpu.memory_space<vmem>>) target_semaphore(%arg8 : memref<!tpu.dma_semaphore, #tpu.memory_space<semaphore_mem>>)
    }
    %scan3A_268 = arith.constant 63 : i32
    %dma_wait3A_269 = arith.constant 0 : i32
    %dma_wait3A_270 = arith.constant 0 : i32
    %dma_wait3A_271 = arith.constant 0 : i32
    %dma_wait3A_272 = arith.constant 0 : i32
    %dma_wait3A_273 = tpu.memref_slice %arg6[%dma_wait3A_270, %dma_wait3A_271, %dma_wait3A_272] : memref<2x200x128xf32, #tpu.memory_space<vmem>> -> memref<1x128x128xf32, #tpu.memory_space<vmem>>
    %dma_wait3A_274 = tpu.memref_squeeze %dma_wait3A_273 : memref<1x128x128xf32, #tpu.memory_space<vmem>> -> memref<128x128xf32, #tpu.memory_space<vmem>>
    %dma_wait3A_275 = arith.constant 0 : i32
    %dma_wait3A_276 = tpu.memref_slice %arg5[%dma_wait3A_269, %dma_wait3A_275] : memref<2x200xi32, #tpu.memory_space<vmem>> -> memref<1x128xi32, #tpu.memory_space<vmem>>
    %dma_wait3A_277 = tpu.memref_squeeze %dma_wait3A_276 : memref<1x128xi32, #tpu.memory_space<vmem>> -> memref<128xi32, #tpu.memory_space<vmem>>
    %dma_wait3A_278 = arith.constant 0 : i32
    %dma_wait3A_279 = arith.constant 0 : i32
    %dma_wait3A_280 = tpu.memref_slice %arg3[%dma_wait3A_278, %dma_wait3A_279] : memref<100000x128xf32, #tpu.memory_space<hbm>> -> memref<100000x128xf32, #tpu.memory_space<hbm>>
    tpu.wait_indirect_dma semaphore(%arg9 : memref<!tpu.dma_semaphore, #tpu.memory_space<semaphore_mem>>) src(%dma_wait3A_280 : memref<100000x128xf32, #tpu.memory_space<hbm>>) dst(%dma_wait3A_274 : memref<128x128xf32, #tpu.memory_space<vmem>>)
    %dma_wait3A_281 = arith.constant 0 : i32
    %dma_wait3A_282 = arith.constant 0 : i32
    %dma_wait3A_283 = arith.constant 128 : i32
    %dma_wait3A_284 = arith.constant 0 : i32
    %dma_wait3A_285 = tpu.memref_slice %arg6[%dma_wait3A_282, %dma_wait3A_283, %dma_wait3A_284] : memref<2x200x128xf32, #tpu.memory_space<vmem>> -> memref<1x72x128xf32, #tpu.memory_space<vmem>>
    %dma_wait3A_286 = tpu.memref_squeeze %dma_wait3A_285 : memref<1x72x128xf32, #tpu.memory_space<vmem>> -> memref<72x128xf32, #tpu.memory_space<vmem>>
    %dma_wait3A_287 = arith.constant 128 : i32
    %dma_wait3A_288 = tpu.memref_slice %arg5[%dma_wait3A_281, %dma_wait3A_287] : memref<2x200xi32, #tpu.memory_space<vmem>> -> memref<1x72xi32, #tpu.memory_space<vmem>>
    %dma_wait3A_289 = tpu.memref_squeeze %dma_wait3A_288 : memref<1x72xi32, #tpu.memory_space<vmem>> -> memref<72xi32, #tpu.memory_space<vmem>>
    %dma_wait3A_290 = arith.constant 0 : i32
    %dma_wait3A_291 = arith.constant 0 : i32
    %dma_wait3A_292 = tpu.memref_slice %arg3[%dma_wait3A_290, %dma_wait3A_291] : memref<100000x128xf32, #tpu.memory_space<hbm>> -> memref<100000x128xf32, #tpu.memory_space<hbm>>
    tpu.wait_indirect_dma semaphore(%arg9 : memref<!tpu.dma_semaphore, #tpu.memory_space<semaphore_mem>>) src(%dma_wait3A_292 : memref<100000x128xf32, #tpu.memory_space<hbm>>) dst(%dma_wait3A_286 : memref<72x128xf32, #tpu.memory_space<vmem>>)
    %add3A_293 = arith.constant 129 : i32
    %add3A_294 = arith.addi %mul3A_2, %add3A_293 : i32
    %min3A_295 = arith.constant 4095 : i32
    %min3A_296 = arith.minsi %add3A_294, %min3A_295 : i32
    %dma_wait3A_297 = arith.constant 0 : i32
    %dma_wait3A_298 = arith.constant 0 : i32
    %dma_wait3A_299 = tpu.memref_slice %arg5[%dma_wait3A_297, %dma_wait3A_298] : memref<2x200xi32, #tpu.memory_space<vmem>> -> memref<1x200xi32, #tpu.memory_space<vmem>>
    %dma_wait3A_300 = arith.constant 0 : i32
    %dma_wait3A_301 = tpu.memref_slice %arg2[%min3A_296, %dma_wait3A_300] : memref<4096x200xi32, #tpu.memory_space<hbm>> -> memref<1x200xi32, #tpu.memory_space<hbm>>
    %dma_wait3A_302 = arith.constant 0 : i32
    %dma_wait3A_303 = arith.constant 0 : i32
    %dma_wait3A_304 = tpu.memref_slice %arg5[%dma_wait3A_302, %dma_wait3A_303] : memref<2x200xi32, #tpu.memory_space<vmem>> -> memref<1x200xi32, #tpu.memory_space<vmem>>
    %dma_wait3A_305 = arith.constant 0 : i32
    %dma_wait3A_306 = tpu.memref_slice %arg2[%min3A_296, %dma_wait3A_305] : memref<4096x200xi32, #tpu.memory_space<hbm>> -> memref<1x200xi32, #tpu.memory_space<hbm>>
    tpu.wait_dma2 semaphore(%arg8 : memref<!tpu.dma_semaphore, #tpu.memory_space<semaphore_mem>>) src(%dma_wait3A_306 : memref<1x200xi32, #tpu.memory_space<hbm>>) dst(%dma_wait3A_304 : memref<1x200xi32, #tpu.memory_space<vmem>>)
    %add3A_307 = arith.constant 126 : i32
    %add3A_308 = arith.addi %mul3A_2, %add3A_307 : i32
    %mul3A_309 = arith.constant 200 : i32
    %mul3A_310 = arith.muli %add3A_308, %mul3A_309 : i32
    %dma_wait3A_311 = arith.constant 0 : i32
    %dma_wait3A_312 = arith.constant 0 : i32
    %dma_wait3A_313 = arith.constant 0 : i32
    %dma_wait3A_314 = tpu.memref_slice %arg7[%dma_wait3A_311, %dma_wait3A_312, %dma_wait3A_313] : memref<2x200x100xf32, #tpu.memory_space<vmem>> -> memref<1x200x100xf32, #tpu.memory_space<vmem>>
    %dma_wait3A_315 = tpu.memref_squeeze %dma_wait3A_314 : memref<1x200x100xf32, #tpu.memory_space<vmem>> -> memref<200x100xf32, #tpu.memory_space<vmem>>
    %dma_wait3A_316 = arith.constant 0 : i32
    %dma_wait3A_317 = tpu.memref_slice %arg4[%mul3A_310, %dma_wait3A_316] : memref<819200x100xf32, #tpu.memory_space<hbm>> -> memref<200x100xf32, #tpu.memory_space<hbm>>
    %dma_wait3A_318 = arith.constant 0 : i32
    %dma_wait3A_319 = tpu.memref_slice %arg4[%mul3A_310, %dma_wait3A_318] : memref<819200x100xf32, #tpu.memory_space<hbm>> -> memref<200x100xf32, #tpu.memory_space<hbm>>
    %dma_wait3A_320 = arith.constant 0 : i32
    %dma_wait3A_321 = arith.constant 0 : i32
    %dma_wait3A_322 = tpu.memref_slice %arg7[%dma_wait3A_311, %dma_wait3A_320, %dma_wait3A_321] : memref<2x200x100xf32, #tpu.memory_space<vmem>> -> memref<1x200x100xf32, #tpu.memory_space<vmem>>
    %dma_wait3A_323 = tpu.memref_squeeze %dma_wait3A_322 : memref<1x200x100xf32, #tpu.memory_space<vmem>> -> memref<200x100xf32, #tpu.memory_space<vmem>>
    tpu.wait_dma2 semaphore(%arg10 : memref<!tpu.dma_semaphore, #tpu.memory_space<semaphore_mem>>) src(%dma_wait3A_323 : memref<200x100xf32, #tpu.memory_space<vmem>>) dst(%dma_wait3A_319 : memref<200x100xf32, #tpu.memory_space<hbm>>)
    %add3A_324 = arith.constant 127 : i32
    %add3A_325 = arith.addi %mul3A_2, %add3A_324 : i32
    %mul3A_326 = arith.constant 200 : i32
    %mul3A_327 = arith.muli %add3A_325, %mul3A_326 : i32
    %dma_wait3A_328 = arith.constant 1 : i32
    %dma_wait3A_329 = arith.constant 0 : i32
    %dma_wait3A_330 = arith.constant 0 : i32
    %dma_wait3A_331 = tpu.memref_slice %arg7[%dma_wait3A_328, %dma_wait3A_329, %dma_wait3A_330] : memref<2x200x100xf32, #tpu.memory_space<vmem>> -> memref<1x200x100xf32, #tpu.memory_space<vmem>>
    %dma_wait3A_332 = tpu.memref_squeeze %dma_wait3A_331 : memref<1x200x100xf32, #tpu.memory_space<vmem>> -> memref<200x100xf32, #tpu.memory_space<vmem>>
    %dma_wait3A_333 = arith.constant 0 : i32
    %dma_wait3A_334 = tpu.memref_slice %arg4[%mul3A_327, %dma_wait3A_333] : memref<819200x100xf32, #tpu.memory_space<hbm>> -> memref<200x100xf32, #tpu.memory_space<hbm>>
    %dma_wait3A_335 = arith.constant 0 : i32
    %dma_wait3A_336 = tpu.memref_slice %arg4[%mul3A_327, %dma_wait3A_335] : memref<819200x100xf32, #tpu.memory_space<hbm>> -> memref<200x100xf32, #tpu.memory_space<hbm>>
    %dma_wait3A_337 = arith.constant 0 : i32
    %dma_wait3A_338 = arith.constant 0 : i32
    %dma_wait3A_339 = tpu.memref_slice %arg7[%dma_wait3A_328, %dma_wait3A_337, %dma_wait3A_338] : memref<2x200x100xf32, #tpu.memory_space<vmem>> -> memref<1x200x100xf32, #tpu.memory_space<vmem>>
    %dma_wait3A_340 = tpu.memref_squeeze %dma_wait3A_339 : memref<1x200x100xf32, #tpu.memory_space<vmem>> -> memref<200x100xf32, #tpu.memory_space<vmem>>
    tpu.wait_dma2 semaphore(%arg10 : memref<!tpu.dma_semaphore, #tpu.memory_space<semaphore_mem>>) src(%dma_wait3A_340 : memref<200x100xf32, #tpu.memory_space<vmem>>) dst(%dma_wait3A_336 : memref<200x100xf32, #tpu.memory_space<hbm>>)
    return
  }
}

module attributes {stable_mosaic.version = 14 : i64} {
  func.func @_pad_body(%arg0: i32, %arg1: memref<100x1024xf32, #tpu.memory_space<vmem>>, %arg2: memref<1024x128xf32, #tpu.memory_space<vmem>>) attributes {dimension_semantics = [#tpu.dimension_semantics<arbitrary>], iteration_bounds = array<i64: 98>, scalar_prefetch = 0 : i64, scratch_operands = 0 : i64, tpu.core_type = #tpu.core_type<tc>, window_params = [{transform_indices = @transform_0, window_bounds = array<i64: 100, 1024>}, {transform_indices = @transform_1, window_bounds = array<i64: 1024, 128>}]} {
    %get3A = arith.constant 0 : index
    %get3A_0 = arith.constant 0 : index
    %get3A_1 = vector.load %arg1[%get3A, %get3A_0] : memref<100x1024xf32, #tpu.memory_space<vmem>>, vector<100x1024xf32>
    %transpose3A = tpu.transpose %get3A_1, [1, 0] : vector<100x1024xf32> -> vector<1024x100xf32>
    %swap3A = arith.constant 0 : index
    %swap3A_2 = arith.constant 0 : index
    %swap3A_3 = vector.load %arg2[%swap3A, %swap3A_2] : memref<1024x128xf32, #tpu.memory_space<vmem>>, vector<1024x100xf32>
    tpu.vector_store %arg2[%swap3A, %swap3A_2], %transpose3A {strides = array<i32>} : memref<1024x128xf32, #tpu.memory_space<vmem>>, vector<1024x100xf32>,
    %broadcast_in_dim3A = arith.constant 0.000000e+00 : f32
    %broadcast_in_dim3A_4 = vector.broadcast %broadcast_in_dim3A : f32 to vector<1024x28xf32>
    %swap3A_5 = arith.constant 0 : index
    %swap3A_6 = arith.constant 100 : index
    %swap3A_7 = vector.load %arg2[%swap3A_5, %swap3A_6] : memref<1024x128xf32, #tpu.memory_space<vmem>>, vector<1024x28xf32>
    tpu.vector_store %arg2[%swap3A_5, %swap3A_6], %broadcast_in_dim3A_4 {strides = array<i32>} : memref<1024x128xf32, #tpu.memory_space<vmem>>, vector<1024x28xf32>,
    return
  }
  func.func @transform_0(%arg0: i32) -> (i32, i32) {
    %c0_i32 = arith.constant 0 : i32
    %c0_i32_0 = arith.constant 0 : i32
    return %c0_i32, %arg0 : i32, i32
  }
  func.func @transform_1(%arg0: i32) -> (i32, i32) {
    %c0_i32 = arith.constant 0 : i32
    %c0_i32_0 = arith.constant 0 : i32
    return %arg0, %c0_i32 : i32, i32
  }
}

</mosaic_0001>

<sc_bundles>
// kernel: kernel.4.cloned.1.call-start
scs
__scs_entry_jumppad:
0x0: {  	(pc) =	sbr.rel $0x88, $3  }
0x1: {  	(tag) =	ssettag $0x0;
	lr =	simm.s32 $0x1  }
0x2: {  	[smem:$0x3F9F] =	sst lr;
	_ =	strace $0xD0000000  }
0x3: {  	_ = 	snop  }
0x4: {  	_ = 	snop  }
0x5: {  	_ = 	snop  }
0x6: {  	_ = 	snop  }
0x7: {  	_ = 	snop  }
__scs_overlays_trampoline_lowered:
0x8: {  	[smem:$0x3FAE] =	sst s0  }
0x9: {  	[smem:$0x3FAF] =	sst s1  }
0xa: {  	[smem:$0x3FB0] =	sst s2  }
0xb: {  	[smem:$0x3FB1] =	sst s3  }
0xc: {  	[smem:$0x3FB2] =	sst s4  }
0xd: {  	[smem:$0x3FB3] =	sst s5  }
0xe: {  	[smem:$0x3FB4] =	sst s6  }
0xf: {  	[smem:$0x3FB5] =	sst s7  }
0x10: {  	[smem:$0x3FB6] =	sst s8  }
0x11: {  	[smem:$0x3FB7] =	sst s9;
	s0 =	simm.s32 @!p0 $0x0  }
0x12: {  	s1 =	sld [smem:$0x3F9D];
	s0 =	simm.s32 @p0 $0x1  }
0x13: {  	[smem:$0x3FB8] =	sst s0;
	s0 =	simm.s32 @!p1 $0x0  }
0x14: {  	s2 =	sld [smem:$0x3F9C];
	s0 =	simm.s32 @p1 $0x1  }
0x15: {  	[smem:$0x3FB9] =	sst s0;
	s0 =	simm.s32 @!p2 $0x0  }
0x16: {  	s3 =	sld [smem:$0x3FDB];
	s0 =	simm.s32 @p2 $0x1  }
0x17: {  	s4 =	simm.s32 $0x1BF5;
	[smem:$0x3FBB] =	sst s0  }
0x18: {  	s0 =	sld [smem:$0x3F9E];
	_ =	swait.ge [sflag:s4], $0x0  }
0x19: {  	s7 =	sld [smem:$0x3F9F]  }
0x1a: {  	s8 =	sadd.s32 $0xFFFFE003, lr  }
0x1b: {  	s9 =	sadd.s32 $0xFFFFFEF7, lr;
	s5 =	simm.s32 $0xFFFFFFFF;
	p2 =	slt.u32 s8, $0xFFFFF086  }
0x1c: {  	p1 =	slt.u32 s9, $0xF7A;
	s5 =	simm.s32 @!p2 $0x0  }
0x1d: {  	s5 =	simm.s32 @p1 $0x1;
	p0 =	seq.s32 s7, s2  }
0x1e: {  	s7 =	smul.u32 @!p0 $0xF7A, s2;
	p2 =	seq.s32 @!p0 s5, $0x0  }
0x1f: {  	s9 =	smul.u32 $0xF7A, s1;
	s8 =	simm.s32 @!p0 $0x1BF5;
	p2 =	por !p2, p0  }
0x20: {  	[sflag:s8] =	ssyncset.s32 @!p0 $0xFFFFF086;
	s6 =	sadd.s32 @!p0 s3, s7;
	s7 =	simm.s32 @!p0 $0x108  }
0x21: {  	s3 =	sadd.s32 s3, s9;
	s6 =	sadd.s32 @!p0 $0x88, s6;
	s7 =	simm.s32 @p2 $0x1082  }
0x22: {  	[simem:s7], [sflag:s8] =	dma.local @!p0 [hbm:s6], $0xF7A  }
0x23: {  	s9 =	sor.u32 $0xD0000000, s2;
	s6 =	simm.s32 $0x108;
	_ =	swait.ge @!p0 [sflag:s8], $0x0  }
0x24: {  	s3 =	sadd.s32 $0x88, s3;
	s6 =	simm.s32 @!p1 $0x1082;
	[sflag:s4] =	ssyncset.s32 $0xFFFFF086  }
0x25: {  	[simem:s6], [sflag:s4] =	dma.local [hbm:s3], $0xF7A  }
0x26: {  	[smem:$0x3F9F] =	sst s1;
	(tag) =	ssettag s2;
	_ =	strace s9  }
0x27: {  	s1 =	sld [smem:$0x3FAF]  }
0x28: {  	s2 =	sld [smem:$0x3FB0]  }
0x29: {  	s4 =	sld [smem:$0x3FB2]  }
0x2a: {  	p0 =	seq.s32 s5, $0x0;
	s5 =	sld [smem:$0x3FB3]  }
0x2b: {  	s6 =	sld [smem:$0x3FB4]  }
0x2c: {  	s7 =	sld [smem:$0x3FB5]  }
0x2d: {  	s3 =	simm.s32 $0x108;
	s8 =	sld [smem:$0x3FB6]  }
0x2e: {  	s3 =	simm.s32 @!p0 $0x1082;
	s9 =	sld [smem:$0x3FB7]  }
0x2f: {  	lr =	sadd.s32 s0, s3;
	s0 =	sld [smem:$0x3FAE]  }
0x30: {  	s3 =	sld [smem:$0x3FB1]  }
0x31: {  	[smem:$0x3FBA] =	sst s10  }
0x32: {  	s10 =	sld [smem:$0x3FB8];
	_ =	sdelay $0x3  }
0x33: {  	p0 =	seq.s32 s10, $0x1;
	s10 =	sld [smem:$0x3FBA];
	_ =	sdelay $0x3  }
0x34: {  	[smem:$0x3FBA] =	sst s10  }
0x35: {  	s10 =	sld [smem:$0x3FB9];
	_ =	sdelay $0x3  }
0x36: {  	p1 =	seq.s32 s10, $0x1;
	s10 =	sld [smem:$0x3FBA];
	_ =	sdelay $0x3  }
0x37: {  	[smem:$0x3FBA] =	sst s10  }
0x38: {  	s10 =	sld [smem:$0x3FBB]  }
0x39: {  	_ = 	snop;
	(pc) =	sbr.ind lr, $3  }
0x3a: {  	_ = 	snop  }
0x3b: {  	_ = 	snop  }
0x3c: {  	p2 =	seq.s32 s10, $0x1;
	s10 =	sld [smem:$0x3FBA]  }
0x3d: {  	_ =	shalt  }
0x3e: {  	_ =	shalt  }
0x3f: {  	_ =	shalt  }
0x40: {  	_ =	shalt  }
0x41: {  	_ =	shalt  }
0x42: {  	_ =	shalt  }
0x43: {  	_ =	shalt  }
0x44: {  	_ =	shalt  }
0x45: {  	_ =	shalt  }
0x46: {  	_ =	shalt  }
0x47: {  	_ =	shalt  }
0x48: {  	_ =	shalt  }
0x49: {  	_ =	shalt  }
0x4a: {  	_ =	shalt  }
0x4b: {  	_ =	shalt  }
0x4c: {  	_ =	shalt  }
0x4d: {  	_ =	shalt  }
0x4e: {  	_ =	shalt  }
0x4f: {  	_ =	shalt  }
0x50: {  	_ =	shalt  }
0x51: {  	_ =	shalt  }
0x52: {  	_ =	shalt  }
0x53: {  	_ =	shalt  }
0x54: {  	_ =	shalt  }
0x55: {  	_ =	shalt  }
0x56: {  	_ =	shalt  }
0x57: {  	_ =	shalt  }
0x58: {  	_ =	shalt  }
0x59: {  	_ =	shalt  }
0x5a: {  	_ =	shalt  }
0x5b: {  	_ =	shalt  }
0x5c: {  	_ =	shalt  }
0x5d: {  	_ =	shalt  }
0x5e: {  	_ =	shalt  }
0x5f: {  	_ =	shalt  }
0x60: {  	_ =	shalt  }
0x61: {  	_ =	shalt  }
0x62: {  	_ =	shalt  }
0x63: {  	_ =	shalt  }
0x64: {  	_ =	shalt  }
0x65: {  	_ =	shalt  }
0x66: {  	_ =	shalt  }
0x67: {  	_ =	shalt  }
0x68: {  	_ =	shalt  }
0x69: {  	_ =	shalt  }
0x6a: {  	_ =	shalt  }
0x6b: {  	_ =	shalt  }
0x6c: {  	_ =	shalt  }
0x6d: {  	_ =	shalt  }
0x6e: {  	_ =	shalt  }
0x6f: {  	_ =	shalt  }
0x70: {  	_ =	shalt  }
0x71: {  	_ =	shalt  }
0x72: {  	_ =	shalt  }
0x73: {  	_ =	shalt  }
0x74: {  	_ =	shalt  }
0x75: {  	_ =	shalt  }
0x76: {  	_ =	shalt  }
0x77: {  	_ =	shalt  }
0x78: {  	_ =	shalt  }
0x79: {  	_ =	shalt  }
0x7a: {  	_ =	shalt  }
0x7b: {  	_ =	shalt  }
0x7c: {  	_ =	shalt  }
0x7d: {  	_ =	shalt  }
0x7e: {  	_ =	shalt  }
0x7f: {  	_ =	shalt  }
0x80: {  	_ =	shalt  }
0x81: {  	_ =	shalt  }
0x82: {  	_ =	shalt  }
0x83: {  	_ =	shalt  }
0x84: {  	_ =	shalt  }
0x85: {  	_ =	shalt  }
0x86: {  	_ =	shalt  }
0x87: {  	_ =	shalt  }
.Lfunc_end0:
.L_simem_size_0:
called_computation.1_lowered:
.L_overlay_start_0:
0x88: {  	s2 =	sld [smem:$0x3FD9]  }
0x89: {  	s3 =	sld [smem:$0x3FFE];
	_ =	sdelay $0x1  }
0x8a: {  	s1 =	srdreg.scid  }
0x8b: {  	s0 =	sand.u32 $0x1, s1  }
0x8c: {  	s17 =	sshll.u32 s0, $0xA;
	s2 =	sadd.s32 s3, s2  }
0x8d: {  	s2 =	sadd.s32 s2, s17  }
0x8e: {  	[smem:$0x3FC6] =	sst s2  }
0x8f: {  	_ = 	snop  }
0x90: {  	s2 =	sld [smem:$0x3FD0];
	(tm) =	ssettm $0x1  }
0x91: {  	s18 =	sld [smem:$0x3FFB];
	_ =	sdelay $0x3  }
0x92: {  	_ =	strace s18  }
0x93: {  	s3 =	sld [smem:$0x3FFC];
	_ =	sdelay $0x3  }
0x94: {  	_ =	strace s3  }
0x95: {  	s3 =	sld [smem:$0x3FFD];
	_ =	sdelay $0x3  }
0x96: {  	_ =	strace s3  }
0x97: {  	_ =	strace $0x8FFFFFFF  }
0x98: {  	s19 =	sld [smem:$0x3FDB];
	_ =	sdelay $0x1  }
0x99: {  	s4 =	simm.s32 $_scs_section_size  }
0x9a: {  	s5 =	simm.s32 $_size__tile_overlayer_lowered;
	s6 =	simm.s32 $_tile_overlayer_lowered  }
0x9b: {  	s22 =	simm.s32 $0x1BFF;
	s21 =	sshll.u32 s6, $0x1;
	s3 =	sadd.s32 s4, s19  }
0x9c: {  	s7 =	simm.s32 $0x0;
	s20 =	sshll.u32 s5, $0x1;
	s5 =	sadd.s32 s21, s3  }
0x9d: {  	[timem:s7], [sflag:s22] =	dma.local [hbm:s5], s20  }
0x9e: {  	_ =	swait.ge [sflag:s22], s20  }
0x9f: {  	s4 =	ssub.s32 $0x0, s20;
	[sflag:s22] =	ssyncset.done $0x0  }
0xa0: {  	[sflag:s22] =	ssyncadd.s32 s4;
	_ =	sdelay $0x1  }
0xa1: {  	s23 =	simm.s32 $0x1B8B  }
0xa2: {  	_ =	swait.ge [sflag:s23], $0x1  }
0xa3: {  	[sflag:s23] =	ssyncset.done $0x0  }
0xa4: {  	s25 =	simm.s32 $0x1B8E;
	s24 =	sld [smem:$0x3FFE];
	[sflag:s23] =	ssyncadd.s32 $0xFFFFFFFF  }
0xa5: {  	s26 =	simm.s32 $execute0_lowered;
	[smem:$0x3FD2] =	sst s25  }
0xa6: {  	s5 =	sshll.u32 s26, $0x1;
	_ =	strace $0x80000046;
	[dreg:$0x1] =	wrdreg $0xFFFFFFFF  }
0xa7: {  	s28 =	simm.s32 $_size_execute0_lowered;
	s3 =	sadd.s32 s3, s5;
	[dreg:$0x0] =	wrdreg $0x0  }
0xa8: {  	s5 =	sshll.u32 s28, $0x1;
	[dreg:$0x2] =	wrdreg s3  }
0xa9: {  	[dreg:$0x3] =	wrdreg s5  }
0xaa: {  	[dreg:$0x4] =	wrdreg $0xC0  }
0xab: {  	_ =	task [dreg:s7], $0x5FFFF  }
0xac: {  	[dreg:$0x1] =	wrdreg $0xFFFFFFFF  }
0xad: {  	[dreg:$0x0] =	wrdreg $0x60  }
0xae: {  	[dreg:$0x2] =	wrdreg s24  }
0xaf: {  	[dreg:$0x3] =	wrdreg s2  }
0xb0: {  	[dreg:$0x4] =	wrdreg $0x9  }
0xb1: {  	_ =	task.clear_ibuf [dreg:s7], $0x5FFFF;
	_ =	strace $0x90000046  }
0xb2: {  	s29 =	simm.s32 $0x9;
	_ =	strace $0x80000048  }
0xb3: {  	_ =	swait.ge [sflag:s29], $0x1  }
0xb4: {  	[sflag:s29] =	ssyncadd.s32 $0xFFFFFFFF  }
0xb5: {  	_ =	strace $0x90000048  }
0xb6: {  	_ =	sfence  }
0xb7: {  	s30 =	sld [smem:$0x0];
	_ =	sdelay $0x2  }
0xb8: {  	s31 =	sshll.u32 s1, $0xD;
	s1 =	sshrl.u32 s1, $0x2  }
0xb9: {  	s3 =	sand.u32 $0x4000, s31;
	s1 =	sadd.s32 s1, s30  }
0xba: {  	s0 =	sor.u32 s3, s0;
	s1 =	sshll.u32 s1, $0x11  }
0xbb: {  	s0 =	sor.u32 s1, s0  }
0xbc: {  	s0 =	sadd.s32 $0x8F2B, s0  }
0xbd: {  	[sflag:s0] =	ssyncadd.remote.s32 $0x1  }
0xbe: {  	_ =	sfence.sel $0xFFFF  }
0xbf: {  	[dreg:$0x0] =	wrdreg $0xFFFFFFFF;
	(pc) =	sbr.abs _section_cstart, $3  }
0xc0: {  	[dreg:$0x1] =	wrdreg $0xFFFFFFFF  }
0xc1: {  	_ =	task.clear_ibuf [dreg:s7], $0x2FFFF;
	_ =	strace $0x9FFFFFFF  }
0xc2: {  	(tm) =	ssettm $0x7FFFFFFF  }
0xc3: {  	_ =	shalt  }
tec
execute0_lowered:
.L_overlay_start_1:
0x0: {  	(tag) =	ssettag $0x1  }
0x1: {  	s0 =	rddreg [dreg:$0x0]  }
0x2: {  	s1 =	rddreg [dreg:$0x1]  }
0x3: {  	s3 =	simm.s32 $0x0;
	s2 =	srdreg.scid;
	s5 =	stileid.u32  }
0x4: {  	s17 =	simm.s32 $0x100;
	s18 =	simm.s32 $0x1;
	s19 =	simm.s32 $0x80  }
0x5: {  	s20 =	simm.s32 $0x200;
	s21 =	simm.s32 $0x48;
	s28 =	simm.s32 $0x6600  }
0x6: {  	s29 =	simm.s32 $0xA600;
	s30 =	simm.s32 $0x12E00;
	s31 =	simm.s32 $0x3  }
0x7: {  	[smem:$0x7FF] =	sst s3;
	s4 =	sadd.s32 $0x800, s0;
	s2 =	sand.u32 $0x1, s2  }
0x8: {  	s6 =	sshll.u32 s5, $0x1;
	s5 =	sadd.s32 $0x20800, s0;
	s22 =	ssub.s32 $0x2, s2  }
0x9: {  	_ =	strace $0x80000047;
	s2 =	sor.u32 s2, s6;
	s23 =	sshrl.u32 s22, $0x1  }
0xa: {  	s7 =	sshll.u32 s2, $0xC;
	s9 =	smul.u32 $0x64000, s2;
	s6 =	sshll.u32 s2, $0x7  }
0xb: {  	s0 =	ssub.s32 s22, s23;
	s7 =	sadd.s32 s4, s7;
	s13 =	sor.u32 $0x2, s6  }
0xc: {  	s14 =	sor.u32 $0x3, s6;
	s22 =	simm.s32 $0x4200;
	s8 =	sadd.s32 $0x10, s7  }
0xd: {  	s9 =	sadd.s32 s5, s9;
	s10 =	sadd.s32 $0x20, s7;
	s0 =	smax.u32 s0, $0x1  }
0xe: {  	s12 =	sadd.s32 $0x30, s7;
	s25 =	sadd.s32 $0x80, s7;
	[dreg:$0x4] =	wrdreg s0  }
0xf: {  	s24 =	sadd.s32 $0xC80, s9;
	[dreg:$0x5] =	wrdreg s25;
	s26 =	sadd.s32 $0x80, s8  }
0x10: {  	s25 =	simm.s32 $0x2;
	s0 =	simm.s32 $0x0;
	[dreg:$0x3] =	wrdreg s24  }
0x11: {  	[dreg:$0x6] =	wrdreg s26;
	s24 =	simm.s32 $0x180;
	s26 =	simm.s32 $0xCA00  }
.LBB2_1:
0x12: {  	[tilespmem:s3], [sflag:$0x1] =	stream.linear.gather [hbm4b:s7+s3], $0x80, $0x38;
	[tilespmem:$0x19200] =	vst v63  }
0x13: {  	s2 =	rddreg [dreg:$0x5]  }
0x14: {  	[tilespmem:s17], [sflag:$0x1] =	stream.linear.gather [hbm4b:s2+s3], $0x80, $0x38;
	[tilespmem:$0x19200] =	vst v63  }
0x15: {  	_ =	swait.ge [sflag:s18], $0x100  }
0x16: {  	[sflag:s18] =	ssyncset.done $0x0  }
0x17: {  	[sflag:s18] =	ssyncadd.s32 $0xFFFFFF00  }
0x18: {  	[tilespmem:s20], [sflag:$0x2] =	stream.indirect.gather [hbm4b:s1+s19], $0x80, s3, s19, $0xb8;
	[tilespmem:$0x19200] =	vst v63  }
0x19: {  	_ = 	snop  }
0x1a: {  	[tilespmem:s22], [sflag:$0x2] =	stream.indirect.gather [hbm4b:s1+s21], $0x80, s17, s21, $0xb8;
	[tilespmem:$0x19200] =	vst v63  }
0x1b: {  	_ = 	snop  }
0x1c: {  	[tilespmem:s19], [sflag:$0x1] =	stream.linear.gather [hbm4b:s8+s3], $0x80, $0x38;
	[tilespmem:$0x19200] =	vst v63  }
0x1d: {  	s23 =	rddreg [dreg:$0x6]  }
0x1e: {  	[tilespmem:s24], [sflag:$0x1] =	stream.linear.gather [hbm4b:s23+s3], $0x80, $0x38;
	[tilespmem:$0x19200] =	vst v63  }
0x1f: {  	_ =	swait.ge [sflag:s25], $0x4000  }
0x20: {  	[sflag:s25] =	ssyncset.done $0x0  }
0x21: {  	[sflag:s25] =	ssyncadd.s32 $0xFFFFC000  }
0x22: {  	_ =	swait.ge [sflag:s25], $0x2400  }
0x23: {  	[sflag:s25] =	ssyncset.done $0x0  }
0x24: {  	s2 =	simm.s32 $0x0;
	[sflag:s25] =	ssyncadd.s32 $0xFFFFDC00  }
0x25: {  	v2 =	vld [tilespmem:s2+$0x250]  }
0x26: {  	v3 =	vld [tilespmem:s2+$0x254]  }
0x27: {  	v4 =	vld [tilespmem:s2+$0x2D0]  }
0x28: {  	v1 =	vld [tilespmem:s2+$0x2D4]  }
0x29: {  	v0 =	vld [tilespmem:s2+$0x350]  }
0x2a: {  	[tilespmem:s2+$0xCA50] =	vst v2;
	v2 =	vld [tilespmem:s2+$0x354]  }
0x2b: {  	s11 =	simm.s32 $0x800;
	[tilespmem:s2+$0xCA54] =	vst v3;
	v3 =	vld [tilespmem:s2+$0x3D0]  }
.LBB2_2:
0x2c: {  	p0 =	sne.s32 s11, $0x18800;
	[tilespmem:s2+$0xCAD0] =	vst v4;
	v4 =	vld [tilespmem:s2+$0x3D4]  }
0x2d: {  	v5 =	vld [tilespmem:s2+$0x200];
	[tilespmem:s2+$0xCAD4] =	vst v1  }
0x2e: {  	v1 =	vld [tilespmem:s2+$0x210];
	[tilespmem:s2+$0xCB50] =	vst v0  }
0x2f: {  	v0 =	vld [tilespmem:s2+$0x220];
	[tilespmem:s2+$0xCB54] =	vst v2  }
0x30: {  	v2 =	vld [tilespmem:s2+$0x230];
	[tilespmem:s2+$0xCBD0] =	vst v3  }
0x31: {  	v3 =	vld [tilespmem:s2+$0x240];
	[tilespmem:s2+$0xCBD4] =	vst v4  }
0x32: {  	[tilespmem:s2+$0xCA00] =	vst v5;
	v4 =	vld [tilespmem:s2+$0x280]  }
0x33: {  	[tilespmem:s2+$0xCA10] =	vst v1;
	v1 =	vld [tilespmem:s2+$0x290]  }
0x34: {  	[tilespmem:s2+$0xCA20] =	vst v0;
	v0 =	vld [tilespmem:s2+$0x2A0]  }
0x35: {  	[tilespmem:s2+$0xCA30] =	vst v2;
	v2 =	vld [tilespmem:s2+$0x2B0]  }
0x36: {  	[tilespmem:s2+$0xCA40] =	vst v3;
	v3 =	vld [tilespmem:s2+$0x2C0]  }
0x37: {  	[tilespmem:s2+$0xCA80] =	vst v4;
	v4 =	vld [tilespmem:s2+$0x300]  }
0x38: {  	[tilespmem:s2+$0xCA90] =	vst v1;
	v1 =	vld [tilespmem:s2+$0x310]  }
0x39: {  	[tilespmem:s2+$0xCAA0] =	vst v0;
	v0 =	vld [tilespmem:s2+$0x320]  }
0x3a: {  	[tilespmem:s2+$0xCAB0] =	vst v2;
	v2 =	vld [tilespmem:s2+$0x330]  }
0x3b: {  	[tilespmem:s2+$0xCAC0] =	vst v3;
	v3 =	vld [tilespmem:s2+$0x340]  }
0x3c: {  	[tilespmem:s2+$0xCB00] =	vst v4;
	v4 =	vld [tilespmem:s2+$0x380]  }
0x3d: {  	[tilespmem:s2+$0xCB10] =	vst v1;
	v1 =	vld [tilespmem:s2+$0x390]  }
0x3e: {  	[tilespmem:s2+$0xCB20] =	vst v0;
	v0 =	vld [tilespmem:s2+$0x3A0]  }
0x3f: {  	[tilespmem:s2+$0xCB30] =	vst v2;
	v2 =	vld [tilespmem:s2+$0x3B0]  }
0x40: {  	s15 =	sshra.s32 s11, $0x2;
	[tilespmem:s2+$0xCB40] =	vst v3;
	v3 =	vld [tilespmem:s2+$0x3C0]  }
0x41: {  	v5 =	vld [tilespmem:s15+$0x250];
	[tilespmem:s2+$0xCB80] =	vst v4  }
0x42: {  	v6 =	vld [tilespmem:s15+$0x254];
	[tilespmem:s2+$0xCB90] =	vst v1  }
.Ltmp0:
0x43: {  	v4 =	vld [tilespmem:s15+$0x2D0];
	[tilespmem:s2+$0xCBA0] =	vst v0;
	(pc) =	sbr.rel @p0 .LBB2_2-.Ltmp0, $4  }
0x44: {  	v1 =	vld [tilespmem:s15+$0x2D4];
	[tilespmem:s2+$0xCBB0] =	vst v2  }
0x45: {  	v0 =	vld [tilespmem:s15+$0x350];
	[tilespmem:s2+$0xCBC0] =	vst v3;
	s2 =	smov.u32 s15  }
0x46: {  	[tilespmem:s2+$0xCA50] =	vst v5;
	v2 =	vld [tilespmem:s2+$0x354]  }
0x47: {  	s11 =	sadd.s32 $0x800, s11;
	[tilespmem:s2+$0xCA54] =	vst v6;
	v3 =	vld [tilespmem:s2+$0x3D0]  }
0x48: {  	[tilespmem:s2+$0xCAD0] =	vst v4;
	v4 =	vld [tilespmem:s2+$0x3D4]  }
0x49: {  	v5 =	vld [tilespmem:s2+$0x200];
	[tilespmem:s2+$0xCAD4] =	vst v1  }
0x4a: {  	v1 =	vld [tilespmem:s2+$0x210];
	[tilespmem:s2+$0xCB50] =	vst v0  }
0x4b: {  	v0 =	vld [tilespmem:s2+$0x220];
	[tilespmem:s2+$0xCB54] =	vst v2  }
0x4c: {  	v2 =	vld [tilespmem:s2+$0x230];
	[tilespmem:s2+$0xCBD0] =	vst v3  }
0x4d: {  	v3 =	vld [tilespmem:s2+$0x240];
	[tilespmem:s2+$0xCBD4] =	vst v4  }
0x4e: {  	[tilespmem:s2+$0xCA00] =	vst v5;
	v4 =	vld [tilespmem:s2+$0x280]  }
0x4f: {  	[tilespmem:s2+$0xCA10] =	vst v1;
	v1 =	vld [tilespmem:s2+$0x290]  }
0x50: {  	[tilespmem:s2+$0xCA20] =	vst v0;
	v0 =	vld [tilespmem:s2+$0x2A0]  }
0x51: {  	[tilespmem:s2+$0xCA30] =	vst v2;
	v2 =	vld [tilespmem:s2+$0x2B0]  }
0x52: {  	[tilespmem:s2+$0xCA40] =	vst v3;
	v3 =	vld [tilespmem:s2+$0x2C0]  }
0x53: {  	[tilespmem:s2+$0xCA80] =	vst v4;
	v4 =	vld [tilespmem:s2+$0x300]  }
0x54: {  	[tilespmem:s2+$0xCA90] =	vst v1;
	v1 =	vld [tilespmem:s2+$0x310]  }
0x55: {  	[tilespmem:s2+$0xCAA0] =	vst v0;
	v0 =	vld [tilespmem:s2+$0x320]  }
0x56: {  	[tilespmem:s2+$0xCAB0] =	vst v2;
	v2 =	vld [tilespmem:s2+$0x330]  }
0x57: {  	[tilespmem:s2+$0xCAC0] =	vst v3;
	v3 =	vld [tilespmem:s2+$0x340]  }
0x58: {  	[tilespmem:s2+$0xCB00] =	vst v4;
	v4 =	vld [tilespmem:s2+$0x380]  }
0x59: {  	[tilespmem:s2+$0xCB10] =	vst v1;
	v1 =	vld [tilespmem:s2+$0x390]  }
0x5a: {  	[tilespmem:s2+$0xCB20] =	vst v0;
	v0 =	vld [tilespmem:s2+$0x3A0]  }
0x5b: {  	[tilespmem:s2+$0xCB30] =	vst v2;
	v2 =	vld [tilespmem:s2+$0x3B0]  }
0x5c: {  	[tilespmem:s2+$0xCB40] =	vst v3;
	v3 =	vld [tilespmem:s2+$0x3C0]  }
0x5d: {  	[tilespmem:s2+$0xCB80] =	vst v4  }
0x5e: {  	[tilespmem:s2+$0xCB90] =	vst v1  }
0x5f: {  	[tilespmem:s2+$0xCBA0] =	vst v0  }
0x60: {  	[tilespmem:s2+$0xCBB0] =	vst v2  }
0x61: {  	s23 =	simm.s32 $0x0;
	[tilespmem:s2+$0xCBC0] =	vst v3  }
0x62: {  	[hbm4b:s9+s23] =	stream.linear.scatter [tilespmem:s26], [sflag:$0x3], $0x6400, $0x38;
	[tilespmem:$0x19200] =	vst v63  }
0x63: {  	_ =	swait.ge [sflag:s18], $0x100  }
0x64: {  	[sflag:s18] =	ssyncset.done $0x0  }
0x65: {  	[sflag:s18] =	ssyncadd.s32 $0xFFFFFF00  }
0x66: {  	[tilespmem:s28], [sflag:$0x2] =	stream.indirect.gather [hbm4b:s1+s19], $0x80, s19, s19, $0xb8;
	[tilespmem:$0x19200] =	vst v63  }
0x67: {  	_ = 	snop  }
0x68: {  	[tilespmem:s29], [sflag:$0x2] =	stream.indirect.gather [hbm4b:s1+s21], $0x80, s24, s21, $0xb8;
	[tilespmem:$0x19200] =	vst v63  }
0x69: {  	_ = 	snop  }
0x6a: {  	[tilespmem:s23], [sflag:$0x1] =	stream.linear.gather [hbm4b:s10+s23], $0x80, $0x38;
	[tilespmem:$0x19200] =	vst v63  }
0x6b: {  	s11 =	sadd.s32 $0x80, s10  }
0x6c: {  	[tilespmem:s17], [sflag:$0x1] =	stream.linear.gather [hbm4b:s11+s23], $0x80, $0x38;
	[tilespmem:$0x19200] =	vst v63  }
0x6d: {  	_ =	swait.ge [sflag:s25], $0x4000  }
0x6e: {  	[sflag:s25] =	ssyncset.done $0x0  }
0x6f: {  	[sflag:s25] =	ssyncadd.s32 $0xFFFFC000  }
0x70: {  	_ =	swait.ge [sflag:s25], $0x2400  }
0x71: {  	[sflag:s25] =	ssyncset.done $0x0  }
0x72: {  	s2 =	simm.s32 $0x0;
	[sflag:s25] =	ssyncadd.s32 $0xFFFFDC00  }
0x73: {  	v2 =	vld [tilespmem:s2+$0x6650]  }
0x74: {  	v3 =	vld [tilespmem:s2+$0x6654]  }
0x75: {  	v4 =	vld [tilespmem:s2+$0x66D0]  }
0x76: {  	v1 =	vld [tilespmem:s2+$0x66D4]  }
0x77: {  	v0 =	vld [tilespmem:s2+$0x6750]  }
0x78: {  	[tilespmem:s2+$0x12E50] =	vst v2;
	v2 =	vld [tilespmem:s2+$0x6754]  }
0x79: {  	s11 =	simm.s32 $0x800;
	[tilespmem:s2+$0x12E54] =	vst v3;
	v3 =	vld [tilespmem:s2+$0x67D0]  }
.LBB2_4:
0x7a: {  	p0 =	sne.s32 s11, $0x18800;
	[tilespmem:s2+$0x12ED0] =	vst v4;
	v4 =	vld [tilespmem:s2+$0x67D4]  }
0x7b: {  	v5 =	vld [tilespmem:s2+$0x6600];
	[tilespmem:s2+$0x12ED4] =	vst v1  }
0x7c: {  	v1 =	vld [tilespmem:s2+$0x6610];
	[tilespmem:s2+$0x12F50] =	vst v0  }
0x7d: {  	v0 =	vld [tilespmem:s2+$0x6620];
	[tilespmem:s2+$0x12F54] =	vst v2  }
0x7e: {  	v2 =	vld [tilespmem:s2+$0x6630];
	[tilespmem:s2+$0x12FD0] =	vst v3  }
0x7f: {  	v3 =	vld [tilespmem:s2+$0x6640];
	[tilespmem:s2+$0x12FD4] =	vst v4  }
0x80: {  	[tilespmem:s2+$0x12E00] =	vst v5;
	v4 =	vld [tilespmem:s2+$0x6680]  }
0x81: {  	[tilespmem:s2+$0x12E10] =	vst v1;
	v1 =	vld [tilespmem:s2+$0x6690]  }
0x82: {  	[tilespmem:s2+$0x12E20] =	vst v0;
	v0 =	vld [tilespmem:s2+$0x66A0]  }
0x83: {  	[tilespmem:s2+$0x12E30] =	vst v2;
	v2 =	vld [tilespmem:s2+$0x66B0]  }
0x84: {  	[tilespmem:s2+$0x12E40] =	vst v3;
	v3 =	vld [tilespmem:s2+$0x66C0]  }
0x85: {  	[tilespmem:s2+$0x12E80] =	vst v4;
	v4 =	vld [tilespmem:s2+$0x6700]  }
0x86: {  	[tilespmem:s2+$0x12E90] =	vst v1;
	v1 =	vld [tilespmem:s2+$0x6710]  }
0x87: {  	[tilespmem:s2+$0x12EA0] =	vst v0;
	v0 =	vld [tilespmem:s2+$0x6720]  }
0x88: {  	[tilespmem:s2+$0x12EB0] =	vst v2;
	v2 =	vld [tilespmem:s2+$0x6730]  }
0x89: {  	[tilespmem:s2+$0x12EC0] =	vst v3;
	v3 =	vld [tilespmem:s2+$0x6740]  }
0x8a: {  	[tilespmem:s2+$0x12F00] =	vst v4;
	v4 =	vld [tilespmem:s2+$0x6780]  }
0x8b: {  	[tilespmem:s2+$0x12F10] =	vst v1;
	v1 =	vld [tilespmem:s2+$0x6790]  }
0x8c: {  	[tilespmem:s2+$0x12F20] =	vst v0;
	v0 =	vld [tilespmem:s2+$0x67A0]  }
0x8d: {  	[tilespmem:s2+$0x12F30] =	vst v2;
	v2 =	vld [tilespmem:s2+$0x67B0]  }
0x8e: {  	s15 =	sshra.s32 s11, $0x2;
	[tilespmem:s2+$0x12F40] =	vst v3;
	v3 =	vld [tilespmem:s2+$0x67C0]  }
0x8f: {  	v5 =	vld [tilespmem:s15+$0x6650];
	[tilespmem:s2+$0x12F80] =	vst v4  }
0x90: {  	v6 =	vld [tilespmem:s15+$0x6654];
	[tilespmem:s2+$0x12F90] =	vst v1  }
.Ltmp1:
0x91: {  	v4 =	vld [tilespmem:s15+$0x66D0];
	[tilespmem:s2+$0x12FA0] =	vst v0;
	(pc) =	sbr.rel @p0 .LBB2_4-.Ltmp1, $4  }
0x92: {  	v1 =	vld [tilespmem:s15+$0x66D4];
	[tilespmem:s2+$0x12FB0] =	vst v2  }
0x93: {  	v0 =	vld [tilespmem:s15+$0x6750];
	[tilespmem:s2+$0x12FC0] =	vst v3;
	s2 =	smov.u32 s15  }
0x94: {  	[tilespmem:s2+$0x12E50] =	vst v5;
	v2 =	vld [tilespmem:s2+$0x6754]  }
0x95: {  	s11 =	sadd.s32 $0x800, s11;
	[tilespmem:s2+$0x12E54] =	vst v6;
	v3 =	vld [tilespmem:s2+$0x67D0]  }
0x96: {  	[tilespmem:s2+$0x12ED0] =	vst v4;
	v44 =	vld [tilespmem:s2+$0x67D4]  }
0x97: {  	v5 =	vld [tilespmem:s2+$0x6600];
	[tilespmem:s2+$0x12ED4] =	vst v1  }
0x98: {  	v45 =	vld [tilespmem:s2+$0x6610];
	[tilespmem:s2+$0x12F50] =	vst v0  }
0x99: {  	v46 =	vld [tilespmem:s2+$0x6620];
	[tilespmem:s2+$0x12F54] =	vst v2  }
0x9a: {  	v47 =	vld [tilespmem:s2+$0x6630];
	[tilespmem:s2+$0x12FD0] =	vst v3  }
0x9b: {  	v48 =	vld [tilespmem:s2+$0x6640];
	[tilespmem:s2+$0x12FD4] =	vst v44  }
0x9c: {  	v49 =	vld [tilespmem:s2+$0x6680];
	[tilespmem:s2+$0x12E00] =	vst v5  }
0x9d: {  	v50 =	vld [tilespmem:s2+$0x6690];
	[tilespmem:s2+$0x12E10] =	vst v45  }
0x9e: {  	v51 =	vld [tilespmem:s2+$0x66A0];
	[tilespmem:s2+$0x12E20] =	vst v46  }
0x9f: {  	v52 =	vld [tilespmem:s2+$0x66B0];
	[tilespmem:s2+$0x12E30] =	vst v47  }
0xa0: {  	v53 =	vld [tilespmem:s2+$0x66C0];
	[tilespmem:s2+$0x12E40] =	vst v48  }
0xa1: {  	v54 =	vld [tilespmem:s2+$0x6700];
	[tilespmem:s2+$0x12E80] =	vst v49  }
0xa2: {  	v55 =	vld [tilespmem:s2+$0x6710];
	[tilespmem:s2+$0x12E90] =	vst v50  }
0xa3: {  	v56 =	vld [tilespmem:s2+$0x6720];
	[tilespmem:s2+$0x12EA0] =	vst v51  }
0xa4: {  	v57 =	vld [tilespmem:s2+$0x6730];
	[tilespmem:s2+$0x12EB0] =	vst v52  }
0xa5: {  	v58 =	vld [tilespmem:s2+$0x6740];
	[tilespmem:s2+$0x12EC0] =	vst v53  }
0xa6: {  	v59 =	vld [tilespmem:s2+$0x6780];
	[tilespmem:s2+$0x12F00] =	vst v54  }
0xa7: {  	v60 =	vld [tilespmem:s2+$0x6790];
	[tilespmem:s2+$0x12F10] =	vst v55  }
0xa8: {  	v61 =	vld [tilespmem:s2+$0x67A0];
	[tilespmem:s2+$0x12F20] =	vst v56  }
0xa9: {  	v62 =	vld [tilespmem:s2+$0x67B0];
	[tilespmem:s2+$0x12F30] =	vst v57  }
0xaa: {  	v63 =	vld [tilespmem:s2+$0x67C0];
	[tilespmem:s2+$0x12F40] =	vst v58  }
0xab: {  	[tilespmem:s2+$0x12F80] =	vst v59  }
0xac: {  	[tilespmem:s2+$0x12F90] =	vst v60  }
0xad: {  	[tilespmem:s2+$0x12FA0] =	vst v61  }
0xae: {  	[tilespmem:s2+$0x12FB0] =	vst v62  }
0xaf: {  	s23 =	rddreg [dreg:$0x3];
	[tilespmem:s2+$0x12FC0] =	vst v63;
	s2 =	simm.s32 $0x1  }
0xb0: {  	[hbm4b:s23+s3] =	stream.linear.scatter [tilespmem:s30], [sflag:$0x3], $0x6400, $0x38;
	[tilespmem:$0x19200] =	vst v63  }
0xb1: {  	_ =	swait.ge [sflag:s2], $0x100  }
0xb2: {  	[sflag:s2] =	ssyncset.done $0x0  }
0xb3: {  	[sflag:s2] =	ssyncadd.s32 $0xFFFFFF00  }
0xb4: {  	[tilespmem:s20], [sflag:$0x2] =	stream.indirect.gather [hbm4b:s1+s19], $0x80, s3, s19, $0xb8;
	[tilespmem:$0x19200] =	vst v63  }
0xb5: {  	_ = 	snop  }
0xb6: {  	[tilespmem:s22], [sflag:$0x2] =	stream.indirect.gather [hbm4b:s1+s21], $0x80, s17, s21, $0xb8;
	[tilespmem:$0x19200] =	vst v63  }
0xb7: {  	_ = 	snop  }
0xb8: {  	[tilespmem:s19], [sflag:$0x1] =	stream.linear.gather [hbm4b:s12+s3], $0x80, $0x38;
	[tilespmem:$0x19200] =	vst v63  }
0xb9: {  	s11 =	sadd.s32 $0x80, s12  }
0xba: {  	[tilespmem:s24], [sflag:$0x1] =	stream.linear.gather [hbm4b:s11+s3], $0x80, $0x38;
	[tilespmem:$0x19200] =	vst v63  }
.LBB2_6:
0xbb: {  	_ =	swait.ge [sflag:s25], $0x4000  }
0xbc: {  	[sflag:s25] =	ssyncset.done $0x0  }
0xbd: {  	[sflag:s25] =	ssyncadd.s32 $0xFFFFC000  }
0xbe: {  	_ =	swait.ge [sflag:s25], $0x2400  }
0xbf: {  	[sflag:s25] =	ssyncset.done $0x0  }
0xc0: {  	[sflag:s25] =	ssyncadd.s32 $0xFFFFDC00  }
0xc1: {  	_ =	swait.ge [sflag:s31], $0x6400  }
0xc2: {  	[sflag:s31] =	ssyncset.done $0x0  }
0xc3: {  	s15 =	simm.s32 $0x0;
	[sflag:s31] =	ssyncadd.s32 $0xFFFF9C00  }
0xc4: {  	v2 =	vld [tilespmem:s15+$0x250]  }
0xc5: {  	v3 =	vld [tilespmem:s15+$0x254]  }
0xc6: {  	v4 =	vld [tilespmem:s15+$0x2D0]  }
0xc7: {  	v1 =	vld [tilespmem:s15+$0x2D4]  }
0xc8: {  	v0 =	vld [tilespmem:s15+$0x350]  }
0xc9: {  	[tilespmem:s15+$0xCA50] =	vst v2;
	v2 =	vld [tilespmem:s15+$0x354]  }
0xca: {  	s11 =	simm.s32 $0x800;
	[tilespmem:s15+$0xCA54] =	vst v3;
	v3 =	vld [tilespmem:s15+$0x3D0]  }
.LBB2_7:
0xcb: {  	p0 =	sne.s32 s11, $0x18800;
	[tilespmem:s15+$0xCAD0] =	vst v4;
	v4 =	vld [tilespmem:s15+$0x3D4]  }
0xcc: {  	v5 =	vld [tilespmem:s15+$0x200];
	[tilespmem:s15+$0xCAD4] =	vst v1  }
0xcd: {  	v1 =	vld [tilespmem:s15+$0x210];
	[tilespmem:s15+$0xCB50] =	vst v0  }
0xce: {  	v0 =	vld [tilespmem:s15+$0x220];
	[tilespmem:s15+$0xCB54] =	vst v2  }
0xcf: {  	v2 =	vld [tilespmem:s15+$0x230];
	[tilespmem:s15+$0xCBD0] =	vst v3  }
0xd0: {  	v3 =	vld [tilespmem:s15+$0x240];
	[tilespmem:s15+$0xCBD4] =	vst v4  }
0xd1: {  	[tilespmem:s15+$0xCA00] =	vst v5;
	v4 =	vld [tilespmem:s15+$0x280]  }
0xd2: {  	[tilespmem:s15+$0xCA10] =	vst v1;
	v1 =	vld [tilespmem:s15+$0x290]  }
0xd3: {  	[tilespmem:s15+$0xCA20] =	vst v0;
	v0 =	vld [tilespmem:s15+$0x2A0]  }
0xd4: {  	[tilespmem:s15+$0xCA30] =	vst v2;
	v2 =	vld [tilespmem:s15+$0x2B0]  }
0xd5: {  	[tilespmem:s15+$0xCA40] =	vst v3;
	v3 =	vld [tilespmem:s15+$0x2C0]  }
0xd6: {  	[tilespmem:s15+$0xCA80] =	vst v4;
	v4 =	vld [tilespmem:s15+$0x300]  }
0xd7: {  	[tilespmem:s15+$0xCA90] =	vst v1;
	v1 =	vld [tilespmem:s15+$0x310]  }
0xd8: {  	[tilespmem:s15+$0xCAA0] =	vst v0;
	v0 =	vld [tilespmem:s15+$0x320]  }
0xd9: {  	[tilespmem:s15+$0xCAB0] =	vst v2;
	v2 =	vld [tilespmem:s15+$0x330]  }
0xda: {  	[tilespmem:s15+$0xCAC0] =	vst v3;
	v3 =	vld [tilespmem:s15+$0x340]  }
0xdb: {  	[tilespmem:s15+$0xCB00] =	vst v4;
	v4 =	vld [tilespmem:s15+$0x380]  }
0xdc: {  	[tilespmem:s15+$0xCB10] =	vst v1;
	v1 =	vld [tilespmem:s15+$0x390]  }
0xdd: {  	[tilespmem:s15+$0xCB20] =	vst v0;
	v0 =	vld [tilespmem:s15+$0x3A0]  }
0xde: {  	[tilespmem:s15+$0xCB30] =	vst v2;
	v2 =	vld [tilespmem:s15+$0x3B0]  }
0xdf: {  	s16 =	sshra.s32 s11, $0x2;
	[tilespmem:s15+$0xCB40] =	vst v3;
	v3 =	vld [tilespmem:s15+$0x3C0]  }
0xe0: {  	v5 =	vld [tilespmem:s16+$0x250];
	[tilespmem:s15+$0xCB80] =	vst v4  }
0xe1: {  	v6 =	vld [tilespmem:s16+$0x254];
	[tilespmem:s15+$0xCB90] =	vst v1  }
.Ltmp2:
0xe2: {  	v4 =	vld [tilespmem:s16+$0x2D0];
	[tilespmem:s15+$0xCBA0] =	vst v0;
	(pc) =	sbr.rel @p0 .LBB2_7-.Ltmp2, $4  }
0xe3: {  	v1 =	vld [tilespmem:s16+$0x2D4];
	[tilespmem:s15+$0xCBB0] =	vst v2  }
0xe4: {  	v0 =	vld [tilespmem:s16+$0x350];
	[tilespmem:s15+$0xCBC0] =	vst v3;
	s15 =	smov.u32 s16  }
0xe5: {  	[tilespmem:s15+$0xCA50] =	vst v5;
	v2 =	vld [tilespmem:s15+$0x354]  }
0xe6: {  	s11 =	sadd.s32 $0x800, s11;
	[tilespmem:s15+$0xCA54] =	vst v6;
	v3 =	vld [tilespmem:s15+$0x3D0]  }
0xe7: {  	[tilespmem:s15+$0xCAD0] =	vst v4;
	v4 =	vld [tilespmem:s15+$0x3D4]  }
0xe8: {  	v5 =	vld [tilespmem:s15+$0x200];
	[tilespmem:s15+$0xCAD4] =	vst v1  }
0xe9: {  	v1 =	vld [tilespmem:s15+$0x210];
	[tilespmem:s15+$0xCB50] =	vst v0  }
0xea: {  	v0 =	vld [tilespmem:s15+$0x220];
	[tilespmem:s15+$0xCB54] =	vst v2  }
0xeb: {  	v2 =	vld [tilespmem:s15+$0x230];
	[tilespmem:s15+$0xCBD0] =	vst v3  }
0xec: {  	v3 =	vld [tilespmem:s15+$0x240];
	[tilespmem:s15+$0xCBD4] =	vst v4  }
0xed: {  	[tilespmem:s15+$0xCA00] =	vst v5;
	v4 =	vld [tilespmem:s15+$0x280]  }
0xee: {  	[tilespmem:s15+$0xCA10] =	vst v1;
	v1 =	vld [tilespmem:s15+$0x290]  }
0xef: {  	[tilespmem:s15+$0xCA20] =	vst v0;
	v0 =	vld [tilespmem:s15+$0x2A0]  }
0xf0: {  	[tilespmem:s15+$0xCA30] =	vst v2;
	v2 =	vld [tilespmem:s15+$0x2B0]  }
0xf1: {  	[tilespmem:s15+$0xCA40] =	vst v3;
	v3 =	vld [tilespmem:s15+$0x2C0]  }
0xf2: {  	[tilespmem:s15+$0xCA80] =	vst v4;
	v4 =	vld [tilespmem:s15+$0x300]  }
0xf3: {  	[tilespmem:s15+$0xCA90] =	vst v1;
	v1 =	vld [tilespmem:s15+$0x310]  }
0xf4: {  	[tilespmem:s15+$0xCAA0] =	vst v0;
	v0 =	vld [tilespmem:s15+$0x320]  }
0xf5: {  	[tilespmem:s15+$0xCAB0] =	vst v2;
	v2 =	vld [tilespmem:s15+$0x330]  }
0xf6: {  	[tilespmem:s15+$0xCAC0] =	vst v3;
	v3 =	vld [tilespmem:s15+$0x340]  }
0xf7: {  	[tilespmem:s15+$0xCB00] =	vst v4;
	v4 =	vld [tilespmem:s15+$0x380]  }
0xf8: {  	[tilespmem:s15+$0xCB10] =	vst v1;
	v1 =	vld [tilespmem:s15+$0x390]  }
0xf9: {  	[tilespmem:s15+$0xCB20] =	vst v0;
	v0 =	vld [tilespmem:s15+$0x3A0]  }
0xfa: {  	[tilespmem:s15+$0xCB30] =	vst v2;
	v2 =	vld [tilespmem:s15+$0x3B0]  }
0xfb: {  	[tilespmem:s15+$0xCB40] =	vst v3;
	v3 =	vld [tilespmem:s15+$0x3C0]  }
0xfc: {  	s11 =	sshll.u32 s2, $0x1;
	[tilespmem:s15+$0xCB80] =	vst v4  }
0xfd: {  	s16 =	sadd.s32 s6, s11;
	[tilespmem:s15+$0xCB90] =	vst v1  }
0xfe: {  	s16 =	smul.u32 $0xC80, s16;
	[tilespmem:s15+$0xCBA0] =	vst v0  }
0xff: {  	[tilespmem:s15+$0xCBB0] =	vst v2  }
0x100: {  	s23 =	sadd.s32 s5, s16;
	s16 =	simm.s32 $0x0;
	[tilespmem:s15+$0xCBC0] =	vst v3  }
0x101: {  	[hbm4b:s23+s16] =	stream.linear.scatter [tilespmem:s26], [sflag:$0x3], $0x6400, $0x38;
	[tilespmem:$0x19200] =	vst v63  }
0x102: {  	s23 =	sadd.s32 s11, s13  }
0x103: {  	_ =	swait.ge [sflag:s18], $0x100;
	s15 =	smin.u32 s23, $0xFFF  }
0x104: {  	[sflag:s18] =	ssyncset.done $0x0;
	s23 =	sshll.u32 s15, $0x4  }
0x105: {  	s15 =	sshll.u32 s15, $0x5;
	[sflag:s18] =	ssyncadd.s32 $0xFFFFFF00;
	s23 =	sand.u32 $0x70, s23  }
0x106: {  	[tilespmem:s28], [sflag:$0x2] =	stream.indirect.gather [hbm4b:s1+s19], $0x80, s19, s19, $0xb8;
	[tilespmem:$0x19200] =	vst v63  }
0x107: {  	s15 =	sand.u32 $0x1FF00, s15;
	s23 =	sadd.s32 s4, s23  }
0x108: {  	[tilespmem:s29], [sflag:$0x2] =	stream.indirect.gather [hbm4b:s1+s21], $0x80, s24, s21, $0xb8;
	[tilespmem:$0x19200] =	vst v63  }
0x109: {  	s15 =	sadd.s32 s15, s23  }
0x10a: {  	[tilespmem:s16], [sflag:$0x1] =	stream.linear.gather [hbm4b:s15+s16], $0x80, $0x38;
	[tilespmem:$0x19200] =	vst v63  }
0x10b: {  	s15 =	sadd.s32 $0x80, s15  }
0x10c: {  	[tilespmem:s17], [sflag:$0x1] =	stream.linear.gather [hbm4b:s15+s16], $0x80, $0x38;
	[tilespmem:$0x19200] =	vst v63  }
0x10d: {  	_ =	swait.ge [sflag:s25], $0x4000  }
0x10e: {  	[sflag:s25] =	ssyncset.done $0x0  }
0x10f: {  	[sflag:s25] =	ssyncadd.s32 $0xFFFFC000  }
0x110: {  	_ =	swait.ge [sflag:s25], $0x2400  }
0x111: {  	[sflag:s25] =	ssyncset.done $0x0  }
0x112: {  	[sflag:s25] =	ssyncadd.s32 $0xFFFFDC00  }
0x113: {  	_ =	swait.ge [sflag:s31], $0x6400  }
0x114: {  	[sflag:s31] =	ssyncset.done $0x0  }
0x115: {  	s15 =	simm.s32 $0x0;
	[sflag:s31] =	ssyncadd.s32 $0xFFFF9C00  }
0x116: {  	v2 =	vld [tilespmem:s15+$0x6650]  }
0x117: {  	v3 =	vld [tilespmem:s15+$0x6654]  }
0x118: {  	v4 =	vld [tilespmem:s15+$0x66D0]  }
0x119: {  	v1 =	vld [tilespmem:s15+$0x66D4]  }
0x11a: {  	v0 =	vld [tilespmem:s15+$0x6750]  }
0x11b: {  	[tilespmem:s15+$0x12E50] =	vst v2;
	v2 =	vld [tilespmem:s15+$0x6754]  }
0x11c: {  	s16 =	simm.s32 $0x800;
	[tilespmem:s15+$0x12E54] =	vst v3;
	v3 =	vld [tilespmem:s15+$0x67D0]  }
.LBB2_9:
0x11d: {  	p0 =	sne.s32 s16, $0x18800;
	[tilespmem:s15+$0x12ED0] =	vst v4;
	v4 =	vld [tilespmem:s15+$0x67D4]  }
0x11e: {  	v5 =	vld [tilespmem:s15+$0x6600];
	[tilespmem:s15+$0x12ED4] =	vst v1  }
0x11f: {  	v1 =	vld [tilespmem:s15+$0x6610];
	[tilespmem:s15+$0x12F50] =	vst v0  }
0x120: {  	v0 =	vld [tilespmem:s15+$0x6620];
	[tilespmem:s15+$0x12F54] =	vst v2  }
0x121: {  	v2 =	vld [tilespmem:s15+$0x6630];
	[tilespmem:s15+$0x12FD0] =	vst v3  }
0x122: {  	v3 =	vld [tilespmem:s15+$0x6640];
	[tilespmem:s15+$0x12FD4] =	vst v4  }
0x123: {  	[tilespmem:s15+$0x12E00] =	vst v5;
	v4 =	vld [tilespmem:s15+$0x6680]  }
0x124: {  	[tilespmem:s15+$0x12E10] =	vst v1;
	v1 =	vld [tilespmem:s15+$0x6690]  }
0x125: {  	[tilespmem:s15+$0x12E20] =	vst v0;
	v0 =	vld [tilespmem:s15+$0x66A0]  }
0x126: {  	[tilespmem:s15+$0x12E30] =	vst v2;
	v2 =	vld [tilespmem:s15+$0x66B0]  }
0x127: {  	[tilespmem:s15+$0x12E40] =	vst v3;
	v3 =	vld [tilespmem:s15+$0x66C0]  }
0x128: {  	[tilespmem:s15+$0x12E80] =	vst v4;
	v4 =	vld [tilespmem:s15+$0x6700]  }
0x129: {  	[tilespmem:s15+$0x12E90] =	vst v1;
	v1 =	vld [tilespmem:s15+$0x6710]  }
0x12a: {  	[tilespmem:s15+$0x12EA0] =	vst v0;
	v0 =	vld [tilespmem:s15+$0x6720]  }
0x12b: {  	[tilespmem:s15+$0x12EB0] =	vst v2;
	v2 =	vld [tilespmem:s15+$0x6730]  }
0x12c: {  	[tilespmem:s15+$0x12EC0] =	vst v3;
	v3 =	vld [tilespmem:s15+$0x6740]  }
0x12d: {  	[tilespmem:s15+$0x12F00] =	vst v4;
	v4 =	vld [tilespmem:s15+$0x6780]  }
0x12e: {  	[tilespmem:s15+$0x12F10] =	vst v1;
	v1 =	vld [tilespmem:s15+$0x6790]  }
0x12f: {  	[tilespmem:s15+$0x12F20] =	vst v0;
	v0 =	vld [tilespmem:s15+$0x67A0]  }
0x130: {  	[tilespmem:s15+$0x12F30] =	vst v2;
	v2 =	vld [tilespmem:s15+$0x67B0]  }
0x131: {  	s23 =	sshra.s32 s16, $0x2;
	[tilespmem:s15+$0x12F40] =	vst v3;
	v3 =	vld [tilespmem:s15+$0x67C0]  }
0x132: {  	v5 =	vld [tilespmem:s23+$0x6650];
	[tilespmem:s15+$0x12F80] =	vst v4  }
0x133: {  	v6 =	vld [tilespmem:s23+$0x6654];
	[tilespmem:s15+$0x12F90] =	vst v1  }
.Ltmp3:
0x134: {  	v4 =	vld [tilespmem:s23+$0x66D0];
	[tilespmem:s15+$0x12FA0] =	vst v0;
	(pc) =	sbr.rel @p0 .LBB2_9-.Ltmp3, $4  }
0x135: {  	v1 =	vld [tilespmem:s23+$0x66D4];
	[tilespmem:s15+$0x12FB0] =	vst v2  }
0x136: {  	v0 =	vld [tilespmem:s23+$0x6750];
	[tilespmem:s15+$0x12FC0] =	vst v3;
	s15 =	smov.u32 s23  }
0x137: {  	[tilespmem:s15+$0x12E50] =	vst v5;
	v2 =	vld [tilespmem:s15+$0x6754]  }
0x138: {  	s16 =	sadd.s32 $0x800, s16;
	[tilespmem:s15+$0x12E54] =	vst v6;
	v3 =	vld [tilespmem:s15+$0x67D0]  }
0x139: {  	[tilespmem:s15+$0x12ED0] =	vst v4;
	v44 =	vld [tilespmem:s15+$0x67D4]  }
0x13a: {  	v5 =	vld [tilespmem:s15+$0x6600];
	[tilespmem:s15+$0x12ED4] =	vst v1  }
0x13b: {  	v45 =	vld [tilespmem:s15+$0x6610];
	[tilespmem:s15+$0x12F50] =	vst v0  }
0x13c: {  	v46 =	vld [tilespmem:s15+$0x6620];
	[tilespmem:s15+$0x12F54] =	vst v2  }
0x13d: {  	v47 =	vld [tilespmem:s15+$0x6630];
	[tilespmem:s15+$0x12FD0] =	vst v3  }
0x13e: {  	v48 =	vld [tilespmem:s15+$0x6640];
	[tilespmem:s15+$0x12FD4] =	vst v44  }
0x13f: {  	v49 =	vld [tilespmem:s15+$0x6680];
	[tilespmem:s15+$0x12E00] =	vst v5  }
0x140: {  	v50 =	vld [tilespmem:s15+$0x6690];
	[tilespmem:s15+$0x12E10] =	vst v45  }
0x141: {  	v51 =	vld [tilespmem:s15+$0x66A0];
	[tilespmem:s15+$0x12E20] =	vst v46  }
0x142: {  	v52 =	vld [tilespmem:s15+$0x66B0];
	[tilespmem:s15+$0x12E30] =	vst v47  }
0x143: {  	v53 =	vld [tilespmem:s15+$0x66C0];
	[tilespmem:s15+$0x12E40] =	vst v48  }
0x144: {  	v54 =	vld [tilespmem:s15+$0x6700];
	[tilespmem:s15+$0x12E80] =	vst v49  }
0x145: {  	v55 =	vld [tilespmem:s15+$0x6710];
	[tilespmem:s15+$0x12E90] =	vst v50  }
0x146: {  	v56 =	vld [tilespmem:s15+$0x6720];
	[tilespmem:s15+$0x12EA0] =	vst v51  }
0x147: {  	v57 =	vld [tilespmem:s15+$0x6730];
	[tilespmem:s15+$0x12EB0] =	vst v52  }
0x148: {  	v58 =	vld [tilespmem:s15+$0x6740];
	[tilespmem:s15+$0x12EC0] =	vst v53  }
0x149: {  	v59 =	vld [tilespmem:s15+$0x6780];
	[tilespmem:s15+$0x12F00] =	vst v54  }
0x14a: {  	v60 =	vld [tilespmem:s15+$0x6790];
	[tilespmem:s15+$0x12F10] =	vst v55  }
0x14b: {  	v61 =	vld [tilespmem:s15+$0x67A0];
	[tilespmem:s15+$0x12F20] =	vst v56  }
0x14c: {  	v62 =	vld [tilespmem:s15+$0x67B0];
	[tilespmem:s15+$0x12F30] =	vst v57  }
0x14d: {  	v63 =	vld [tilespmem:s15+$0x67C0];
	[tilespmem:s15+$0x12F40] =	vst v58  }
0x14e: {  	s16 =	sadd.s32 s11, s6;
	[tilespmem:s15+$0x12F80] =	vst v59  }
0x14f: {  	s16 =	smul.u32 $0xC80, s16;
	[tilespmem:s15+$0x12F90] =	vst v60  }
0x150: {  	[tilespmem:s15+$0x12FA0] =	vst v61  }
0x151: {  	s16 =	sadd.s32 s5, s16;
	[tilespmem:s15+$0x12FB0] =	vst v62  }
0x152: {  	s23 =	sadd.s32 $0xC80, s16;
	[tilespmem:s15+$0x12FC0] =	vst v63  }
0x153: {  	[hbm4b:s23+s3] =	stream.linear.scatter [tilespmem:s30], [sflag:$0x3], $0x6400, $0x38;
	[tilespmem:$0x19200] =	vst v63  }
0x154: {  	s16 =	sadd.s32 s11, s14;
	_ =	swait.ge [sflag:s18], $0x100  }
0x155: {  	s11 =	smin.u32 s16, $0xFFF;
	[sflag:s18] =	ssyncset.done $0x0  }
0x156: {  	s2 =	sadd.s32 $0x1, s2;
	s23 =	sshll.u32 s11, $0x4;
	[sflag:s18] =	ssyncadd.s32 $0xFFFFFF00  }
0x157: {  	[tilespmem:s20], [sflag:$0x2] =	stream.indirect.gather [hbm4b:s1+s19], $0x80, s3, s19, $0xb8;
	[tilespmem:$0x19200] =	vst v63  }
0x158: {  	p0 =	sne.s32 s2, $0x40;
	s11 =	sshll.u32 s11, $0x5;
	s15 =	sand.u32 $0x70, s23  }
0x159: {  	[tilespmem:s22], [sflag:$0x2] =	stream.indirect.gather [hbm4b:s1+s21], $0x80, s17, s21, $0xb8;
	[tilespmem:$0x19200] =	vst v63  }
.Ltmp4:
0x15a: {  	s11 =	sand.u32 $0x1FF00, s11;
	s15 =	sadd.s32 s4, s15;
	(pc) =	sbr.rel @p0 .LBB2_6-.Ltmp4, $4  }
0x15b: {  	s11 =	sadd.s32 s11, s15  }
0x15c: {  	[tilespmem:s19], [sflag:$0x1] =	stream.linear.gather [hbm4b:s11+s3], $0x80, $0x38;
	[tilespmem:$0x19200] =	vst v63  }
0x15d: {  	s11 =	sadd.s32 $0x80, s11  }
0x15e: {  	[tilespmem:s24], [sflag:$0x1] =	stream.linear.gather [hbm4b:s11+s3], $0x80, $0x38;
	[tilespmem:$0x19200] =	vst v63  }
0x15f: {  	_ =	swait.ge [sflag:s25], $0x4000  }
0x160: {  	[sflag:s25] =	ssyncset.done $0x0  }
0x161: {  	[sflag:s25] =	ssyncadd.s32 $0xFFFFC000  }
0x162: {  	_ =	swait.ge [sflag:s25], $0x2400  }
0x163: {  	[sflag:s25] =	ssyncset.done $0x0  }
0x164: {  	[sflag:s25] =	ssyncadd.s32 $0xFFFFDC00  }
0x165: {  	_ =	swait.ge [sflag:s18], $0x100  }
0x166: {  	[sflag:s18] =	ssyncset.done $0x0  }
0x167: {  	[sflag:s18] =	ssyncadd.s32 $0xFFFFFF00  }
0x168: {  	_ =	swait.ge [sflag:s31], $0x6400  }
0x169: {  	[sflag:s31] =	ssyncset.done $0x0  }
0x16a: {  	[sflag:s31] =	ssyncadd.s32 $0xFFFF9C00  }
0x16b: {  	_ =	swait.ge [sflag:s31], $0x6400  }
0x16c: {  	s0 =	sadd.s32 $0x1, s0;
	s2 =	rddreg [dreg:$0x4]  }
0x16d: {  	p0 =	sne.s32 s0, s2  }
.Ltmp5:
0x16e: {  	_ = 	snop;
	(pc) =	sbr.rel @p0 .LBB2_1-.Ltmp5, $3  }
0x16f: {  	_ =	sdelay $0x1  }
0x170: {  	[sflag:s31] =	ssyncset.done $0x0  }
0x171: {  	[sflag:s31] =	ssyncadd.s32 $0xFFFF9C00  }
0x172: {  	_ =	sfence.sel $0x180000  }
0x173: {  	[bflag:$0x0] =	sbarrier.arrive $0xFFFF  }
0x174: {  	_ =	strace $0x90000047  }
0x175: {  	s0 =	stileid.u32;
	[bflag:$0x2] =	sbarrier.arrive $0xFFFF  }
0x176: {  	p0 =	sne.s32 s0, $0x0;
	s0 =	rddreg [dreg:$0x2]  }
0x177: {  	s0 =	sadd.s32 @!p0 $0x100000, s0  }
0x178: {  	[sflag:s0] =	ssyncadd.tile.s32 @!p0 $0x1;
	_ =	shalt  }
.Lfunc_end2:
_tile_overlayer_lowered:
.L_overlay_start_2:
0x179: {  	(tag) =	ssettag $0x2  }
0x17a: {  	s0 =	rddreg [dreg:$0x0];
	s2 =	stileid.u32  }
0x17b: {  	s1 =	rddreg [dreg:$0x1];
	p0 =	sne.s32 s2, $0x0  }
0x17c: {  	s3 =	rddreg [dreg:$0x2];
	[bflag:$0x3] =	sbarrier.arrive $0xFFFF;
	s2 =	simm.s32 @!p0 $0x1C04  }
0x17d: {  	[timem:s3], [sflag:s2] =	dma.local @!p0 [hbm:s0], s1  }
0x17e: {  	s0 =	simm.s32 @!p0 $0x4  }
0x17f: {  	_ =	swait.ge @!p0 [sflag:s0], s1  }
0x180: {  	s1 =	ssub.s32 @!p0 $0x0, s1;
	[sflag:s0] =	ssyncset.done @!p0 $0x0  }
0x181: {  	[sflag:s0] =	ssyncadd.s32 @!p0 s1  }
0x182: {  	[bflag:$0x3] =	sbarrier.arrive $0xFFFF  }
0x183: {  	_ =	shalt  }

// kernel: sparse-core-data-format-call.cloned.1.call-start
scs
called_computation_lowered:
.L_overlay_start_0:
0x0: {  	s2 =	sld [smem:$0x3FD9]  }
0x1: {  	s3 =	sld [smem:$0x3FFE];
	_ =	sdelay $0x1  }
0x2: {  	s1 =	srdreg.scid  }
0x3: {  	s0 =	sand.u32 $0x1, s1  }
0x4: {  	s18 =	sshll.u32 s0, $0xA;
	s2 =	sadd.s32 s3, s2  }
0x5: {  	s2 =	sadd.s32 s2, s18  }
0x6: {  	[smem:$0x3FC6] =	sst s2  }
0x7: {  	_ = 	snop  }
0x8: {  	s2 =	sld [smem:$0x3FD0];
	(tm) =	ssettm $0x1  }
0x9: {  	s19 =	sld [smem:$0x3FFB];
	_ =	sdelay $0x3  }
0xa: {  	_ =	strace s19  }
0xb: {  	s3 =	sld [smem:$0x3FFC];
	_ =	sdelay $0x3  }
0xc: {  	_ =	strace s3  }
0xd: {  	s3 =	sld [smem:$0x3FFD];
	_ =	sdelay $0x3  }
0xe: {  	_ =	strace s3  }
0xf: {  	_ =	strace $0x8FFFFFFF  }
0x10: {  	s20 =	sld [smem:$0x3FDB];
	_ =	sdelay $0x1  }
0x11: {  	s4 =	simm.s32 $_scs_section_size  }
0x12: {  	s5 =	simm.s32 $_size__tile_overlayer_lowered;
	s6 =	simm.s32 $_tile_overlayer_lowered  }
0x13: {  	s23 =	simm.s32 $0x1BFF;
	s22 =	sshll.u32 s6, $0x1;
	s3 =	sadd.s32 s4, s20  }
0x14: {  	s7 =	simm.s32 $0x0;
	s21 =	sshll.u32 s5, $0x1;
	s5 =	sadd.s32 s22, s3  }
0x15: {  	[timem:s7], [sflag:s23] =	dma.local [hbm:s5], s21  }
0x16: {  	_ =	swait.ge [sflag:s23], s21  }
0x17: {  	s4 =	ssub.s32 $0x0, s21;
	[sflag:s23] =	ssyncset.done $0x0  }
0x18: {  	[sflag:s23] =	ssyncadd.s32 s4;
	_ =	sdelay $0x1  }
0x19: {  	s24 =	simm.s32 $0x1B8B  }
0x1a: {  	_ =	swait.ge [sflag:s24], $0x1  }
0x1b: {  	[sflag:s24] =	ssyncset.done $0x0  }
0x1c: {  	s26 =	simm.s32 $0x1B8E;
	s25 =	sld [smem:$0x3FFE];
	[sflag:s24] =	ssyncadd.s32 $0xFFFFFFFF  }
0x1d: {  	s27 =	simm.s32 $execute0_lowered;
	[smem:$0x3FD2] =	sst s26  }
0x1e: {  	s5 =	sshll.u32 s27, $0x1;
	_ =	strace $0x80000049;
	[dreg:$0x1] =	wrdreg $0xFFFFFFFF  }
0x1f: {  	s28 =	simm.s32 $_size_execute0_lowered;
	s3 =	sadd.s32 s3, s5;
	[dreg:$0x0] =	wrdreg $0x0  }
0x20: {  	s5 =	sshll.u32 s28, $0x1;
	[dreg:$0x2] =	wrdreg s3  }
0x21: {  	[dreg:$0x3] =	wrdreg s5  }
0x22: {  	[dreg:$0x4] =	wrdreg $0xC0  }
0x23: {  	_ =	task [dreg:s7], $0x5FFFF  }
0x24: {  	[dreg:$0x1] =	wrdreg $0xFFFFFFFF  }
0x25: {  	[dreg:$0x0] =	wrdreg $0x60  }
0x26: {  	[dreg:$0x2] =	wrdreg s25  }
0x27: {  	[dreg:$0x3] =	wrdreg s2  }
0x28: {  	[dreg:$0x4] =	wrdreg $0x9  }
0x29: {  	_ =	task.clear_ibuf [dreg:s7], $0x5FFFF;
	_ =	strace $0x90000049  }
0x2a: {  	s29 =	simm.s32 $0x9;
	_ =	strace $0x8000004B  }
0x2b: {  	_ =	swait.ge [sflag:s29], $0x1  }
0x2c: {  	[sflag:s29] =	ssyncadd.s32 $0xFFFFFFFF  }
0x2d: {  	_ =	strace $0x9000004B  }
0x2e: {  	_ =	sfence  }
0x2f: {  	s30 =	sld [smem:$0x0];
	_ =	sdelay $0x2  }
0x30: {  	s31 =	sshll.u32 s1, $0xD;
	s1 =	sshrl.u32 s1, $0x2  }
0x31: {  	s3 =	sand.u32 $0x4000, s31;
	s1 =	sadd.s32 s1, s30  }
0x32: {  	s0 =	sor.u32 s3, s0;
	s1 =	sshll.u32 s1, $0x11  }
0x33: {  	s0 =	sor.u32 s1, s0  }
0x34: {  	s0 =	sadd.s32 $0x8F2B, s0  }
0x35: {  	[sflag:s0] =	ssyncadd.remote.s32 $0x1  }
0x36: {  	_ =	sfence.sel $0xFFFF  }
0x37: {  	[dreg:$0x0] =	wrdreg $0xFFFFFFFF;
	(pc) =	sbr.abs _section_cstart, $3  }
0x38: {  	[dreg:$0x1] =	wrdreg $0xFFFFFFFF  }
0x39: {  	_ =	task.clear_ibuf [dreg:s7], $0x2FFFF;
	_ =	strace $0x9FFFFFFF  }
0x3a: {  	(tm) =	ssettm $0x7FFFFFFF  }
0x3b: {  	_ =	shalt  }
tec
execute0_lowered:
.L_overlay_start_1:
0x0: {  	(tag) =	ssettag $0x1  }
0x1: {  	s0 =	srdreg.scid  }
0x2: {  	s1 =	sshll.u32 s0, $0x4  }
0x3: {  	s6 =	rddreg [dreg:$0x0];
	s0 =	stileid.u32;
	s1 =	sand.u32 $0x10, s1  }
0x4: {  	s3 =	rddreg [dreg:$0x1];
	s1 =	sor.u32 s0, s1  }
0x5: {  	s5 =	simm.s32 $0x1;
	s31 =	simm.s32 $0x2;
	s2 =	sshll.u32 s1, $0x7  }
0x6: {  	s15 =	simm.s32 $0x0;
	s8 =	simm.s32 $0xC8000;
	s4 =	ssub.s32 $0x1000, s2  }
0x7: {  	s14 =	simm.s32 $0x0;
	s9 =	simm.s32 $0x0;
	s30 =	sand.u32 $0xF80, s4  }
0x8: {  	s10 =	simm.s32 $0x0;
	s11 =	simm.s32 $0x0;
	p0 =	sne.s32 s30, $0x0  }
.Ltmp0:
0x9: {  	s7 =	sshrl.u32 s4, $0xC;
	s5 =	simm.s32 @!p0 $0x0;
	(pc) =	sbr.rel .LBB1_1-.Ltmp0, $4  }
0xa: {  	s13 =	simm.s32 $0x0;
	s1 =	rddreg [dreg:$0x2];
	s5 =	sadd.s32 s5, s7  }
0xb: {  	_ =	strace $0x8000004A;
	s4 =	simm.s32 $0x1;
	s5 =	smul.u32 $0xC8, s5  }
0xc: {  	s6 =	sadd.s32 $0x20800, s6;
	s12 =	smov.u32 s2;
	[sflag:s4] =	ssyncpa.u1 $0x0  }
0xd: {  	[sflag:s31] =	ssyncpa.u1 $0x0;
	p0 =	por $0x0, $0x0;
	s7 =	sor.u32 $0x1, s5  }
.LBB1_4:
0xe: {  	s20 =	sshra.s32 s20, $0x2;
	s27 =	sshll.u32 s9, $0xC  }
0xf: {  	s21 =	sand.u32 $0x78, s10;
	s22 =	sshll.u32 s10, $0x3;
	s24 =	sshll.u32 s9, $0x7  }
0x10: {  	p1 =	sgt.s32 s9, $0xC7;
	s30 =	sshra.s32 s9, $0x1F;
	s25 =	sshra.s32 s10, $0x1F  }
0x11: {  	s19 =	sadd.s32 s20, s19;
	s20 =	sand.u32 $0xFFFF8000, s27;
	s23 =	sand.u32 $0xFFFFFC00, s22  }
0x12: {  	v5 =	vld [tilespmem:s17+$0xFFFFFFD0];
	[tilespmem:s18+$0x2040 ss:$0x81] =	vst.msk $0xffff, v4;
	s22 =	sand.u32 $0xC00, s22;
	s28 =	sand.u32 $0x380, s24;
	s31 =	sand.u32 s30, s9  }
0x13: {  	v58 =	vld [tilespmem:s17+$0xFFFFFFE0];
	[tilespmem:s18+$0x2850 ss:$0x81] =	vst.msk $0xffff, v3;
	s24 =	smov.u32 s10;
	s25 =	sand.u32 s25, s10;
	s20 =	sadd.s32 s23, s20  }
0x14: {  	v59 =	vld [tilespmem:s17+$0xFFFFFFF0];
	[tilespmem:s18+$0x3060 ss:$0x81] =	vst.msk $0xffff, v2;
	s21 =	sor.u32 s21, s22;
	s22 =	smov.u32 s9;
	s20 =	sshrl.u32 s20, $0xC  }
0x15: {  	v60 =	vld [tilespmem:s17+$0x0];
	[tilespmem:s18+$0x0 ss:$0x81] =	vst.msk $0xffff, v1;
	s22 =	simm.s32 @!p1 $0xC7;
	p1 =	sgt.s32 s10, $0xF80;
	s29 =	smulhi.u32 $0x147AE15, s20  }
0x16: {  	v61 =	vld [tilespmem:s17+$0x10];
	[tilespmem:s19+$0x3870 ss:$0x81] =	vst.msk $0xffff, v0;
	s21 =	sor.u32 s28, s21;
	s18 =	ssub.s32 s22, s31;
	s24 =	simm.s32 @!p1 $0xF80  }
0x17: {  	v62 =	vld [tilespmem:s17+$0x20];
	[tilespmem:s19+$0x810 ss:$0x81] =	vst.msk $0xffff, v5;
	s22 =	ssub.s32 s24, s25;
	s26 =	ssub.s32 $0xC8, s18;
	s23 =	smul.u32 $0xC8, s29  }
0x18: {  	v63 =	vld [tilespmem:s17+$0xFFFFFFC0];
	[tilespmem:s19+$0x1020 ss:$0x81] =	vst.msk $0xffff, v58;
	s27 =	sadd.s32 $0xFFFFFF39, s18;
	s18 =	smul.u32 $0x64, s26;
	s28 =	sadd.s32 $0xFFFFF080, s22  }
0x19: {  	[tilespmem:s19+$0x1830 ss:$0x81] =	vst.msk $0xffff, v59;
	p1 =	sgt.s32 s27, $0x0;
	s17 =	ssub.s32 $0x1000, s22;
	p2 =	sgt.s32 s28, $0x7F  }
0x1a: {  	s30 =	sand.u32 $0x7, s10;
	[tilespmem:s19+$0x2040 ss:$0x81] =	vst.msk $0xffff, v60;
	s18 =	simm.s32 @p1 $0x0;
	s17 =	simm.s32 @p2 $0x0  }
0x1b: {  	[tilespmem:s19+$0x2850 ss:$0x81] =	vst.msk $0xffff, v61;
	s29 =	sshrl.u32 s21, $0x3;
	s20 =	ssub.s32 s20, s23;
	s17 =	smul.u32 s17, s18  }
0x1c: {  	[tilespmem:s19+$0x3060 ss:$0x81] =	vst.msk $0xffff, v62;
	s21 =	sshll.u32 s30, $0x12;
	s20 =	sshll.u32 s20, $0x9;
	s18 =	sadd.s32 s3, s29  }
0x1d: {  	[tilespmem:s19+$0x0 ss:$0x81] =	vst.msk $0xffff, v63;
	s31 =	sor.u32 $0x80, s21;
	s18 =	sadd.s32 s20, s18;
	s17 =	sand.u32 $0x3FFFFFFC, s17  }
0x1e: {  	[hbm4b:s18+s31] =	stream.strided.scatter [tilespmem:s16], [sflag:$0x2], s17, s8, s31, $0x20;
	[tilespmem:$0x10100] =	vst v63  }
.LBB1_5:
0x1f: {  	p1 =	slt.u32 s13, $0x2  }
0x20: {  	s17 =	smov.u32 s15;
	p2 =	sgt.s32 @!p1 s15, $0xC7;
	s16 =	sshra.s32 @!p1 s15, $0x1F  }
0x21: {  	p3 =	sgt.s32 @!p1 s14, $0xF80;
	s18 =	sshra.s32 @!p1 s14, $0x1F;
	p2 =	por !p2, p1  }
0x22: {  	s15 =	sand.u32 @!p1 s16, s15;
	p3 =	por !p3, p1;
	s16 =	smov.u32 s14  }
0x23: {  	s14 =	sand.u32 @!p1 s18, s14;
	s17 =	simm.s32 @p2 $0xC7;
	s16 =	simm.s32 @p3 $0xF80  }
0x24: {  	s18 =	smov.u32 s12;
	s15 =	ssub.s32 @!p1 s17, s15;
	s14 =	ssub.s32 @!p1 s16, s14  }
0x25: {  	s16 =	sadd.s32 @!p1 $0xFFFFFF39, s15;
	s15 =	ssub.s32 @!p1 $0xC8, s15;
	s17 =	sadd.s32 @!p1 $0xFFFFF080, s14  }
0x26: {  	p2 =	sgt.s32 @!p1 s16, $0x0;
	s15 =	smul.u32 @!p1 $0x64, s15;
	p3 =	sgt.s32 @!p1 s17, $0x7F  }
0x27: {  	s14 =	ssub.s32 @!p1 $0x1000, s14;
	p2 =	por !p2, p1;
	p3 =	por !p3, p1  }
0x28: {  	s16 =	sadd.s32 $0x1, s11;
	s15 =	simm.s32 @!p2 $0x0;
	s14 =	simm.s32 @!p3 $0x0  }
0x29: {  	p2 =	sgt.s32 s16, $0xC7;
	s14 =	smul.u32 @!p1 s14, s15;
	s15 =	sadd.s32 $0x1000, s12  }
0x2a: {  	s18 =	smov.u32 @p2 s15  }
0x2b: {  	s16 =	simm.s32 @p2 $0x0;
	p2 =	sgt.s32 s18, $0xFFF  }
0x2c: {  	s18 =	smov.u32 @p2 s2;
	p2 =	sne.s32 s13, s7  }
.Ltmp1:
0x2d: {  	p0 =	por !p0, !p0;
	s17 =	simm.s32 @!p1 $0x2;
	(pc) =	sbr.rel @!p2 .LBB1_6-.Ltmp1, $4  }
0x2e: {  	s15 =	smov.u32 s9;
	s9 =	smov.u32 s11;
	s14 =	sand.u32 @!p1 $0x3FFFFFFC, s14  }
0x2f: {  	s11 =	smov.u32 s16;
	_ =	swait.ge @!p1 [sflag:s17], s14;
	s19 =	ssub.s32 @!p1 $0x0, s14  }
0x30: {  	s14 =	smov.u32 s10;
	s13 =	sadd.s32 $0x1, s13;
	[sflag:s17] =	ssyncset.done @!p1 $0x0  }
0x31: {  	s10 =	smov.u32 s12;
	s12 =	smov.u32 s18;
	[sflag:s17] =	ssyncadd.s32 @!p1 s19  }
.LBB1_1:
0x32: {  	p1 =	sge.u32 s13, s5  }
0x33: {  	s16 =	sand.u32 @!p1 $0x1FFFFFF, s11  }
0x34: {  	s17 =	smulhi.u32 @!p1 $0x147AE15, s16;
	_ =	sdelay $0x1  }
0x35: {  	s17 =	smul.u32 @!p1 $0xC8, s17  }
0x36: {  	s18 =	sxor.u32 @!p1 $0xFFFFFFFF, s13;
	s19 =	smul.u32 @!p1 $0xC80, s12  }
0x37: {  	s31 =	sadd.s32 $0xFFFFFFFF, s13;
	s18 =	sshll.u32 @!p1 s18, $0xE;
	s16 =	ssub.s32 @!p1 s16, s17  }
0x38: {  	s17 =	sand.u32 @!p1 $0x4000, s18;
	s18 =	sadd.s32 @!p1 s6, s19;
	s16 =	sshll.u32 @!p1 s16, $0x4  }
0x39: {  	s19 =	simm.s32 @!p1 $0x6400;
	s16 =	sadd.s32 @!p1 s16, s18;
	s18 =	simm.s32 @!p1 $0x80  }
0x3a: {  	[tilespmem:s17], [sflag:$0x1] =	stream.strided.gather @!p1 [hbm4b:s16+s18], $0x4000, s19, s18, $0x38;
	[tilespmem:$0x10100] =	vst v63  }
0x3b: {  	p1 =	sge.u32 s31, s5  }
.Ltmp2:
0x3c: {  	_ = 	snop;
	(pc) =	sbr.rel @p1 .LBB1_5-.Ltmp2, $1  }
0x3d: {  	_ =	sdelay $0x3  }
0x3e: {  	s16 =	simm.s32 $0x1  }
0x3f: {  	_ =	swait.ge [sflag:s4], $0x4000;
	s16 =	simm.s32 @!p0 $0x0  }
0x40: {  	[sflag:s4] =	ssyncset.done $0x0;
	s17 =	sshll.u32 s16, $0xE  }
0x41: {  	[sflag:s4] =	ssyncadd.s32 $0xFFFFC000;
	s17 =	sor.u32 $0x40, s17  }
0x42: {  	s16 =	smul.u32 $0x10200, s16;
	v0 =	vld [tilespmem:s17+$0x30]  }
0x43: {  	v1 =	vld [tilespmem:s17+$0xFFFFFFD0]  }
0x44: {  	s16 =	sshrl.u32 s16, $0x2;
	v5 =	vld [tilespmem:s17+$0xFFFFFFE0]  }
0x45: {  	v6 =	vld [tilespmem:s17+$0xFFFFFFF0];
	s19 =	sor.u32 $0x8000, s16  }
0x46: {  	s31 =	sand.u32 $0x1, s13;
	v4 =	vld [tilespmem:s17+$0x0];
	s18 =	sadd.s32 $0x0, s19  }
0x47: {  	v3 =	vld [tilespmem:s17+$0x10];
	s16 =	smul.u32 $0x10200, s31;
	[tilespmem:s18+$0x3870 ss:$0x81] =	vst.msk $0xffff, v0  }
0x48: {  	v2 =	vld [tilespmem:s17+$0x20];
	[tilespmem:s18+$0x810 ss:$0x81] =	vst.msk $0xffff, v1  }
0x49: {  	s16 =	sshrl.u32 s16, $0x2;
	v1 =	vld [tilespmem:s17+$0xFFFFFFC0];
	[tilespmem:s18+$0x1020 ss:$0x81] =	vst.msk $0xffff, v5;
	s17 =	sadd.s32 $0x80, s17  }
0x4a: {  	s20 =	simm.s32 $0x4;
	s21 =	simm.s32 $0x8;
	s16 =	sor.u32 $0x8000, s16;
	[tilespmem:s18+$0x1830 ss:$0x81] =	vst.msk $0xffff, v6;
	v0 =	vld [tilespmem:s17+$0x30]  }
.LBB1_3:
0x4b: {  	p1 =	sne.s32 s21, $0x1FC;
	v5 =	vld [tilespmem:s17+$0xFFFFFFD0];
	[tilespmem:s18+$0x2040 ss:$0x81] =	vst.msk $0xffff, v4  }
0x4c: {  	v6 =	vld [tilespmem:s17+$0xFFFFFFE0];
	[tilespmem:s18+$0x2850 ss:$0x81] =	vst.msk $0xffff, v3  }
0x4d: {  	s22 =	sshra.s32 s20, $0x2;
	s20 =	smov.u32 s21;
	v7 =	vld [tilespmem:s17+$0xFFFFFFF0];
	[tilespmem:s18+$0x3060 ss:$0x81] =	vst.msk $0xffff, v2  }
.Ltmp3:
0x4e: {  	v4 =	vld [tilespmem:s17+$0x0];
	[tilespmem:s18+$0x0 ss:$0x81] =	vst.msk $0xffff, v1;
	s18 =	sadd.s32 s22, s19;
	(pc) =	sbr.rel @p1 .LBB1_3-.Ltmp3, $4  }
0x4f: {  	v3 =	vld [tilespmem:s17+$0x10];
	[tilespmem:s18+$0x3870 ss:$0x81] =	vst.msk $0xffff, v0  }
0x50: {  	[tilespmem:s18+$0x810 ss:$0x81] =	vst.msk $0xffff, v5;
	v2 =	vld [tilespmem:s17+$0x20]  }
0x51: {  	v1 =	vld [tilespmem:s17+$0xFFFFFFC0];
	[tilespmem:s18+$0x1020 ss:$0x81] =	vst.msk $0xffff, v6;
	s17 =	sadd.s32 $0x80, s17  }
0x52: {  	s21 =	sadd.s32 $0x4, s21;
	v0 =	vld [tilespmem:s17+$0x30];
	[tilespmem:s18+$0x1830 ss:$0x81] =	vst.msk $0xffff, v7  }
.Ltmp4:
0x53: {  	_ = 	snop;
	(pc) =	sbr.rel .LBB1_4-.Ltmp4, $1  }
0x54: {  	_ =	sdelay $0x3  }
.LBB1_6:
0x55: {  	_ =	sfence.sel $0x180000  }
0x56: {  	s2 =	simm.s32 $0x1;
	[bflag:$0x0] =	sbarrier.arrive $0xFFFF  }
0x57: {  	s31 =	simm.s32 $0x2;
	[sflag:s2] =	ssyncpa.u1 $0x1  }
0x58: {  	[sflag:s31] =	ssyncpa.u1 $0x1  }
0x59: {  	p0 =	sne.s32 s0, $0x0;
	_ =	strace $0x9000004A  }
0x5a: {  	s0 =	sadd.s32 @!p0 $0x100000, s1;
	[bflag:$0x2] =	sbarrier.arrive $0xFFFF  }
0x5b: {  	[sflag:s0] =	ssyncadd.tile.s32 @!p0 $0x1;
	_ =	shalt  }
.Lfunc_end1:
_tile_overlayer_lowered:
.L_overlay_start_2:
0x5c: {  	(tag) =	ssettag $0x2  }
0x5d: {  	s0 =	rddreg [dreg:$0x0];
	s2 =	stileid.u32  }
0x5e: {  	s1 =	rddreg [dreg:$0x1];
	p0 =	sne.s32 s2, $0x0  }
0x5f: {  	s3 =	rddreg [dreg:$0x2];
	[bflag:$0x3] =	sbarrier.arrive $0xFFFF;
	s2 =	simm.s32 @!p0 $0x1C01  }
0x60: {  	[timem:s3], [sflag:s2] =	dma.local @!p0 [hbm:s0], s1  }
0x61: {  	s0 =	simm.s32 @!p0 $0x1  }
0x62: {  	_ =	swait.ge @!p0 [sflag:s0], s1  }
0x63: {  	s1 =	ssub.s32 @!p0 $0x0, s1;
	[sflag:s0] =	ssyncset.done @!p0 $0x0  }
0x64: {  	[sflag:s0] =	ssyncadd.s32 @!p0 s1  }
0x65: {  	[bflag:$0x3] =	sbarrier.arrive $0xFFFF  }
0x66: {  	_ =	shalt  }

</sc_bundles>
